<compile_context>
chip_gen: v7x
topology: tpu7x:2x2x1
jax: 0.10.2.dev20260603
libtpu: 0.0.44.dev20260713+nightly
codegen_flags: <defaults>
</compile_context>

<pallas_src>
import functools

import jax
import jax.numpy as jnp
from jax.experimental import pallas as pl
from jax.experimental.pallas import tpu as pltpu
from jax.experimental.pallas import tpu_sc as plsc

N = 2048
B = 4
K = 20
RT = 256
NT = N // RT
CP = 128
EPS = 1e-5
SLOPE = 0.2

_dot = functools.partial(
    jax.lax.dot_general,
    preferred_element_type=jnp.float32,
)


def _bdot_t(a, b):
    return _dot(a.astype(jnp.bfloat16), b.astype(jnp.bfloat16),
                (((1,), (1,)), ((), ())))


def _lrelu(x):
    return jnp.where(x >= 0, x, SLOPE * x)



def _knn_body(xt_ref, xf_ref, idx_ref, pd_ref):
    b = pl.program_id(0)
    xt = xt_ref[...]
    xf = xf_ref[...]
    inner = _bdot_t(xt, xf)
    xx_t = jnp.sum(xt * xt, axis=1, keepdims=True)
    xx_f = jnp.sum(xf * xf, axis=1)[None, :]
    pd_ref[...] = (2.0 * inner - xx_t) - xx_f

    def rows8(s, carry):
        p = pd_ref[pl.ds(s * 8, 8), :]
        iota = jax.lax.broadcasted_iota(jnp.int32, (8, N), 1)
        iota_k = jax.lax.broadcasted_iota(jnp.int32, (8, K), 1)
        acc = jnp.zeros((8, K), jnp.int32)
        for t in range(K):
            m = jnp.max(p, axis=1, keepdims=True)
            cand = jnp.where(p == m, iota, N)
            a = jnp.min(cand, axis=1, keepdims=True)
            acc = jnp.where(iota_k == t, a, acc)
            p = jnp.where(iota == a, float("-inf"), p)
        idx_ref[pl.ds(s * 8, 8), :] = acc + b * N
        return carry

    jax.lax.fori_loop(0, RT // 8, rows8, 0)


def _knn(xt):
    return pl.pallas_call(
        _knn_body,
        grid=(B, NT),
        in_specs=[
            pl.BlockSpec((None, RT, CP), lambda b, n: (b, n, 0)),
            pl.BlockSpec((None, N, CP), lambda b, n: (b, 0, 0)),
        ],
        out_specs=pl.BlockSpec((None, RT, K), lambda b, n: (b, n, 0)),
        out_shape=jax.ShapeDtypeStruct((B, N, K), jnp.int32),
        scratch_shapes=[pltpu.VMEM((RT, N), jnp.float32)],
    )(xt, xt)



_GW = 128


def _sc_gather(table, flat_idx):
    e = flat_idx.shape[0]
    idx2 = flat_idx.reshape(1, e)
    mesh = plsc.VectorSubcoreMesh(core_axis_name="core",
                                  subcore_axis_name="subcore")

    @functools.partial(
        pl.kernel,
        out_type=jax.ShapeDtypeStruct((e, table.shape[1]), table.dtype),
        mesh=mesh,
    )
    def gather_kernel(x_hbm, i_hbm, o_hbm):
        def body(i_vmem, o_vmem):
            pltpu.sync_copy(x_hbm.at[i_vmem.at[0]], o_vmem)

        pltpu.emit_pipeline(
            body,
            grid=(e // _GW,),
            in_specs=[pl.BlockSpec((1, _GW), index_map=lambda i: (0, i))],
            out_specs=[pl.BlockSpec((_GW, table.shape[1]),
                                    index_map=lambda i: (i, 0))],
            core_axis_name="subcore",
            dimension_semantics=(pltpu.PARALLEL,),
        )(i_hbm, o_hbm)

    return gather_kernel(table, idx2)



def _edge_feat(gg_ref, x_ref):
    fj = gg_ref[...]
    fi = x_ref[...]
    d = (fj - fi).astype(jnp.bfloat16)
    return jnp.concatenate([d, fi.astype(jnp.bfloat16)], axis=1)


def _estats_body(gg_ref, x_ref, w1_ref, s_ref, q_ref):
    first = ((pl.program_id(0) == 0) & (pl.program_id(1) == 0)
             & (pl.program_id(2) == 0))

    @pl.when(first)
    def _():
        s_ref[...] = jnp.zeros_like(s_ref)
        q_ref[...] = jnp.zeros_like(q_ref)

    e = _edge_feat(gg_ref, x_ref)
    y = _dot(e, w1_ref[...], (((1,), (1,)), ((), ())))
    s_ref[...] += jnp.sum(y, axis=0, keepdims=True)
    q_ref[...] += jnp.sum(y * y, axis=0, keepdims=True)


def _edge_stats(gg, xt, w1p):
    return pl.pallas_call(
        _estats_body,
        grid=(B, K, NT),
        in_specs=[
            pl.BlockSpec((None, None, RT, CP), lambda b, k, n: (b, k, n, 0)),
            pl.BlockSpec((None, RT, CP), lambda b, k, n: (b, n, 0)),
            pl.BlockSpec((64, 2 * CP), lambda b, k, n: (0, 0)),
        ],
        out_specs=[
            pl.BlockSpec((1, 64), lambda b, k, n: (0, 0)),
            pl.BlockSpec((1, 64), lambda b, k, n: (0, 0)),
        ],
        out_shape=[
            jax.ShapeDtypeStruct((1, 64), jnp.float32),
            jax.ShapeDtypeStruct((1, 64), jnp.float32),
        ],
    )(gg, xt, w1p)


def _econv2_body(gg_ref, x_ref, w1_ref, bm_ref, bd_ref, bg_ref, bb_ref,
                 w2_ref, m_ref, s_ref, q_ref):
    k = pl.program_id(2)
    first = ((pl.program_id(0) == 0) & (pl.program_id(1) == 0) & (k == 0))

    @pl.when(first)
    def _():
        s_ref[...] = jnp.zeros_like(s_ref)
        q_ref[...] = jnp.zeros_like(q_ref)

    e = _edge_feat(gg_ref, x_ref)
    y1 = _dot(e, w1_ref[...], (((1,), (1,)), ((), ())))
    z = _lrelu(bg_ref[...] * (y1 - bm_ref[...]) / bd_ref[...] + bb_ref[...])
    y2 = _bdot_t(z, w2_ref[...])
    s_ref[...] += jnp.sum(y2, axis=0, keepdims=True)
    q_ref[...] += jnp.sum(y2 * y2, axis=0, keepdims=True)

    @pl.when(k == 0)
    def _():
        m_ref[...] = y2

    @pl.when(k != 0)
    def _():
        m_ref[...] = jnp.maximum(m_ref[...], y2)


def _edge_conv2_max(gg, xt, w1p, bn1, w2):
    return pl.pallas_call(
        _econv2_body,
        grid=(B, NT, K),
        in_specs=[
            pl.BlockSpec((None, None, RT, CP), lambda b, n, k: (b, k, n, 0)),
            pl.BlockSpec((None, RT, CP), lambda b, n, k: (b, n, 0)),
            pl.BlockSpec((64, 2 * CP), lambda b, n, k: (0, 0)),
            pl.BlockSpec((1, 64), lambda b, n, k: (0, 0)),
            pl.BlockSpec((1, 64), lambda b, n, k: (0, 0)),
            pl.BlockSpec((1, 64), lambda b, n, k: (0, 0)),
            pl.BlockSpec((1, 64), lambda b, n, k: (0, 0)),
            pl.BlockSpec((64, 64), lambda b, n, k: (0, 0)),
        ],
        out_specs=[
            pl.BlockSpec((None, RT, 64), lambda b, n, k: (b, n, 0)),
            pl.BlockSpec((1, 64), lambda b, n, k: (0, 0)),
            pl.BlockSpec((1, 64), lambda b, n, k: (0, 0)),
        ],
        out_shape=[
            jax.ShapeDtypeStruct((B, N, 64), jnp.float32),
            jax.ShapeDtypeStruct((1, 64), jnp.float32),
            jax.ShapeDtypeStruct((1, 64), jnp.float32),
        ],
    )(gg, xt, w1p, *bn1, w2)


def _emax1_body(gg_ref, x_ref, w1_ref, m_ref, s_ref, q_ref):
    k = pl.program_id(2)
    first = ((pl.program_id(0) == 0) & (pl.program_id(1) == 0) & (k == 0))

    @pl.when(first)
    def _():
        s_ref[...] = jnp.zeros_like(s_ref)
        q_ref[...] = jnp.zeros_like(q_ref)

    e = _edge_feat(gg_ref, x_ref)
    y = _dot(e, w1_ref[...], (((1,), (1,)), ((), ())))
    s_ref[...] += jnp.sum(y, axis=0, keepdims=True)
    q_ref[...] += jnp.sum(y * y, axis=0, keepdims=True)

    @pl.when(k == 0)
    def _():
        m_ref[...] = y

    @pl.when(k != 0)
    def _():
        m_ref[...] = jnp.maximum(m_ref[...], y)


def _edge_max1(gg, xt, w1p):
    return pl.pallas_call(
        _emax1_body,
        grid=(B, NT, K),
        in_specs=[
            pl.BlockSpec((None, None, RT, CP), lambda b, n, k: (b, k, n, 0)),
            pl.BlockSpec((None, RT, CP), lambda b, n, k: (b, n, 0)),
            pl.BlockSpec((64, 2 * CP), lambda b, n, k: (0, 0)),
        ],
        out_specs=[
            pl.BlockSpec((None, RT, 64), lambda b, n, k: (b, n, 0)),
            pl.BlockSpec((1, 64), lambda b, n, k: (0, 0)),
            pl.BlockSpec((1, 64), lambda b, n, k: (0, 0)),
        ],
        out_shape=[
            jax.ShapeDtypeStruct((B, N, 64), jnp.float32),
            jax.ShapeDtypeStruct((1, 64), jnp.float32),
            jax.ShapeDtypeStruct((1, 64), jnp.float32),
        ],
    )(gg, xt, w1p)



def _act_body(x_ref, bm_ref, bd_ref, bg_ref, bb_ref, o_ref):
    z = bg_ref[...] * (x_ref[...] - bm_ref[...]) / bd_ref[...] + bb_ref[...]
    o_ref[:, 0:64] = _lrelu(z)
    o_ref[:, 64:CP] = jnp.zeros((RT, CP - 64), jnp.float32)


def _act(x, bn):
    flat = x.reshape(B * N, 64)
    out = pl.pallas_call(
        _act_body,
        grid=(B * N // RT,),
        in_specs=[
            pl.BlockSpec((RT, 64), lambda i: (i, 0)),
            pl.BlockSpec((1, 64), lambda i: (0, 0)),
            pl.BlockSpec((1, 64), lambda i: (0, 0)),
            pl.BlockSpec((1, 64), lambda i: (0, 0)),
            pl.BlockSpec((1, 64), lambda i: (0, 0)),
        ],
        out_specs=pl.BlockSpec((RT, CP), lambda i: (i, 0)),
        out_shape=jax.ShapeDtypeStruct((B * N, CP), jnp.float32),
    )(flat, *bn)
    return out.reshape(B, N, CP)



def _c6_body(x1_ref, x2_ref, x3_ref, wa_ref, wb_ref, wc_ref,
             mx_ref, s_ref, q_ref):
    n = pl.program_id(1)
    first = (pl.program_id(0) == 0) & (n == 0)

    @pl.when(first)
    def _():
        s_ref[...] = jnp.zeros_like(s_ref)
        q_ref[...] = jnp.zeros_like(q_ref)

    z = (_bdot_t(x1_ref[:, 0:64], wa_ref[...])
         + _bdot_t(x2_ref[:, 0:64], wb_ref[...])
         + _bdot_t(x3_ref[:, 0:64], wc_ref[...]))
    s_ref[...] += jnp.sum(z, axis=0, keepdims=True)
    q_ref[...] += jnp.sum(z * z, axis=0, keepdims=True)
    zmax = jnp.max(z, axis=0, keepdims=True)

    @pl.when(n == 0)
    def _():
        mx_ref[...] = zmax

    @pl.when(n != 0)
    def _():
        mx_ref[...] = jnp.maximum(mx_ref[...], zmax)


def _conv6(x1, x2, x3, w6a, w6b, w6c):
    return pl.pallas_call(
        _c6_body,
        grid=(B, NT),
        in_specs=[
            pl.BlockSpec((None, RT, CP), lambda b, n: (b, n, 0)),
            pl.BlockSpec((None, RT, CP), lambda b, n: (b, n, 0)),
            pl.BlockSpec((None, RT, CP), lambda b, n: (b, n, 0)),
            pl.BlockSpec((1024, 64), lambda b, n: (0, 0)),
            pl.BlockSpec((1024, 64), lambda b, n: (0, 0)),
            pl.BlockSpec((1024, 64), lambda b, n: (0, 0)),
        ],
        out_specs=[
            pl.BlockSpec((None, 1, 1024), lambda b, n: (b, 0, 0)),
            pl.BlockSpec((1, 1024), lambda b, n: (0, 0)),
            pl.BlockSpec((1, 1024), lambda b, n: (0, 0)),
        ],
        out_shape=[
            jax.ShapeDtypeStruct((B, 1, 1024), jnp.float32),
            jax.ShapeDtypeStruct((1, 1024), jnp.float32),
            jax.ShapeDtypeStruct((1, 1024), jnp.float32),
        ],
    )(x1, x2, x3, w6a, w6b, w6c)


def _c7_body(x1_ref, x2_ref, x3_ref, mx_ref, sc6_ref, sh6_ref,
             wg_ref, wa_ref, wb_ref, wc_ref, z_ref, s_ref, q_ref):
    n = pl.program_id(1)
    first = (pl.program_id(0) == 0) & (n == 0)

    @pl.when(first)
    def _():
        s_ref[...] = jnp.zeros_like(s_ref)
        q_ref[...] = jnp.zeros_like(q_ref)

    g = _lrelu(mx_ref[...] * sc6_ref[...] + sh6_ref[...])
    gb = _bdot_t(g, wg_ref[...])
    z = (_bdot_t(x1_ref[:, 0:64], wa_ref[...])
         + _bdot_t(x2_ref[:, 0:64], wb_ref[...])
         + _bdot_t(x3_ref[:, 0:64], wc_ref[...]) + gb)
    z_ref[...] = z
    s_ref[...] += jnp.sum(z, axis=0, keepdims=True)
    q_ref[...] += jnp.sum(z * z, axis=0, keepdims=True)


def _conv7(x1, x2, x3, mx6, sc6, sh6, w7g, w7a, w7b, w7c):
    return pl.pallas_call(
        _c7_body,
        grid=(B, NT),
        in_specs=[
            pl.BlockSpec((None, RT, CP), lambda b, n: (b, n, 0)),
            pl.BlockSpec((None, RT, CP), lambda b, n: (b, n, 0)),
            pl.BlockSpec((None, RT, CP), lambda b, n: (b, n, 0)),
            pl.BlockSpec((None, 1, 1024), lambda b, n: (b, 0, 0)),
            pl.BlockSpec((1, 1024), lambda b, n: (0, 0)),
            pl.BlockSpec((1, 1024), lambda b, n: (0, 0)),
            pl.BlockSpec((768, 1024), lambda b, n: (0, 0)),
            pl.BlockSpec((768, 64), lambda b, n: (0, 0)),
            pl.BlockSpec((768, 64), lambda b, n: (0, 0)),
            pl.BlockSpec((768, 64), lambda b, n: (0, 0)),
        ],
        out_specs=[
            pl.BlockSpec((None, RT, 768), lambda b, n: (b, n, 0)),
            pl.BlockSpec((1, 768), lambda b, n: (0, 0)),
            pl.BlockSpec((1, 768), lambda b, n: (0, 0)),
        ],
        out_shape=[
            jax.ShapeDtypeStruct((B, N, 768), jnp.float32),
            jax.ShapeDtypeStruct((1, 768), jnp.float32),
            jax.ShapeDtypeStruct((1, 768), jnp.float32),
        ],
    )(x1, x2, x3, mx6, sc6, sh6, w7g, w7a, w7b, w7c)


def _out_body(z_ref, sc_ref, sh_ref, o_ref):
    a = _lrelu(z_ref[...] * sc_ref[...] + sh_ref[...])
    o_ref[...] = a.T


def _out_act_t(z7, sc7, sh7):
    return pl.pallas_call(
        _out_body,
        grid=(B, NT),
        in_specs=[
            pl.BlockSpec((None, RT, 768), lambda b, n: (b, n, 0)),
            pl.BlockSpec((1, 768), lambda b, n: (0, 0)),
            pl.BlockSpec((1, 768), lambda b, n: (0, 0)),
        ],
        out_specs=pl.BlockSpec((None, 768, RT), lambda b, n: (b, 0, n)),
        out_shape=jax.ShapeDtypeStruct((B, 768, N), jnp.float32),
    )(z7, sc7, sh7)



def _bn_params(s, q, count, g, bbias):
    m = s[0] / count
    v = q[0] / count - m * m
    den = jnp.sqrt(v + EPS)
    return (m[None, :], den[None, :], g[None, :], bbias[None, :])


def _bn_scale_shift(s, q, count, g, bbias):
    m = s[0] / count
    v = q[0] / count - m * m
    sc = g / jnp.sqrt(v + EPS)
    sh = bbias - m * sc
    return sc[None, :], sh[None, :]


def _pad_edge_w(w):
    c = w.shape[1] // 2
    out = jnp.zeros((64, 2 * CP), jnp.float32)
    out = out.at[:, 0:c].set(w[:, :c])
    out = out.at[:, CP:CP + c].set(w[:, c:])
    return out.astype(jnp.bfloat16)


def _flat_kmajor(idx):
    return jnp.transpose(idx, (0, 2, 1)).reshape(-1)


def _edge_stage(xt, w1, g1, b1, w2=None, g2=None, b2=None):
    idx = _knn(xt)
    gg = _sc_gather(xt.reshape(B * N, CP), _flat_kmajor(idx))
    gg = gg.reshape(B, K, N, CP)
    w1p = _pad_edge_w(w1)
    if w2 is None:
        m, s, q = _edge_max1(gg, xt, w1p)
        return _act(m, _bn_params(s, q, B * N * K, g1, b1))
    s1, q1 = _edge_stats(gg, xt, w1p)
    bn1 = _bn_params(s1, q1, B * N * K, g1, b1)
    m, s2, q2 = _edge_conv2_max(gg, xt, w1p, bn1, w2)
    return _act(m, _bn_params(s2, q2, B * N * K, g2, b2))


def kernel(x, params):
    p = params

    xt3 = jnp.transpose(x, (0, 2, 1))
    xt3 = xt3.astype(jnp.bfloat16).astype(jnp.float32)
    x0 = jnp.pad(xt3, ((0, 0), (0, 0), (0, CP - 3)))

    x1 = _edge_stage(x0, p["c1_w"], p["bn1_g"], p["bn1_b"],
                     p["c2_w"], p["bn2_g"], p["bn2_b"])
    x2 = _edge_stage(x1, p["c3_w"], p["bn3_g"], p["bn3_b"],
                     p["c4_w"], p["bn4_g"], p["bn4_b"])
    x3 = _edge_stage(x2, p["c5_w"], p["bn5_g"], p["bn5_b"])

    w6 = p["c6_w"]
    mx6, s6, q6 = _conv6(x1, x2, x3,
                         w6[:, 0:64], w6[:, 64:128], w6[:, 128:192])
    sc6, sh6 = _bn_scale_shift(s6, q6, B * N, p["bn6_g"], p["bn6_b"])

    w7 = p["c7_w"]
    z7, s7, q7 = _conv7(x1, x2, x3, mx6, sc6, sh6,
                        w7[:, 0:1024], w7[:, 1024:1088],
                        w7[:, 1088:1152], w7[:, 1152:1216])
    sc7, sh7 = _bn_scale_shift(s7, q7, B * N, p["bn7_g"], p["bn7_b"])

    return _out_act_t(z7, sc7, sh7)

# --- scband reference (transcript-rebuilt; emitter-appended) ---
"""Pipeline reference for scband-dgcnn-32246614458598 (READ-ONLY COPY).

The authoritative reference and input builder live on the scoring server;
editing this copy changes nothing except your own understanding.
"""

import jax, jax.numpy as jnp
import numpy as np

K = 20

def lrelu(x):
    return jax.nn.leaky_relu(x, 0.2)

def bn(x, g, b):
    axes = (0,) + tuple(range(2, x.ndim))
    m = jnp.mean(x, axis=axes, keepdims=True)
    v = jnp.var(x, axis=axes, keepdims=True)
    sh = (1, -1) + (1,) * (x.ndim - 2)
    return g.reshape(sh) * (x - m) / jnp.sqrt(v + 1e-5) + b.reshape(sh)

def conv(x, w):
    if x.ndim == 4:
        return jnp.einsum('oc,bcnk->bonk', w, x)
    return jnp.einsum('oc,bcn->bon', w, x)

def knn(x, k):
    inner = -2.0 * jnp.einsum('bcn,bcm->bnm', x, x)
    xx = jnp.sum(x * x, axis=1, keepdims=True)
    pd = -xx - inner - jnp.transpose(xx, (0, 2, 1))
    return jax.lax.top_k(pd, k)[1]

def get_graph_feature(x, k):
    B, C, N = x.shape
    idx = knn(x, k)
    idx = idx + (jnp.arange(B) * N)[:, None, None]
    xt = jnp.transpose(x, (0, 2, 1))
    flat = xt.reshape(B * N, C)
    feat = jnp.take(flat, idx.reshape(-1), axis=0).reshape(B, N, k, C)
    xe = jnp.broadcast_to(xt[:, :, None, :], (B, N, k, C))
    feat = jnp.concatenate([feat - xe, xe], axis=3)
    return jnp.transpose(feat, (0, 3, 1, 2))

def transform_net(x, p):
    B = x.shape[0]
    x = lrelu(bn(conv(x, p['t_c1_w']), p['t_bn1_g'], p['t_bn1_b']))
    x = lrelu(bn(conv(x, p['t_c2_w']), p['t_bn2_g'], p['t_bn2_b']))
    x = jnp.max(x, axis=-1)
    x = lrelu(bn(conv(x, p['t_c3_w']), p['t_bn3a_g'], p['t_bn3a_b']))
    x = jnp.max(x, axis=-1)
    x = lrelu(bn(x @ p['t_l1_w'].T, p['t_bn3_g'], p['t_bn3_b']))
    x = lrelu(bn(x @ p['t_l2_w'].T, p['t_bn4_g'], p['t_bn4_b']))
    x = x @ p['t_tr_w'].T + p['t_tr_b']
    return x.reshape(B, 3, 3)

def forward(x, params):
    B, _, N = x.shape
    x0 = get_graph_feature(x, K)
    t = transform_net(x0, params)
    x = jnp.einsum('bnc,bcd->bnd', jnp.transpose(x, (0, 2, 1)), t)
    x = jnp.transpose(x, (0, 2, 1))
    x = get_graph_feature(x, K)
    x = lrelu(bn(conv(x, params['c1_w']), params['bn1_g'], params['bn1_b']))
    x = lrelu(bn(conv(x, params['c2_w']), params['bn2_g'], params['bn2_b']))
    x1 = jnp.max(x, axis=-1)
    x = get_graph_feature(x1, K)
    x = lrelu(bn(conv(x, params['c3_w']), params['bn3_g'], params['bn3_b']))
    x = lrelu(bn(conv(x, params['c4_w']), params['bn4_g'], params['bn4_b']))
    x2 = jnp.max(x, axis=-1)
    x = get_graph_feature(x2, K)
    x = lrelu(bn(conv(x, params['c5_w']), params['bn5_g'], params['bn5_b']))
    x3 = jnp.max(x, axis=-1)
    x = jnp.concatenate([x1, x2, x3], axis=1)
    x = lrelu(bn(conv(x, params['c6_w']), params['bn6_g'], params['bn6_b']))
    g = jnp.max(x, axis=-1, keepdims=True)
    x = jnp.broadcast_to(g, (B, g.shape[1], N))
    x = jnp.concatenate([x, x1, x2, x3], axis=1)
    x = lrelu(bn(conv(x, params['c7_w']), params['bn7_g'], params['bn7_b']))
    return x

def setup_inputs(seed: int = 0):
    key = jax.random.key(seed)
    ks = jax.random.split(key, 16)
    f32 = jnp.float32
    def w(k, o, c):
        return jax.random.normal(k, (o, c), dtype=f32) * 0.1
    p = {}
    def add_bn(name, c):
        p[name + '_g'] = jnp.ones((c,), f32)
        p[name + '_b'] = jnp.zeros((c,), f32)
    p['t_c1_w'] = w(ks[0], 64, 6); add_bn('t_bn1', 64)
    p['t_c2_w'] = w(ks[1], 128, 64); add_bn('t_bn2', 128)
    p['t_c3_w'] = w(ks[2], 1024, 128); add_bn('t_bn3a', 1024)
    p['t_l1_w'] = w(ks[3], 512, 1024); add_bn('t_bn3', 512)
    p['t_l2_w'] = w(ks[4], 256, 512); add_bn('t_bn4', 256)
    p['t_tr_w'] = jnp.zeros((9, 256), f32)
    p['t_tr_b'] = jnp.eye(3, dtype=f32).reshape(-1)
    p['c1_w'] = w(ks[5], 64, 6); add_bn('bn1', 64)
    p['c2_w'] = w(ks[6], 64, 64); add_bn('bn2', 64)
    p['c3_w'] = w(ks[7], 64, 128); add_bn('bn3', 64)
    p['c4_w'] = w(ks[8], 64, 64); add_bn('bn4', 64)
    p['c5_w'] = w(ks[9], 64, 128); add_bn('bn5', 64)
    p['c6_w'] = w(ks[10], 1024, 192); add_bn('bn6', 1024)
    p['c7_w'] = w(ks[11], 768, 1216); add_bn('bn7', 768)
    x = jax.random.normal(ks[12], (4, 3, 2048), dtype=f32)
    return {'x': x, 'params': p}

def reference(x, params):
    return forward(x, params)

if __name__ == "__main__":
    import jax
    _d = setup_inputs()
    print(jax.jit(kernel)(*tuple(_d.values())))

</pallas_src>

<mosaic_0001>
#map = affine_map<(d0, d1) -> (0, 0)>
module attributes {stable_mosaic.version = 14 : i64} {
  func.func @gather_kernel(%arg0: i32, %arg1: i32, %arg2: memref<8192x128xf32, #tpu.memory_space<hbm>>, %arg3: memref<1x163840xi32, #tpu.memory_space<hbm>>, %arg4: memref<163840x128xf32, #tpu.memory_space<hbm>>) attributes {dimension_semantics = [#tpu.dimension_semantics<core_parallel>, #tpu.dimension_semantics<subcore_parallel>], iteration_bounds = array<i64: 2, 16>, scalar_prefetch = 0 : i64, scratch_operands = 0 : i64, tpu.core_type = #tpu.core_type<sc_vector_subcore>, window_params = [{transform_indices = #map}, {transform_indices = #map}, {transform_indices = #map}]} {
    %mul3A = arith.constant 80 : i32
    %mul3A_0 = arith.muli %arg1, %mul3A : i32
    "tpu.region"() ({
      %run_scoped3A = memref.alloca() : memref<2x1x128xi32, #tpu.memory_space<vmem>>
      %run_scoped3A_1 = tpu.sem_alloc : memref<2x!tpu.dma_semaphore, #tpu.memory_space<semaphore_mem>>
      %run_scoped3A_2 = memref.alloca() : memref<2x128x128xf32, #tpu.memory_space<vmem>>
      %run_scoped3A_3 = tpu.sem_alloc : memref<2x!tpu.dma_semaphore, #tpu.memory_space<semaphore_mem>>
      %add3A = arith.constant 0 : i32
      %add3A_4 = arith.addi %add3A, %mul3A_0 : i32
      %select_n3A = arith.constant true
      %select_n3A_5 = arith.constant 0 : i32
      %select_n3A_6 = arith.constant -1 : i32
      %select_n3A_7 = arith.select %select_n3A, %select_n3A_6, %select_n3A_5 : i32
      %eq3A = arith.constant -1 : i32
      %eq3A_8 = arith.cmpi eq, %select_n3A_7, %eq3A : i32
      %select_n3A_9 = arith.constant 79 : i32
      %select_n3A_10 = arith.select %eq3A_8, %select_n3A_9, %select_n3A_7 : i32
      %add3A_11 = arith.addi %select_n3A_10, %mul3A_0 : i32
      %select_n3A_12 = arith.constant true
      %select_n3A_13 = arith.constant 0 : i32
      %select_n3A_14 = arith.constant 1 : i32
      %select_n3A_15 = arith.select %select_n3A_12, %select_n3A_14, %select_n3A_13 : i32
      %eq3A_16 = arith.constant 80 : i32
      %eq3A_17 = arith.cmpi eq, %select_n3A_15, %eq3A_16 : i32
      %select_n3A_18 = arith.constant 0 : i32
      %select_n3A_19 = arith.select %eq3A_17, %select_n3A_18, %select_n3A_15 : i32
      %add3A_20 = arith.addi %select_n3A_19, %mul3A_0 : i32
      %add3A_21 = arith.constant 1 : i32
      %add3A_22 = arith.addi %select_n3A_19, %add3A_21 : i32
      %select_n3A_23 = arith.constant true
      %select_n3A_24 = arith.select %select_n3A_23, %add3A_22, %select_n3A_19 : i32
      %eq3A_25 = arith.constant 80 : i32
      %eq3A_26 = arith.cmpi eq, %select_n3A_24, %eq3A_25 : i32
      %select_n3A_27 = arith.constant 0 : i32
      %select_n3A_28 = arith.select %eq3A_26, %select_n3A_27, %select_n3A_24 : i32
      %add3A_29 = arith.addi %select_n3A_28, %mul3A_0 : i32
      "tpu.trace_start"() <{level = 10 : i32, message = "ep_initialize_0"}> : () -> ()
      %rem3A = arith.constant 0 : i32
      %rem3A_30 = arith.constant 2 : i32
      %rem3A_31 = arith.remui %rem3A, %rem3A_30 : i32
      %mul3A_32 = arith.constant 128 : i32
      %mul3A_33 = arith.muli %mul3A_32, %add3A_4 : i32
      %dma_start3A = arith.constant 0 : i32
      %dma_start3A_34 = arith.constant 0 : i32
      %dma_start3A_35 = tpu.memref_slice %run_scoped3A[%rem3A_31, %dma_start3A, %dma_start3A_34] : memref<2x1x128xi32, #tpu.memory_space<vmem>> -> memref<1x1x128xi32, #tpu.memory_space<vmem>>
      %dma_start3A_36 = tpu.memref_squeeze %dma_start3A_35 : memref<1x1x128xi32, #tpu.memory_space<vmem>> -> memref<1x128xi32, #tpu.memory_space<vmem>>
      %dma_start3A_37 = arith.constant 0 : i32
      %dma_start3A_38 = tpu.memref_slice %arg3[%dma_start3A_37, %mul3A_33] : memref<1x163840xi32, #tpu.memory_space<hbm>> -> memref<1x128xi32, #tpu.memory_space<hbm>>
      %dma_start3A_39 = tpu.memref_slice %run_scoped3A_1[%rem3A_31] : memref<2x!tpu.dma_semaphore, #tpu.memory_space<semaphore_mem>> -> memref<1x!tpu.dma_semaphore, #tpu.memory_space<semaphore_mem>>
      %dma_start3A_40 = tpu.memref_squeeze %dma_start3A_39 : memref<1x!tpu.dma_semaphore, #tpu.memory_space<semaphore_mem>> -> memref<!tpu.dma_semaphore, #tpu.memory_space<semaphore_mem>>
      %dma_start3A_41 = arith.constant 0 : i32
      %dma_start3A_42 = arith.constant 0 : i32
      %dma_start3A_43 = tpu.memref_slice %run_scoped3A[%rem3A_31, %dma_start3A_41, %dma_start3A_42] : memref<2x1x128xi32, #tpu.memory_space<vmem>> -> memref<1x1x128xi32, #tpu.memory_space<vmem>>
      %dma_start3A_44 = tpu.memref_squeeze %dma_start3A_43 : memref<1x1x128xi32, #tpu.memory_space<vmem>> -> memref<1x128xi32, #tpu.memory_space<vmem>>
      %dma_start3A_45 = arith.constant 0 : i32
      %dma_start3A_46 = tpu.memref_slice %arg3[%dma_start3A_45, %mul3A_33] : memref<1x163840xi32, #tpu.memory_space<hbm>> -> memref<1x128xi32, #tpu.memory_space<hbm>>
      tpu.enqueue_dma source(%dma_start3A_46 : memref<1x128xi32, #tpu.memory_space<hbm>>) target(%dma_start3A_44 : memref<1x128xi32, #tpu.memory_space<vmem>>) target_semaphore(%dma_start3A_40 : memref<!tpu.dma_semaphore, #tpu.memory_space<semaphore_mem>>)
      %add3A_47 = arith.constant 0 : i32
      %add3A_48 = arith.constant 1 : i32
      %add3A_49 = arith.addi %add3A_47, %add3A_48 : i32
      %select_n3A_50 = arith.constant true
      %select_n3A_51 = arith.constant 0 : i32
      %select_n3A_52 = arith.select %select_n3A_50, %add3A_49, %select_n3A_51 : i32
      "tpu.trace_stop"() : () -> ()
      %scan3A = arith.constant 0 : i32
      %scan3A_53 = arith.constant 0 : i32
      %scan3A_54 = arith.constant 0 : i32
      %scan3A_55 = arith.constant 0 : i32
      %scan3A_56 = arith.constant 0 : i32
      %scan3A_57 = arith.constant 80 : i32
      %scan3A_58 = arith.addi %scan3A_56, %scan3A_57 : i32
      %scan3A_59 = arith.constant 1 : i32
      %scan3A_60:5 = scf.for %scan3A_114 = %scan3A_56 to %scan3A_58 step %scan3A_59 iter_args(%scan3A_115 = %select_n3A_52, %scan3A_116 = %scan3A, %scan3A_117 = %scan3A_53, %scan3A_118 = %scan3A_54, %scan3A_119 = %scan3A_55) -> (i32, i32, i32, i32, i32)  : i32 {
        %eq3A_120 = arith.constant 0 : i32
        %eq3A_121 = arith.cmpi eq, %scan3A_114, %eq3A_120 : i32
        %eq3A_122 = arith.constant 79 : i32
        %eq3A_123 = arith.cmpi eq, %scan3A_114, %eq3A_122 : i32
        %add3A_124 = arith.addi %scan3A_119, %mul3A_0 : i32
        %sub3A_125 = arith.constant 1 : i32
        %sub3A_126 = arith.subi %scan3A_119, %sub3A_125 : i32
        %select_n3A_127 = arith.constant true
        %select_n3A_128 = arith.select %select_n3A_127, %sub3A_126, %scan3A_119 : i32
        %eq3A_129 = arith.constant -1 : i32
        %eq3A_130 = arith.cmpi eq, %select_n3A_128, %eq3A_129 : i32
        %select_n3A_131 = arith.constant 79 : i32
        %select_n3A_132 = arith.select %eq3A_130, %select_n3A_131, %select_n3A_128 : i32
        %add3A_133 = arith.addi %select_n3A_132, %mul3A_0 : i32
        %add3A_134 = arith.constant 1 : i32
        %add3A_135 = arith.addi %scan3A_119, %add3A_134 : i32
        %select_n3A_136 = arith.constant true
        %select_n3A_137 = arith.select %select_n3A_136, %add3A_135, %scan3A_119 : i32
        %eq3A_138 = arith.constant 80 : i32
        %eq3A_139 = arith.cmpi eq, %select_n3A_137, %eq3A_138 : i32
        %select_n3A_140 = arith.constant 0 : i32
        %select_n3A_141 = arith.select %eq3A_139, %select_n3A_140, %select_n3A_137 : i32
        %add3A_142 = arith.addi %select_n3A_141, %mul3A_0 : i32
        %add3A_143 = arith.constant 1 : i32
        %add3A_144 = arith.addi %select_n3A_141, %add3A_143 : i32
        %select_n3A_145 = arith.constant true
        %select_n3A_146 = arith.select %select_n3A_145, %add3A_144, %select_n3A_141 : i32
        %eq3A_147 = arith.constant 80 : i32
        %eq3A_148 = arith.cmpi eq, %select_n3A_146, %eq3A_147 : i32
        %select_n3A_149 = arith.constant 0 : i32
        %select_n3A_150 = arith.select %eq3A_148, %select_n3A_149, %select_n3A_146 : i32
        %add3A_151 = arith.addi %select_n3A_150, %mul3A_0 : i32
        %ne3A = arith.cmpi ne, %add3A_124, %add3A_142 : i32
        %or3A = arith.constant false
        %or3A_152 = arith.ori %or3A, %ne3A : i1
        %ge3A = arith.constant 79 : i32
        %ge3A_153 = arith.cmpi sge, %scan3A_114, %ge3A : i32
        %not3A = arith.constant true
        %not3A_154 = arith.xori %ge3A_153, %not3A : i1
        %and3A = arith.andi %or3A_152, %not3A_154 : i1
        %convert_element_type3A = arith.extui %and3A : i1 to i32
        %cond3A = arith.constant 0 : i32
        %cond3A_155 = arith.cmpi ne, %convert_element_type3A, %cond3A : i32
        scf.if %cond3A_155 {
          "tpu.trace_start"() <{level = 10 : i32, message = "ep_copy_in"}> : () -> ()
          %rem3A_257 = arith.constant 2 : i32
          %rem3A_258 = arith.remui %scan3A_115, %rem3A_257 : i32
          %mul3A_259 = arith.constant 128 : i32
          %mul3A_260 = arith.muli %mul3A_259, %add3A_142 : i32
          %dma_start3A_261 = arith.constant 0 : i32
          %dma_start3A_262 = arith.constant 0 : i32
          %dma_start3A_263 = tpu.memref_slice %run_scoped3A[%rem3A_258, %dma_start3A_261, %dma_start3A_262] : memref<2x1x128xi32, #tpu.memory_space<vmem>> -> memref<1x1x128xi32, #tpu.memory_space<vmem>>
          %dma_start3A_264 = tpu.memref_squeeze %dma_start3A_263 : memref<1x1x128xi32, #tpu.memory_space<vmem>> -> memref<1x128xi32, #tpu.memory_space<vmem>>
          %dma_start3A_265 = arith.constant 0 : i32
          %dma_start3A_266 = tpu.memref_slice %arg3[%dma_start3A_265, %mul3A_260] : memref<1x163840xi32, #tpu.memory_space<hbm>> -> memref<1x128xi32, #tpu.memory_space<hbm>>
          %dma_start3A_267 = tpu.memref_slice %run_scoped3A_1[%rem3A_258] : memref<2x!tpu.dma_semaphore, #tpu.memory_space<semaphore_mem>> -> memref<1x!tpu.dma_semaphore, #tpu.memory_space<semaphore_mem>>
          %dma_start3A_268 = tpu.memref_squeeze %dma_start3A_267 : memref<1x!tpu.dma_semaphore, #tpu.memory_space<semaphore_mem>> -> memref<!tpu.dma_semaphore, #tpu.memory_space<semaphore_mem>>
          %dma_start3A_269 = arith.constant 0 : i32
          %dma_start3A_270 = arith.constant 0 : i32
          %dma_start3A_271 = tpu.memref_slice %run_scoped3A[%rem3A_258, %dma_start3A_269, %dma_start3A_270] : memref<2x1x128xi32, #tpu.memory_space<vmem>> -> memref<1x1x128xi32, #tpu.memory_space<vmem>>
          %dma_start3A_272 = tpu.memref_squeeze %dma_start3A_271 : memref<1x1x128xi32, #tpu.memory_space<vmem>> -> memref<1x128xi32, #tpu.memory_space<vmem>>
          %dma_start3A_273 = arith.constant 0 : i32
          %dma_start3A_274 = tpu.memref_slice %arg3[%dma_start3A_273, %mul3A_260] : memref<1x163840xi32, #tpu.memory_space<hbm>> -> memref<1x128xi32, #tpu.memory_space<hbm>>
          tpu.enqueue_dma source(%dma_start3A_274 : memref<1x128xi32, #tpu.memory_space<hbm>>) target(%dma_start3A_272 : memref<1x128xi32, #tpu.memory_space<vmem>>) target_semaphore(%dma_start3A_268 : memref<!tpu.dma_semaphore, #tpu.memory_space<semaphore_mem>>)
          "tpu.trace_stop"() : () -> ()
        } else {
        }
        %and3A_156 = arith.constant true
        %and3A_157 = arith.andi %and3A, %and3A_156 : i1
        %add3A_158 = arith.constant 1 : i32
        %add3A_159 = arith.addi %scan3A_115, %add3A_158 : i32
        %select_n3A_160 = arith.select %and3A_157, %add3A_159, %scan3A_115 : i32
        %ne3A_161 = arith.cmpi ne, %add3A_124, %add3A_142 : i32
        %or3A_162 = arith.constant false
        %or3A_163 = arith.ori %or3A_162, %ne3A_161 : i1
        %or3A_164 = arith.constant false
        %or3A_165 = arith.ori %or3A_163, %or3A_164 : i1
        %ge3A_166 = arith.constant 79 : i32
        %ge3A_167 = arith.cmpi sge, %scan3A_114, %ge3A_166 : i32
        %not3A_168 = arith.constant true
        %not3A_169 = arith.xori %ge3A_167, %not3A_168 : i1
        %and3A_170 = arith.andi %or3A_165, %not3A_169 : i1
        %ne3A_171 = arith.cmpi ne, %add3A_124, %add3A_133 : i32
        %or3A_172 = arith.constant false
        %or3A_173 = arith.ori %or3A_172, %ne3A_171 : i1
        %or3A_174 = arith.ori %or3A_173, %eq3A_121 : i1
        %convert_element_type3A_175 = arith.extui %or3A_174 : i1 to i32
        %cond3A_176 = arith.constant 0 : i32
        %cond3A_177 = arith.cmpi ne, %convert_element_type3A_175, %cond3A_176 : i32
        scf.if %cond3A_177 {
          "tpu.trace_start"() <{level = 10 : i32, message = "ep_wait_in"}> : () -> ()
          %mul3A_257 = arith.constant 128 : i32
          %mul3A_258 = arith.muli %mul3A_257, %add3A_124 : i32
          %rem3A_259 = arith.constant 2 : i32
          %rem3A_260 = arith.remui %scan3A_116, %rem3A_259 : i32
          %dma_wait3A_261 = arith.constant 0 : i32
          %dma_wait3A_262 = arith.constant 0 : i32
          %dma_wait3A_263 = tpu.memref_slice %run_scoped3A[%rem3A_260, %dma_wait3A_261, %dma_wait3A_262] : memref<2x1x128xi32, #tpu.memory_space<vmem>> -> memref<1x1x128xi32, #tpu.memory_space<vmem>>
          %dma_wait3A_264 = tpu.memref_squeeze %dma_wait3A_263 : memref<1x1x128xi32, #tpu.memory_space<vmem>> -> memref<1x128xi32, #tpu.memory_space<vmem>>
          %dma_wait3A_265 = arith.constant 0 : i32
          %dma_wait3A_266 = tpu.memref_slice %arg3[%dma_wait3A_265, %mul3A_258] : memref<1x163840xi32, #tpu.memory_space<hbm>> -> memref<1x128xi32, #tpu.memory_space<hbm>>
          %dma_wait3A_267 = tpu.memref_slice %run_scoped3A_1[%rem3A_260] : memref<2x!tpu.dma_semaphore, #tpu.memory_space<semaphore_mem>> -> memref<1x!tpu.dma_semaphore, #tpu.memory_space<semaphore_mem>>
          %dma_wait3A_268 = tpu.memref_squeeze %dma_wait3A_267 : memref<1x!tpu.dma_semaphore, #tpu.memory_space<semaphore_mem>> -> memref<!tpu.dma_semaphore, #tpu.memory_space<semaphore_mem>>
          %dma_wait3A_269 = arith.constant 0 : i32
          %dma_wait3A_270 = arith.constant 0 : i32
          %dma_wait3A_271 = tpu.memref_slice %run_scoped3A[%rem3A_260, %dma_wait3A_269, %dma_wait3A_270] : memref<2x1x128xi32, #tpu.memory_space<vmem>> -> memref<1x1x128xi32, #tpu.memory_space<vmem>>
          %dma_wait3A_272 = tpu.memref_squeeze %dma_wait3A_271 : memref<1x1x128xi32, #tpu.memory_space<vmem>> -> memref<1x128xi32, #tpu.memory_space<vmem>>
          %dma_wait3A_273 = arith.constant 0 : i32
          %dma_wait3A_274 = tpu.memref_slice %arg3[%dma_wait3A_273, %mul3A_258] : memref<1x163840xi32, #tpu.memory_space<hbm>> -> memref<1x128xi32, #tpu.memory_space<hbm>>
          tpu.wait_dma2 semaphore(%dma_wait3A_268 : memref<!tpu.dma_semaphore, #tpu.memory_space<semaphore_mem>>) src(%dma_wait3A_274 : memref<1x128xi32, #tpu.memory_space<hbm>>) dst(%dma_wait3A_272 : memref<1x128xi32, #tpu.memory_space<vmem>>)
          "tpu.trace_stop"() : () -> ()
        } else {
        }
        %ne3A_178 = arith.cmpi ne, %add3A_124, %add3A_133 : i32
        %or3A_179 = arith.constant false
        %or3A_180 = arith.ori %or3A_179, %ne3A_178 : i1
        %or3A_181 = arith.constant false
        %or3A_182 = arith.ori %or3A_180, %or3A_181 : i1
        %or3A_183 = arith.ori %or3A_182, %eq3A_121 : i1
        %convert_element_type3A_184 = arith.extui %or3A_183 : i1 to i32
        %cond3A_185 = arith.constant 0 : i32
        %cond3A_186 = arith.cmpi ne, %convert_element_type3A_184, %cond3A_185 : i32
        scf.if %cond3A_186 {
        } else {
        }
        %rem3A_187 = arith.constant 2 : i32
        %rem3A_188 = arith.remui %scan3A_116, %rem3A_187 : i32
        %rem3A_189 = arith.constant 2 : i32
        %rem3A_190 = arith.remui %scan3A_117, %rem3A_189 : i32
        %run_scoped3A_191 = arith.constant 0 : i32
        "tpu.trace_start"() <{level = 10 : i32, message = "ep_run_kernel"}> : () -> ()
        "tpu.region"() ({
          %run_scoped3A_257 = tpu.sem_alloc : memref<!tpu.dma_semaphore, #tpu.memory_space<semaphore_mem>>
          %dma_start3A_258 = arith.constant 0 : i32
          %dma_start3A_259 = arith.constant 0 : i32
          %dma_start3A_260 = tpu.memref_slice %run_scoped3A_2[%rem3A_190, %dma_start3A_258, %dma_start3A_259] : memref<2x128x128xf32, #tpu.memory_space<vmem>> -> memref<1x128x128xf32, #tpu.memory_space<vmem>>
          %dma_start3A_261 = tpu.memref_squeeze %dma_start3A_260 : memref<1x128x128xf32, #tpu.memory_space<vmem>> -> memref<128x128xf32, #tpu.memory_space<vmem>>
          %dma_start3A_262 = arith.constant 0 : i32
          %dma_start3A_263 = arith.constant 0 : i32
          %dma_start3A_264 = tpu.memref_slice %run_scoped3A[%rem3A_188, %dma_start3A_262, %dma_start3A_263] : memref<2x1x128xi32, #tpu.memory_space<vmem>> -> memref<1x1x128xi32, #tpu.memory_space<vmem>>
          %dma_start3A_265 = tpu.memref_squeeze %dma_start3A_264 : memref<1x1x128xi32, #tpu.memory_space<vmem>> -> memref<1x128xi32, #tpu.memory_space<vmem>>
          %dma_start3A_266 = arith.constant 0 : i32
          %dma_start3A_267 = tpu.memref_slice %dma_start3A_265[%run_scoped3A_191, %dma_start3A_266] : memref<1x128xi32, #tpu.memory_space<vmem>> -> memref<1x128xi32, #tpu.memory_space<vmem>>
          %dma_start3A_268 = tpu.memref_squeeze %dma_start3A_267 : memref<1x128xi32, #tpu.memory_space<vmem>> -> memref<128xi32, #tpu.memory_space<vmem>>
          %dma_start3A_269 = arith.constant 0 : i32
          %dma_start3A_270 = arith.constant 0 : i32
          %dma_start3A_271 = tpu.memref_slice %arg2[%dma_start3A_269, %dma_start3A_270] : memref<8192x128xf32, #tpu.memory_space<hbm>> -> memref<8192x128xf32, #tpu.memory_space<hbm>>
          tpu.enqueue_indirect_dma source(%dma_start3A_271 : memref<8192x128xf32, #tpu.memory_space<hbm>>) target(%dma_start3A_261 : memref<128x128xf32, #tpu.memory_space<vmem>>) offsets(%dma_start3A_268 : memref<128xi32, #tpu.memory_space<vmem>>) semaphore(%run_scoped3A_257 : memref<!tpu.dma_semaphore, #tpu.memory_space<semaphore_mem>>)
          %dma_wait3A_272 = arith.constant 0 : i32
          %dma_wait3A_273 = arith.constant 0 : i32
          %dma_wait3A_274 = tpu.memref_slice %run_scoped3A_2[%rem3A_190, %dma_wait3A_272, %dma_wait3A_273] : memref<2x128x128xf32, #tpu.memory_space<vmem>> -> memref<1x128x128xf32, #tpu.memory_space<vmem>>
          %dma_wait3A_275 = tpu.memref_squeeze %dma_wait3A_274 : memref<1x128x128xf32, #tpu.memory_space<vmem>> -> memref<128x128xf32, #tpu.memory_space<vmem>>
          %dma_wait3A_276 = arith.constant 0 : i32
          %dma_wait3A_277 = arith.constant 0 : i32
          %dma_wait3A_278 = tpu.memref_slice %run_scoped3A[%rem3A_188, %dma_wait3A_276, %dma_wait3A_277] : memref<2x1x128xi32, #tpu.memory_space<vmem>> -> memref<1x1x128xi32, #tpu.memory_space<vmem>>
          %dma_wait3A_279 = tpu.memref_squeeze %dma_wait3A_278 : memref<1x1x128xi32, #tpu.memory_space<vmem>> -> memref<1x128xi32, #tpu.memory_space<vmem>>
          %dma_wait3A_280 = arith.constant 0 : i32
          %dma_wait3A_281 = tpu.memref_slice %dma_wait3A_279[%run_scoped3A_191, %dma_wait3A_280] : memref<1x128xi32, #tpu.memory_space<vmem>> -> memref<1x128xi32, #tpu.memory_space<vmem>>
          %dma_wait3A_282 = tpu.memref_squeeze %dma_wait3A_281 : memref<1x128xi32, #tpu.memory_space<vmem>> -> memref<128xi32, #tpu.memory_space<vmem>>
          %dma_wait3A_283 = arith.constant 0 : i32
          %dma_wait3A_284 = arith.constant 0 : i32
          %dma_wait3A_285 = tpu.memref_slice %arg2[%dma_wait3A_283, %dma_wait3A_284] : memref<8192x128xf32, #tpu.memory_space<hbm>> -> memref<8192x128xf32, #tpu.memory_space<hbm>>
          tpu.wait_indirect_dma semaphore(%run_scoped3A_257 : memref<!tpu.dma_semaphore, #tpu.memory_space<semaphore_mem>>) src(%dma_wait3A_285 : memref<8192x128xf32, #tpu.memory_space<hbm>>) dst(%dma_wait3A_275 : memref<128x128xf32, #tpu.memory_space<vmem>>)
          tpu.yield
        }) : () -> ()
        "tpu.trace_stop"() : () -> ()
        %ne3A_192 = arith.cmpi ne, %add3A_124, %add3A_142 : i32
        %or3A_193 = arith.constant false
        %or3A_194 = arith.ori %or3A_193, %ne3A_192 : i1
        %or3A_195 = arith.ori %or3A_194, %eq3A_123 : i1
        %convert_element_type3A_196 = arith.extui %or3A_195 : i1 to i32
        %cond3A_197 = arith.constant 0 : i32
        %cond3A_198 = arith.cmpi ne, %convert_element_type3A_196, %cond3A_197 : i32
        scf.if %cond3A_198 {
        } else {
        }
        %and3A_199 = arith.constant false
        %and3A_200 = arith.andi %or3A_195, %and3A_199 : i1
        %ne3A_201 = arith.cmpi ne, %add3A_124, %add3A_142 : i32
        %or3A_202 = arith.constant false
        %or3A_203 = arith.ori %or3A_202, %ne3A_201 : i1
        %or3A_204 = arith.constant false
        %or3A_205 = arith.ori %or3A_203, %or3A_204 : i1
        %or3A_206 = arith.ori %or3A_205, %eq3A_123 : i1
        %convert_element_type3A_207 = arith.extui %or3A_206 : i1 to i32
        %cond3A_208 = arith.constant 0 : i32
        %cond3A_209 = arith.cmpi ne, %convert_element_type3A_207, %cond3A_208 : i32
        scf.if %cond3A_209 {
          "tpu.trace_start"() <{level = 10 : i32, message = "ep_copy_out"}> : () -> ()
          %rem3A_257 = arith.constant 2 : i32
          %rem3A_258 = arith.remui %scan3A_117, %rem3A_257 : i32
          %mul3A_259 = arith.constant 128 : i32
          %mul3A_260 = arith.muli %mul3A_259, %add3A_124 : i32
          %dma_start3A_261 = arith.constant 0 : i32
          %dma_start3A_262 = arith.constant 0 : i32
          %dma_start3A_263 = tpu.memref_slice %run_scoped3A_2[%rem3A_258, %dma_start3A_261, %dma_start3A_262] : memref<2x128x128xf32, #tpu.memory_space<vmem>> -> memref<1x128x128xf32, #tpu.memory_space<vmem>>
          %dma_start3A_264 = tpu.memref_squeeze %dma_start3A_263 : memref<1x128x128xf32, #tpu.memory_space<vmem>> -> memref<128x128xf32, #tpu.memory_space<vmem>>
          %dma_start3A_265 = arith.constant 0 : i32
          %dma_start3A_266 = tpu.memref_slice %arg4[%mul3A_260, %dma_start3A_265] : memref<163840x128xf32, #tpu.memory_space<hbm>> -> memref<128x128xf32, #tpu.memory_space<hbm>>
          %dma_start3A_267 = tpu.memref_slice %run_scoped3A_3[%rem3A_258] : memref<2x!tpu.dma_semaphore, #tpu.memory_space<semaphore_mem>> -> memref<1x!tpu.dma_semaphore, #tpu.memory_space<semaphore_mem>>
          %dma_start3A_268 = tpu.memref_squeeze %dma_start3A_267 : memref<1x!tpu.dma_semaphore, #tpu.memory_space<semaphore_mem>> -> memref<!tpu.dma_semaphore, #tpu.memory_space<semaphore_mem>>
          %dma_start3A_269 = arith.constant 0 : i32
          %dma_start3A_270 = tpu.memref_slice %arg4[%mul3A_260, %dma_start3A_269] : memref<163840x128xf32, #tpu.memory_space<hbm>> -> memref<128x128xf32, #tpu.memory_space<hbm>>
          %dma_start3A_271 = arith.constant 0 : i32
          %dma_start3A_272 = arith.constant 0 : i32
          %dma_start3A_273 = tpu.memref_slice %run_scoped3A_2[%rem3A_258, %dma_start3A_271, %dma_start3A_272] : memref<2x128x128xf32, #tpu.memory_space<vmem>> -> memref<1x128x128xf32, #tpu.memory_space<vmem>>
          %dma_start3A_274 = tpu.memref_squeeze %dma_start3A_273 : memref<1x128x128xf32, #tpu.memory_space<vmem>> -> memref<128x128xf32, #tpu.memory_space<vmem>>
          tpu.enqueue_dma source(%dma_start3A_274 : memref<128x128xf32, #tpu.memory_space<vmem>>) target(%dma_start3A_270 : memref<128x128xf32, #tpu.memory_space<hbm>>) target_semaphore(%dma_start3A_268 : memref<!tpu.dma_semaphore, #tpu.memory_space<semaphore_mem>>)
          "tpu.trace_stop"() : () -> ()
        } else {
        }
        %and3A_210 = arith.constant true
        %and3A_211 = arith.andi %or3A_206, %and3A_210 : i1
        %add3A_212 = arith.constant 1 : i32
        %add3A_213 = arith.addi %scan3A_117, %add3A_212 : i32
        %select_n3A_214 = arith.select %and3A_211, %add3A_213, %scan3A_117 : i32
        %ne3A_215 = arith.cmpi ne, %add3A_124, %add3A_133 : i32
        %or3A_216 = arith.constant false
        %or3A_217 = arith.ori %or3A_216, %ne3A_215 : i1
        %not3A_218 = arith.constant true
        %not3A_219 = arith.xori %eq3A_121, %not3A_218 : i1
        %and3A_220 = arith.andi %or3A_217, %not3A_219 : i1
        %convert_element_type3A_221 = arith.extui %and3A_220 : i1 to i32
        %cond3A_222 = arith.constant 0 : i32
        %cond3A_223 = arith.cmpi ne, %convert_element_type3A_221, %cond3A_222 : i32
        scf.if %cond3A_223 {
        } else {
        }
        %and3A_224 = arith.constant false
        %and3A_225 = arith.andi %and3A_220, %and3A_224 : i1
        %ne3A_226 = arith.cmpi ne, %add3A_124, %add3A_133 : i32
        %or3A_227 = arith.constant false
        %or3A_228 = arith.ori %or3A_227, %ne3A_226 : i1
        %or3A_229 = arith.constant false
        %or3A_230 = arith.ori %or3A_228, %or3A_229 : i1
        %not3A_231 = arith.constant true
        %not3A_232 = arith.xori %eq3A_121, %not3A_231 : i1
        %and3A_233 = arith.andi %or3A_230, %not3A_232 : i1
        %convert_element_type3A_234 = arith.extui %and3A_233 : i1 to i32
        %cond3A_235 = arith.constant 0 : i32
        %cond3A_236 = arith.cmpi ne, %convert_element_type3A_234, %cond3A_235 : i32
        scf.if %cond3A_236 {
          "tpu.trace_start"() <{level = 10 : i32, message = "ep_wait_out"}> : () -> ()
          %rem3A_257 = arith.constant 2 : i32
          %rem3A_258 = arith.remui %scan3A_118, %rem3A_257 : i32
          %mul3A_259 = arith.constant 128 : i32
          %mul3A_260 = arith.muli %mul3A_259, %add3A_133 : i32
          %dma_wait3A_261 = arith.constant 0 : i32
          %dma_wait3A_262 = arith.constant 0 : i32
          %dma_wait3A_263 = tpu.memref_slice %run_scoped3A_2[%rem3A_258, %dma_wait3A_261, %dma_wait3A_262] : memref<2x128x128xf32, #tpu.memory_space<vmem>> -> memref<1x128x128xf32, #tpu.memory_space<vmem>>
          %dma_wait3A_264 = tpu.memref_squeeze %dma_wait3A_263 : memref<1x128x128xf32, #tpu.memory_space<vmem>> -> memref<128x128xf32, #tpu.memory_space<vmem>>
          %dma_wait3A_265 = arith.constant 0 : i32
          %dma_wait3A_266 = tpu.memref_slice %arg4[%mul3A_260, %dma_wait3A_265] : memref<163840x128xf32, #tpu.memory_space<hbm>> -> memref<128x128xf32, #tpu.memory_space<hbm>>
          %dma_wait3A_267 = tpu.memref_slice %run_scoped3A_3[%rem3A_258] : memref<2x!tpu.dma_semaphore, #tpu.memory_space<semaphore_mem>> -> memref<1x!tpu.dma_semaphore, #tpu.memory_space<semaphore_mem>>
          %dma_wait3A_268 = tpu.memref_squeeze %dma_wait3A_267 : memref<1x!tpu.dma_semaphore, #tpu.memory_space<semaphore_mem>> -> memref<!tpu.dma_semaphore, #tpu.memory_space<semaphore_mem>>
          %dma_wait3A_269 = arith.constant 0 : i32
          %dma_wait3A_270 = tpu.memref_slice %arg4[%mul3A_260, %dma_wait3A_269] : memref<163840x128xf32, #tpu.memory_space<hbm>> -> memref<128x128xf32, #tpu.memory_space<hbm>>
          %dma_wait3A_271 = arith.constant 0 : i32
          %dma_wait3A_272 = arith.constant 0 : i32
          %dma_wait3A_273 = tpu.memref_slice %run_scoped3A_2[%rem3A_258, %dma_wait3A_271, %dma_wait3A_272] : memref<2x128x128xf32, #tpu.memory_space<vmem>> -> memref<1x128x128xf32, #tpu.memory_space<vmem>>
          %dma_wait3A_274 = tpu.memref_squeeze %dma_wait3A_273 : memref<1x128x128xf32, #tpu.memory_space<vmem>> -> memref<128x128xf32, #tpu.memory_space<vmem>>
          tpu.wait_dma2 semaphore(%dma_wait3A_268 : memref<!tpu.dma_semaphore, #tpu.memory_space<semaphore_mem>>) src(%dma_wait3A_274 : memref<128x128xf32, #tpu.memory_space<vmem>>) dst(%dma_wait3A_270 : memref<128x128xf32, #tpu.memory_space<hbm>>)
          "tpu.trace_stop"() : () -> ()
        } else {
        }
        %and3A_237 = arith.constant true
        %and3A_238 = arith.andi %and3A_233, %and3A_237 : i1
        %add3A_239 = arith.constant 1 : i32
        %add3A_240 = arith.addi %scan3A_118, %add3A_239 : i32
        %select_n3A_241 = arith.select %and3A_238, %add3A_240, %scan3A_118 : i32
        %ne3A_242 = arith.cmpi ne, %add3A_124, %add3A_142 : i32
        %or3A_243 = arith.constant false
        %or3A_244 = arith.ori %or3A_243, %ne3A_242 : i1
        %or3A_245 = arith.ori %or3A_244, %eq3A_123 : i1
        %add3A_246 = arith.constant 1 : i32
        %add3A_247 = arith.addi %scan3A_116, %add3A_246 : i32
        %select_n3A_248 = arith.select %or3A_245, %add3A_247, %scan3A_116 : i32
        %add3A_249 = arith.constant 1 : i32
        %add3A_250 = arith.addi %scan3A_119, %add3A_249 : i32
        %select_n3A_251 = arith.constant true
        %select_n3A_252 = arith.select %select_n3A_251, %add3A_250, %scan3A_119 : i32
        %eq3A_253 = arith.constant 80 : i32
        %eq3A_254 = arith.cmpi eq, %select_n3A_252, %eq3A_253 : i32
        %select_n3A_255 = arith.constant 0 : i32
        %select_n3A_256 = arith.select %eq3A_254, %select_n3A_255, %select_n3A_252 : i32
        scf.yield %select_n3A_160, %select_n3A_248, %select_n3A_214, %select_n3A_241, %select_n3A_256 : i32, i32, i32, i32, i32
      }
      %scan3A_61 = arith.constant 80 : i32
      %sub3A = arith.constant 1 : i32
      %sub3A_62 = arith.subi %scan3A_60#4, %sub3A : i32
      %select_n3A_63 = arith.constant true
      %select_n3A_64 = arith.select %select_n3A_63, %sub3A_62, %scan3A_60#4 : i32
      %eq3A_65 = arith.constant -1 : i32
      %eq3A_66 = arith.cmpi eq, %select_n3A_64, %eq3A_65 : i32
      %select_n3A_67 = arith.constant 79 : i32
      %select_n3A_68 = arith.select %eq3A_66, %select_n3A_67, %select_n3A_64 : i32
      %add3A_69 = arith.addi %select_n3A_68, %mul3A_0 : i32
      %sub3A_70 = arith.constant 1 : i32
      %sub3A_71 = arith.subi %select_n3A_68, %sub3A_70 : i32
      %select_n3A_72 = arith.constant true
      %select_n3A_73 = arith.select %select_n3A_72, %sub3A_71, %select_n3A_68 : i32
      %eq3A_74 = arith.constant -1 : i32
      %eq3A_75 = arith.cmpi eq, %select_n3A_73, %eq3A_74 : i32
      %select_n3A_76 = arith.constant 79 : i32
      %select_n3A_77 = arith.select %eq3A_75, %select_n3A_76, %select_n3A_73 : i32
      %add3A_78 = arith.addi %select_n3A_77, %mul3A_0 : i32
      %add3A_79 = arith.constant 1 : i32
      %add3A_80 = arith.addi %select_n3A_68, %add3A_79 : i32
      %select_n3A_81 = arith.constant true
      %select_n3A_82 = arith.select %select_n3A_81, %add3A_80, %select_n3A_68 : i32
      %eq3A_83 = arith.constant 80 : i32
      %eq3A_84 = arith.cmpi eq, %select_n3A_82, %eq3A_83 : i32
      %select_n3A_85 = arith.constant 0 : i32
      %select_n3A_86 = arith.select %eq3A_84, %select_n3A_85, %select_n3A_82 : i32
      %add3A_87 = arith.addi %select_n3A_86, %mul3A_0 : i32
      %add3A_88 = arith.constant 1 : i32
      %add3A_89 = arith.addi %select_n3A_86, %add3A_88 : i32
      %select_n3A_90 = arith.constant true
      %select_n3A_91 = arith.select %select_n3A_90, %add3A_89, %select_n3A_86 : i32
      %eq3A_92 = arith.constant 80 : i32
      %eq3A_93 = arith.cmpi eq, %select_n3A_91, %eq3A_92 : i32
      %select_n3A_94 = arith.constant 0 : i32
      %select_n3A_95 = arith.select %eq3A_93, %select_n3A_94, %select_n3A_91 : i32
      %add3A_96 = arith.addi %select_n3A_95, %mul3A_0 : i32
      "tpu.trace_start"() <{level = 10 : i32, message = "ep_finalize"}> : () -> ()
      %rem3A_97 = arith.constant 2 : i32
      %rem3A_98 = arith.remui %scan3A_60#3, %rem3A_97 : i32
      %mul3A_99 = arith.constant 128 : i32
      %mul3A_100 = arith.muli %mul3A_99, %add3A_69 : i32
      %dma_wait3A = arith.constant 0 : i32
      %dma_wait3A_101 = arith.constant 0 : i32
      %dma_wait3A_102 = tpu.memref_slice %run_scoped3A_2[%rem3A_98, %dma_wait3A, %dma_wait3A_101] : memref<2x128x128xf32, #tpu.memory_space<vmem>> -> memref<1x128x128xf32, #tpu.memory_space<vmem>>
      %dma_wait3A_103 = tpu.memref_squeeze %dma_wait3A_102 : memref<1x128x128xf32, #tpu.memory_space<vmem>> -> memref<128x128xf32, #tpu.memory_space<vmem>>
      %dma_wait3A_104 = arith.constant 0 : i32
      %dma_wait3A_105 = tpu.memref_slice %arg4[%mul3A_100, %dma_wait3A_104] : memref<163840x128xf32, #tpu.memory_space<hbm>> -> memref<128x128xf32, #tpu.memory_space<hbm>>
      %dma_wait3A_106 = tpu.memref_slice %run_scoped3A_3[%rem3A_98] : memref<2x!tpu.dma_semaphore, #tpu.memory_space<semaphore_mem>> -> memref<1x!tpu.dma_semaphore, #tpu.memory_space<semaphore_mem>>
      %dma_wait3A_107 = tpu.memref_squeeze %dma_wait3A_106 : memref<1x!tpu.dma_semaphore, #tpu.memory_space<semaphore_mem>> -> memref<!tpu.dma_semaphore, #tpu.memory_space<semaphore_mem>>
      %dma_wait3A_108 = arith.constant 0 : i32
      %dma_wait3A_109 = tpu.memref_slice %arg4[%mul3A_100, %dma_wait3A_108] : memref<163840x128xf32, #tpu.memory_space<hbm>> -> memref<128x128xf32, #tpu.memory_space<hbm>>
      %dma_wait3A_110 = arith.constant 0 : i32
      %dma_wait3A_111 = arith.constant 0 : i32
      %dma_wait3A_112 = tpu.memref_slice %run_scoped3A_2[%rem3A_98, %dma_wait3A_110, %dma_wait3A_111] : memref<2x128x128xf32, #tpu.memory_space<vmem>> -> memref<1x128x128xf32, #tpu.memory_space<vmem>>
      %dma_wait3A_113 = tpu.memref_squeeze %dma_wait3A_112 : memref<1x128x128xf32, #tpu.memory_space<vmem>> -> memref<128x128xf32, #tpu.memory_space<vmem>>
      tpu.wait_dma2 semaphore(%dma_wait3A_107 : memref<!tpu.dma_semaphore, #tpu.memory_space<semaphore_mem>>) src(%dma_wait3A_113 : memref<128x128xf32, #tpu.memory_space<vmem>>) dst(%dma_wait3A_109 : memref<128x128xf32, #tpu.memory_space<hbm>>)
      "tpu.trace_stop"() : () -> ()
      tpu.yield
    }) : () -> ()
    return
  }
}

#map = affine_map<(d0, d1) -> (0, 0)>
module attributes {stable_mosaic.version = 14 : i64} {
  func.func @gather_kernel(%arg0: i32, %arg1: i32, %arg2: memref<8192x128xf32, #tpu.memory_space<hbm>>, %arg3: memref<1x163840xi32, #tpu.memory_space<hbm>>, %arg4: memref<163840x128xf32, #tpu.memory_space<hbm>>) attributes {dimension_semantics = [#tpu.dimension_semantics<core_parallel>, #tpu.dimension_semantics<subcore_parallel>], iteration_bounds = array<i64: 2, 16>, scalar_prefetch = 0 : i64, scratch_operands = 0 : i64, tpu.core_type = #tpu.core_type<sc_vector_subcore>, window_params = [{transform_indices = #map}, {transform_indices = #map}, {transform_indices = #map}]} {
    %mul3A = arith.constant 80 : i32
    %mul3A_0 = arith.muli %arg1, %mul3A : i32
    "tpu.region"() ({
      %run_scoped3A = memref.alloca() : memref<2x1x128xi32, #tpu.memory_space<vmem>>
      %run_scoped3A_1 = tpu.sem_alloc : memref<2x!tpu.dma_semaphore, #tpu.memory_space<semaphore_mem>>
      %run_scoped3A_2 = memref.alloca() : memref<2x128x128xf32, #tpu.memory_space<vmem>>
      %run_scoped3A_3 = tpu.sem_alloc : memref<2x!tpu.dma_semaphore, #tpu.memory_space<semaphore_mem>>
      %add3A = arith.constant 0 : i32
      %add3A_4 = arith.addi %add3A, %mul3A_0 : i32
      %select_n3A = arith.constant true
      %select_n3A_5 = arith.constant 0 : i32
      %select_n3A_6 = arith.constant -1 : i32
      %select_n3A_7 = arith.select %select_n3A, %select_n3A_6, %select_n3A_5 : i32
      %eq3A = arith.constant -1 : i32
      %eq3A_8 = arith.cmpi eq, %select_n3A_7, %eq3A : i32
      %select_n3A_9 = arith.constant 79 : i32
      %select_n3A_10 = arith.select %eq3A_8, %select_n3A_9, %select_n3A_7 : i32
      %add3A_11 = arith.addi %select_n3A_10, %mul3A_0 : i32
      %select_n3A_12 = arith.constant true
      %select_n3A_13 = arith.constant 0 : i32
      %select_n3A_14 = arith.constant 1 : i32
      %select_n3A_15 = arith.select %select_n3A_12, %select_n3A_14, %select_n3A_13 : i32
      %eq3A_16 = arith.constant 80 : i32
      %eq3A_17 = arith.cmpi eq, %select_n3A_15, %eq3A_16 : i32
      %select_n3A_18 = arith.constant 0 : i32
      %select_n3A_19 = arith.select %eq3A_17, %select_n3A_18, %select_n3A_15 : i32
      %add3A_20 = arith.addi %select_n3A_19, %mul3A_0 : i32
      %add3A_21 = arith.constant 1 : i32
      %add3A_22 = arith.addi %select_n3A_19, %add3A_21 : i32
      %select_n3A_23 = arith.constant true
      %select_n3A_24 = arith.select %select_n3A_23, %add3A_22, %select_n3A_19 : i32
      %eq3A_25 = arith.constant 80 : i32
      %eq3A_26 = arith.cmpi eq, %select_n3A_24, %eq3A_25 : i32
      %select_n3A_27 = arith.constant 0 : i32
      %select_n3A_28 = arith.select %eq3A_26, %select_n3A_27, %select_n3A_24 : i32
      %add3A_29 = arith.addi %select_n3A_28, %mul3A_0 : i32
      "tpu.trace_start"() <{level = 10 : i32, message = "ep_initialize_0"}> : () -> ()
      %rem3A = arith.constant 0 : i32
      %rem3A_30 = arith.constant 2 : i32
      %rem3A_31 = arith.remui %rem3A, %rem3A_30 : i32
      %mul3A_32 = arith.constant 128 : i32
      %mul3A_33 = arith.muli %mul3A_32, %add3A_4 : i32
      %dma_start3A = arith.constant 0 : i32
      %dma_start3A_34 = arith.constant 0 : i32
      %dma_start3A_35 = tpu.memref_slice %run_scoped3A[%rem3A_31, %dma_start3A, %dma_start3A_34] : memref<2x1x128xi32, #tpu.memory_space<vmem>> -> memref<1x1x128xi32, #tpu.memory_space<vmem>>
      %dma_start3A_36 = tpu.memref_squeeze %dma_start3A_35 : memref<1x1x128xi32, #tpu.memory_space<vmem>> -> memref<1x128xi32, #tpu.memory_space<vmem>>
      %dma_start3A_37 = arith.constant 0 : i32
      %dma_start3A_38 = tpu.memref_slice %arg3[%dma_start3A_37, %mul3A_33] : memref<1x163840xi32, #tpu.memory_space<hbm>> -> memref<1x128xi32, #tpu.memory_space<hbm>>
      %dma_start3A_39 = tpu.memref_slice %run_scoped3A_1[%rem3A_31] : memref<2x!tpu.dma_semaphore, #tpu.memory_space<semaphore_mem>> -> memref<1x!tpu.dma_semaphore, #tpu.memory_space<semaphore_mem>>
      %dma_start3A_40 = tpu.memref_squeeze %dma_start3A_39 : memref<1x!tpu.dma_semaphore, #tpu.memory_space<semaphore_mem>> -> memref<!tpu.dma_semaphore, #tpu.memory_space<semaphore_mem>>
      %dma_start3A_41 = arith.constant 0 : i32
      %dma_start3A_42 = arith.constant 0 : i32
      %dma_start3A_43 = tpu.memref_slice %run_scoped3A[%rem3A_31, %dma_start3A_41, %dma_start3A_42] : memref<2x1x128xi32, #tpu.memory_space<vmem>> -> memref<1x1x128xi32, #tpu.memory_space<vmem>>
      %dma_start3A_44 = tpu.memref_squeeze %dma_start3A_43 : memref<1x1x128xi32, #tpu.memory_space<vmem>> -> memref<1x128xi32, #tpu.memory_space<vmem>>
      %dma_start3A_45 = arith.constant 0 : i32
      %dma_start3A_46 = tpu.memref_slice %arg3[%dma_start3A_45, %mul3A_33] : memref<1x163840xi32, #tpu.memory_space<hbm>> -> memref<1x128xi32, #tpu.memory_space<hbm>>
      tpu.enqueue_dma source(%dma_start3A_46 : memref<1x128xi32, #tpu.memory_space<hbm>>) target(%dma_start3A_44 : memref<1x128xi32, #tpu.memory_space<vmem>>) target_semaphore(%dma_start3A_40 : memref<!tpu.dma_semaphore, #tpu.memory_space<semaphore_mem>>)
      %add3A_47 = arith.constant 0 : i32
      %add3A_48 = arith.constant 1 : i32
      %add3A_49 = arith.addi %add3A_47, %add3A_48 : i32
      %select_n3A_50 = arith.constant true
      %select_n3A_51 = arith.constant 0 : i32
      %select_n3A_52 = arith.select %select_n3A_50, %add3A_49, %select_n3A_51 : i32
      "tpu.trace_stop"() : () -> ()
      %scan3A = arith.constant 0 : i32
      %scan3A_53 = arith.constant 0 : i32
      %scan3A_54 = arith.constant 0 : i32
      %scan3A_55 = arith.constant 0 : i32
      %scan3A_56 = arith.constant 0 : i32
      %scan3A_57 = arith.constant 80 : i32
      %scan3A_58 = arith.addi %scan3A_56, %scan3A_57 : i32
      %scan3A_59 = arith.constant 1 : i32
      %scan3A_60:5 = scf.for %scan3A_114 = %scan3A_56 to %scan3A_58 step %scan3A_59 iter_args(%scan3A_115 = %select_n3A_52, %scan3A_116 = %scan3A, %scan3A_117 = %scan3A_53, %scan3A_118 = %scan3A_54, %scan3A_119 = %scan3A_55) -> (i32, i32, i32, i32, i32)  : i32 {
        %eq3A_120 = arith.constant 0 : i32
        %eq3A_121 = arith.cmpi eq, %scan3A_114, %eq3A_120 : i32
        %eq3A_122 = arith.constant 79 : i32
        %eq3A_123 = arith.cmpi eq, %scan3A_114, %eq3A_122 : i32
        %add3A_124 = arith.addi %scan3A_119, %mul3A_0 : i32
        %sub3A_125 = arith.constant 1 : i32
        %sub3A_126 = arith.subi %scan3A_119, %sub3A_125 : i32
        %select_n3A_127 = arith.constant true
        %select_n3A_128 = arith.select %select_n3A_127, %sub3A_126, %scan3A_119 : i32
        %eq3A_129 = arith.constant -1 : i32
        %eq3A_130 = arith.cmpi eq, %select_n3A_128, %eq3A_129 : i32
        %select_n3A_131 = arith.constant 79 : i32
        %select_n3A_132 = arith.select %eq3A_130, %select_n3A_131, %select_n3A_128 : i32
        %add3A_133 = arith.addi %select_n3A_132, %mul3A_0 : i32
        %add3A_134 = arith.constant 1 : i32
        %add3A_135 = arith.addi %scan3A_119, %add3A_134 : i32
        %select_n3A_136 = arith.constant true
        %select_n3A_137 = arith.select %select_n3A_136, %add3A_135, %scan3A_119 : i32
        %eq3A_138 = arith.constant 80 : i32
        %eq3A_139 = arith.cmpi eq, %select_n3A_137, %eq3A_138 : i32
        %select_n3A_140 = arith.constant 0 : i32
        %select_n3A_141 = arith.select %eq3A_139, %select_n3A_140, %select_n3A_137 : i32
        %add3A_142 = arith.addi %select_n3A_141, %mul3A_0 : i32
        %add3A_143 = arith.constant 1 : i32
        %add3A_144 = arith.addi %select_n3A_141, %add3A_143 : i32
        %select_n3A_145 = arith.constant true
        %select_n3A_146 = arith.select %select_n3A_145, %add3A_144, %select_n3A_141 : i32
        %eq3A_147 = arith.constant 80 : i32
        %eq3A_148 = arith.cmpi eq, %select_n3A_146, %eq3A_147 : i32
        %select_n3A_149 = arith.constant 0 : i32
        %select_n3A_150 = arith.select %eq3A_148, %select_n3A_149, %select_n3A_146 : i32
        %add3A_151 = arith.addi %select_n3A_150, %mul3A_0 : i32
        %ne3A = arith.cmpi ne, %add3A_124, %add3A_142 : i32
        %or3A = arith.constant false
        %or3A_152 = arith.ori %or3A, %ne3A : i1
        %ge3A = arith.constant 79 : i32
        %ge3A_153 = arith.cmpi sge, %scan3A_114, %ge3A : i32
        %not3A = arith.constant true
        %not3A_154 = arith.xori %ge3A_153, %not3A : i1
        %and3A = arith.andi %or3A_152, %not3A_154 : i1
        %convert_element_type3A = arith.extui %and3A : i1 to i32
        %cond3A = arith.constant 0 : i32
        %cond3A_155 = arith.cmpi ne, %convert_element_type3A, %cond3A : i32
        scf.if %cond3A_155 {
          "tpu.trace_start"() <{level = 10 : i32, message = "ep_copy_in"}> : () -> ()
          %rem3A_257 = arith.constant 2 : i32
          %rem3A_258 = arith.remui %scan3A_115, %rem3A_257 : i32
          %mul3A_259 = arith.constant 128 : i32
          %mul3A_260 = arith.muli %mul3A_259, %add3A_142 : i32
          %dma_start3A_261 = arith.constant 0 : i32
          %dma_start3A_262 = arith.constant 0 : i32
          %dma_start3A_263 = tpu.memref_slice %run_scoped3A[%rem3A_258, %dma_start3A_261, %dma_start3A_262] : memref<2x1x128xi32, #tpu.memory_space<vmem>> -> memref<1x1x128xi32, #tpu.memory_space<vmem>>
          %dma_start3A_264 = tpu.memref_squeeze %dma_start3A_263 : memref<1x1x128xi32, #tpu.memory_space<vmem>> -> memref<1x128xi32, #tpu.memory_space<vmem>>
          %dma_start3A_265 = arith.constant 0 : i32
          %dma_start3A_266 = tpu.memref_slice %arg3[%dma_start3A_265, %mul3A_260] : memref<1x163840xi32, #tpu.memory_space<hbm>> -> memref<1x128xi32, #tpu.memory_space<hbm>>
          %dma_start3A_267 = tpu.memref_slice %run_scoped3A_1[%rem3A_258] : memref<2x!tpu.dma_semaphore, #tpu.memory_space<semaphore_mem>> -> memref<1x!tpu.dma_semaphore, #tpu.memory_space<semaphore_mem>>
          %dma_start3A_268 = tpu.memref_squeeze %dma_start3A_267 : memref<1x!tpu.dma_semaphore, #tpu.memory_space<semaphore_mem>> -> memref<!tpu.dma_semaphore, #tpu.memory_space<semaphore_mem>>
          %dma_start3A_269 = arith.constant 0 : i32
          %dma_start3A_270 = arith.constant 0 : i32
          %dma_start3A_271 = tpu.memref_slice %run_scoped3A[%rem3A_258, %dma_start3A_269, %dma_start3A_270] : memref<2x1x128xi32, #tpu.memory_space<vmem>> -> memref<1x1x128xi32, #tpu.memory_space<vmem>>
          %dma_start3A_272 = tpu.memref_squeeze %dma_start3A_271 : memref<1x1x128xi32, #tpu.memory_space<vmem>> -> memref<1x128xi32, #tpu.memory_space<vmem>>
          %dma_start3A_273 = arith.constant 0 : i32
          %dma_start3A_274 = tpu.memref_slice %arg3[%dma_start3A_273, %mul3A_260] : memref<1x163840xi32, #tpu.memory_space<hbm>> -> memref<1x128xi32, #tpu.memory_space<hbm>>
          tpu.enqueue_dma source(%dma_start3A_274 : memref<1x128xi32, #tpu.memory_space<hbm>>) target(%dma_start3A_272 : memref<1x128xi32, #tpu.memory_space<vmem>>) target_semaphore(%dma_start3A_268 : memref<!tpu.dma_semaphore, #tpu.memory_space<semaphore_mem>>)
          "tpu.trace_stop"() : () -> ()
        } else {
        }
        %and3A_156 = arith.constant true
        %and3A_157 = arith.andi %and3A, %and3A_156 : i1
        %add3A_158 = arith.constant 1 : i32
        %add3A_159 = arith.addi %scan3A_115, %add3A_158 : i32
        %select_n3A_160 = arith.select %and3A_157, %add3A_159, %scan3A_115 : i32
        %ne3A_161 = arith.cmpi ne, %add3A_124, %add3A_142 : i32
        %or3A_162 = arith.constant false
        %or3A_163 = arith.ori %or3A_162, %ne3A_161 : i1
        %or3A_164 = arith.constant false
        %or3A_165 = arith.ori %or3A_163, %or3A_164 : i1
        %ge3A_166 = arith.constant 79 : i32
        %ge3A_167 = arith.cmpi sge, %scan3A_114, %ge3A_166 : i32
        %not3A_168 = arith.constant true
        %not3A_169 = arith.xori %ge3A_167, %not3A_168 : i1
        %and3A_170 = arith.andi %or3A_165, %not3A_169 : i1
        %ne3A_171 = arith.cmpi ne, %add3A_124, %add3A_133 : i32
        %or3A_172 = arith.constant false
        %or3A_173 = arith.ori %or3A_172, %ne3A_171 : i1
        %or3A_174 = arith.ori %or3A_173, %eq3A_121 : i1
        %convert_element_type3A_175 = arith.extui %or3A_174 : i1 to i32
        %cond3A_176 = arith.constant 0 : i32
        %cond3A_177 = arith.cmpi ne, %convert_element_type3A_175, %cond3A_176 : i32
        scf.if %cond3A_177 {
          "tpu.trace_start"() <{level = 10 : i32, message = "ep_wait_in"}> : () -> ()
          %mul3A_257 = arith.constant 128 : i32
          %mul3A_258 = arith.muli %mul3A_257, %add3A_124 : i32
          %rem3A_259 = arith.constant 2 : i32
          %rem3A_260 = arith.remui %scan3A_116, %rem3A_259 : i32
          %dma_wait3A_261 = arith.constant 0 : i32
          %dma_wait3A_262 = arith.constant 0 : i32
          %dma_wait3A_263 = tpu.memref_slice %run_scoped3A[%rem3A_260, %dma_wait3A_261, %dma_wait3A_262] : memref<2x1x128xi32, #tpu.memory_space<vmem>> -> memref<1x1x128xi32, #tpu.memory_space<vmem>>
          %dma_wait3A_264 = tpu.memref_squeeze %dma_wait3A_263 : memref<1x1x128xi32, #tpu.memory_space<vmem>> -> memref<1x128xi32, #tpu.memory_space<vmem>>
          %dma_wait3A_265 = arith.constant 0 : i32
          %dma_wait3A_266 = tpu.memref_slice %arg3[%dma_wait3A_265, %mul3A_258] : memref<1x163840xi32, #tpu.memory_space<hbm>> -> memref<1x128xi32, #tpu.memory_space<hbm>>
          %dma_wait3A_267 = tpu.memref_slice %run_scoped3A_1[%rem3A_260] : memref<2x!tpu.dma_semaphore, #tpu.memory_space<semaphore_mem>> -> memref<1x!tpu.dma_semaphore, #tpu.memory_space<semaphore_mem>>
          %dma_wait3A_268 = tpu.memref_squeeze %dma_wait3A_267 : memref<1x!tpu.dma_semaphore, #tpu.memory_space<semaphore_mem>> -> memref<!tpu.dma_semaphore, #tpu.memory_space<semaphore_mem>>
          %dma_wait3A_269 = arith.constant 0 : i32
          %dma_wait3A_270 = arith.constant 0 : i32
          %dma_wait3A_271 = tpu.memref_slice %run_scoped3A[%rem3A_260, %dma_wait3A_269, %dma_wait3A_270] : memref<2x1x128xi32, #tpu.memory_space<vmem>> -> memref<1x1x128xi32, #tpu.memory_space<vmem>>
          %dma_wait3A_272 = tpu.memref_squeeze %dma_wait3A_271 : memref<1x1x128xi32, #tpu.memory_space<vmem>> -> memref<1x128xi32, #tpu.memory_space<vmem>>
          %dma_wait3A_273 = arith.constant 0 : i32
          %dma_wait3A_274 = tpu.memref_slice %arg3[%dma_wait3A_273, %mul3A_258] : memref<1x163840xi32, #tpu.memory_space<hbm>> -> memref<1x128xi32, #tpu.memory_space<hbm>>
          tpu.wait_dma2 semaphore(%dma_wait3A_268 : memref<!tpu.dma_semaphore, #tpu.memory_space<semaphore_mem>>) src(%dma_wait3A_274 : memref<1x128xi32, #tpu.memory_space<hbm>>) dst(%dma_wait3A_272 : memref<1x128xi32, #tpu.memory_space<vmem>>)
          "tpu.trace_stop"() : () -> ()
        } else {
        }
        %ne3A_178 = arith.cmpi ne, %add3A_124, %add3A_133 : i32
        %or3A_179 = arith.constant false
        %or3A_180 = arith.ori %or3A_179, %ne3A_178 : i1
        %or3A_181 = arith.constant false
        %or3A_182 = arith.ori %or3A_180, %or3A_181 : i1
        %or3A_183 = arith.ori %or3A_182, %eq3A_121 : i1
        %convert_element_type3A_184 = arith.extui %or3A_183 : i1 to i32
        %cond3A_185 = arith.constant 0 : i32
        %cond3A_186 = arith.cmpi ne, %convert_element_type3A_184, %cond3A_185 : i32
        scf.if %cond3A_186 {
        } else {
        }
        %rem3A_187 = arith.constant 2 : i32
        %rem3A_188 = arith.remui %scan3A_116, %rem3A_187 : i32
        %rem3A_189 = arith.constant 2 : i32
        %rem3A_190 = arith.remui %scan3A_117, %rem3A_189 : i32
        %run_scoped3A_191 = arith.constant 0 : i32
        "tpu.trace_start"() <{level = 10 : i32, message = "ep_run_kernel"}> : () -> ()
        "tpu.region"() ({
          %run_scoped3A_257 = tpu.sem_alloc : memref<!tpu.dma_semaphore, #tpu.memory_space<semaphore_mem>>
          %dma_start3A_258 = arith.constant 0 : i32
          %dma_start3A_259 = arith.constant 0 : i32
          %dma_start3A_260 = tpu.memref_slice %run_scoped3A_2[%rem3A_190, %dma_start3A_258, %dma_start3A_259] : memref<2x128x128xf32, #tpu.memory_space<vmem>> -> memref<1x128x128xf32, #tpu.memory_space<vmem>>
          %dma_start3A_261 = tpu.memref_squeeze %dma_start3A_260 : memref<1x128x128xf32, #tpu.memory_space<vmem>> -> memref<128x128xf32, #tpu.memory_space<vmem>>
          %dma_start3A_262 = arith.constant 0 : i32
          %dma_start3A_263 = arith.constant 0 : i32
          %dma_start3A_264 = tpu.memref_slice %run_scoped3A[%rem3A_188, %dma_start3A_262, %dma_start3A_263] : memref<2x1x128xi32, #tpu.memory_space<vmem>> -> memref<1x1x128xi32, #tpu.memory_space<vmem>>
          %dma_start3A_265 = tpu.memref_squeeze %dma_start3A_264 : memref<1x1x128xi32, #tpu.memory_space<vmem>> -> memref<1x128xi32, #tpu.memory_space<vmem>>
          %dma_start3A_266 = arith.constant 0 : i32
          %dma_start3A_267 = tpu.memref_slice %dma_start3A_265[%run_scoped3A_191, %dma_start3A_266] : memref<1x128xi32, #tpu.memory_space<vmem>> -> memref<1x128xi32, #tpu.memory_space<vmem>>
          %dma_start3A_268 = tpu.memref_squeeze %dma_start3A_267 : memref<1x128xi32, #tpu.memory_space<vmem>> -> memref<128xi32, #tpu.memory_space<vmem>>
          %dma_start3A_269 = arith.constant 0 : i32
          %dma_start3A_270 = arith.constant 0 : i32
          %dma_start3A_271 = tpu.memref_slice %arg2[%dma_start3A_269, %dma_start3A_270] : memref<8192x128xf32, #tpu.memory_space<hbm>> -> memref<8192x128xf32, #tpu.memory_space<hbm>>
          tpu.enqueue_indirect_dma source(%dma_start3A_271 : memref<8192x128xf32, #tpu.memory_space<hbm>>) target(%dma_start3A_261 : memref<128x128xf32, #tpu.memory_space<vmem>>) offsets(%dma_start3A_268 : memref<128xi32, #tpu.memory_space<vmem>>) semaphore(%run_scoped3A_257 : memref<!tpu.dma_semaphore, #tpu.memory_space<semaphore_mem>>)
          %dma_wait3A_272 = arith.constant 0 : i32
          %dma_wait3A_273 = arith.constant 0 : i32
          %dma_wait3A_274 = tpu.memref_slice %run_scoped3A_2[%rem3A_190, %dma_wait3A_272, %dma_wait3A_273] : memref<2x128x128xf32, #tpu.memory_space<vmem>> -> memref<1x128x128xf32, #tpu.memory_space<vmem>>
          %dma_wait3A_275 = tpu.memref_squeeze %dma_wait3A_274 : memref<1x128x128xf32, #tpu.memory_space<vmem>> -> memref<128x128xf32, #tpu.memory_space<vmem>>
          %dma_wait3A_276 = arith.constant 0 : i32
          %dma_wait3A_277 = arith.constant 0 : i32
          %dma_wait3A_278 = tpu.memref_slice %run_scoped3A[%rem3A_188, %dma_wait3A_276, %dma_wait3A_277] : memref<2x1x128xi32, #tpu.memory_space<vmem>> -> memref<1x1x128xi32, #tpu.memory_space<vmem>>
          %dma_wait3A_279 = tpu.memref_squeeze %dma_wait3A_278 : memref<1x1x128xi32, #tpu.memory_space<vmem>> -> memref<1x128xi32, #tpu.memory_space<vmem>>
          %dma_wait3A_280 = arith.constant 0 : i32
          %dma_wait3A_281 = tpu.memref_slice %dma_wait3A_279[%run_scoped3A_191, %dma_wait3A_280] : memref<1x128xi32, #tpu.memory_space<vmem>> -> memref<1x128xi32, #tpu.memory_space<vmem>>
          %dma_wait3A_282 = tpu.memref_squeeze %dma_wait3A_281 : memref<1x128xi32, #tpu.memory_space<vmem>> -> memref<128xi32, #tpu.memory_space<vmem>>
          %dma_wait3A_283 = arith.constant 0 : i32
          %dma_wait3A_284 = arith.constant 0 : i32
          %dma_wait3A_285 = tpu.memref_slice %arg2[%dma_wait3A_283, %dma_wait3A_284] : memref<8192x128xf32, #tpu.memory_space<hbm>> -> memref<8192x128xf32, #tpu.memory_space<hbm>>
          tpu.wait_indirect_dma semaphore(%run_scoped3A_257 : memref<!tpu.dma_semaphore, #tpu.memory_space<semaphore_mem>>) src(%dma_wait3A_285 : memref<8192x128xf32, #tpu.memory_space<hbm>>) dst(%dma_wait3A_275 : memref<128x128xf32, #tpu.memory_space<vmem>>)
          tpu.yield
        }) : () -> ()
        "tpu.trace_stop"() : () -> ()
        %ne3A_192 = arith.cmpi ne, %add3A_124, %add3A_142 : i32
        %or3A_193 = arith.constant false
        %or3A_194 = arith.ori %or3A_193, %ne3A_192 : i1
        %or3A_195 = arith.ori %or3A_194, %eq3A_123 : i1
        %convert_element_type3A_196 = arith.extui %or3A_195 : i1 to i32
        %cond3A_197 = arith.constant 0 : i32
        %cond3A_198 = arith.cmpi ne, %convert_element_type3A_196, %cond3A_197 : i32
        scf.if %cond3A_198 {
        } else {
        }
        %and3A_199 = arith.constant false
        %and3A_200 = arith.andi %or3A_195, %and3A_199 : i1
        %ne3A_201 = arith.cmpi ne, %add3A_124, %add3A_142 : i32
        %or3A_202 = arith.constant false
        %or3A_203 = arith.ori %or3A_202, %ne3A_201 : i1
        %or3A_204 = arith.constant false
        %or3A_205 = arith.ori %or3A_203, %or3A_204 : i1
        %or3A_206 = arith.ori %or3A_205, %eq3A_123 : i1
        %convert_element_type3A_207 = arith.extui %or3A_206 : i1 to i32
        %cond3A_208 = arith.constant 0 : i32
        %cond3A_209 = arith.cmpi ne, %convert_element_type3A_207, %cond3A_208 : i32
        scf.if %cond3A_209 {
          "tpu.trace_start"() <{level = 10 : i32, message = "ep_copy_out"}> : () -> ()
          %rem3A_257 = arith.constant 2 : i32
          %rem3A_258 = arith.remui %scan3A_117, %rem3A_257 : i32
          %mul3A_259 = arith.constant 128 : i32
          %mul3A_260 = arith.muli %mul3A_259, %add3A_124 : i32
          %dma_start3A_261 = arith.constant 0 : i32
          %dma_start3A_262 = arith.constant 0 : i32
          %dma_start3A_263 = tpu.memref_slice %run_scoped3A_2[%rem3A_258, %dma_start3A_261, %dma_start3A_262] : memref<2x128x128xf32, #tpu.memory_space<vmem>> -> memref<1x128x128xf32, #tpu.memory_space<vmem>>
          %dma_start3A_264 = tpu.memref_squeeze %dma_start3A_263 : memref<1x128x128xf32, #tpu.memory_space<vmem>> -> memref<128x128xf32, #tpu.memory_space<vmem>>
          %dma_start3A_265 = arith.constant 0 : i32
          %dma_start3A_266 = tpu.memref_slice %arg4[%mul3A_260, %dma_start3A_265] : memref<163840x128xf32, #tpu.memory_space<hbm>> -> memref<128x128xf32, #tpu.memory_space<hbm>>
          %dma_start3A_267 = tpu.memref_slice %run_scoped3A_3[%rem3A_258] : memref<2x!tpu.dma_semaphore, #tpu.memory_space<semaphore_mem>> -> memref<1x!tpu.dma_semaphore, #tpu.memory_space<semaphore_mem>>
          %dma_start3A_268 = tpu.memref_squeeze %dma_start3A_267 : memref<1x!tpu.dma_semaphore, #tpu.memory_space<semaphore_mem>> -> memref<!tpu.dma_semaphore, #tpu.memory_space<semaphore_mem>>
          %dma_start3A_269 = arith.constant 0 : i32
          %dma_start3A_270 = tpu.memref_slice %arg4[%mul3A_260, %dma_start3A_269] : memref<163840x128xf32, #tpu.memory_space<hbm>> -> memref<128x128xf32, #tpu.memory_space<hbm>>
          %dma_start3A_271 = arith.constant 0 : i32
          %dma_start3A_272 = arith.constant 0 : i32
          %dma_start3A_273 = tpu.memref_slice %run_scoped3A_2[%rem3A_258, %dma_start3A_271, %dma_start3A_272] : memref<2x128x128xf32, #tpu.memory_space<vmem>> -> memref<1x128x128xf32, #tpu.memory_space<vmem>>
          %dma_start3A_274 = tpu.memref_squeeze %dma_start3A_273 : memref<1x128x128xf32, #tpu.memory_space<vmem>> -> memref<128x128xf32, #tpu.memory_space<vmem>>
          tpu.enqueue_dma source(%dma_start3A_274 : memref<128x128xf32, #tpu.memory_space<vmem>>) target(%dma_start3A_270 : memref<128x128xf32, #tpu.memory_space<hbm>>) target_semaphore(%dma_start3A_268 : memref<!tpu.dma_semaphore, #tpu.memory_space<semaphore_mem>>)
          "tpu.trace_stop"() : () -> ()
        } else {
        }
        %and3A_210 = arith.constant true
        %and3A_211 = arith.andi %or3A_206, %and3A_210 : i1
        %add3A_212 = arith.constant 1 : i32
        %add3A_213 = arith.addi %scan3A_117, %add3A_212 : i32
        %select_n3A_214 = arith.select %and3A_211, %add3A_213, %scan3A_117 : i32
        %ne3A_215 = arith.cmpi ne, %add3A_124, %add3A_133 : i32
        %or3A_216 = arith.constant false
        %or3A_217 = arith.ori %or3A_216, %ne3A_215 : i1
        %not3A_218 = arith.constant true
        %not3A_219 = arith.xori %eq3A_121, %not3A_218 : i1
        %and3A_220 = arith.andi %or3A_217, %not3A_219 : i1
        %convert_element_type3A_221 = arith.extui %and3A_220 : i1 to i32
        %cond3A_222 = arith.constant 0 : i32
        %cond3A_223 = arith.cmpi ne, %convert_element_type3A_221, %cond3A_222 : i32
        scf.if %cond3A_223 {
        } else {
        }
        %and3A_224 = arith.constant false
        %and3A_225 = arith.andi %and3A_220, %and3A_224 : i1
        %ne3A_226 = arith.cmpi ne, %add3A_124, %add3A_133 : i32
        %or3A_227 = arith.constant false
        %or3A_228 = arith.ori %or3A_227, %ne3A_226 : i1
        %or3A_229 = arith.constant false
        %or3A_230 = arith.ori %or3A_228, %or3A_229 : i1
        %not3A_231 = arith.constant true
        %not3A_232 = arith.xori %eq3A_121, %not3A_231 : i1
        %and3A_233 = arith.andi %or3A_230, %not3A_232 : i1
        %convert_element_type3A_234 = arith.extui %and3A_233 : i1 to i32
        %cond3A_235 = arith.constant 0 : i32
        %cond3A_236 = arith.cmpi ne, %convert_element_type3A_234, %cond3A_235 : i32
        scf.if %cond3A_236 {
          "tpu.trace_start"() <{level = 10 : i32, message = "ep_wait_out"}> : () -> ()
          %rem3A_257 = arith.constant 2 : i32
          %rem3A_258 = arith.remui %scan3A_118, %rem3A_257 : i32
          %mul3A_259 = arith.constant 128 : i32
          %mul3A_260 = arith.muli %mul3A_259, %add3A_133 : i32
          %dma_wait3A_261 = arith.constant 0 : i32
          %dma_wait3A_262 = arith.constant 0 : i32
          %dma_wait3A_263 = tpu.memref_slice %run_scoped3A_2[%rem3A_258, %dma_wait3A_261, %dma_wait3A_262] : memref<2x128x128xf32, #tpu.memory_space<vmem>> -> memref<1x128x128xf32, #tpu.memory_space<vmem>>
          %dma_wait3A_264 = tpu.memref_squeeze %dma_wait3A_263 : memref<1x128x128xf32, #tpu.memory_space<vmem>> -> memref<128x128xf32, #tpu.memory_space<vmem>>
          %dma_wait3A_265 = arith.constant 0 : i32
          %dma_wait3A_266 = tpu.memref_slice %arg4[%mul3A_260, %dma_wait3A_265] : memref<163840x128xf32, #tpu.memory_space<hbm>> -> memref<128x128xf32, #tpu.memory_space<hbm>>
          %dma_wait3A_267 = tpu.memref_slice %run_scoped3A_3[%rem3A_258] : memref<2x!tpu.dma_semaphore, #tpu.memory_space<semaphore_mem>> -> memref<1x!tpu.dma_semaphore, #tpu.memory_space<semaphore_mem>>
          %dma_wait3A_268 = tpu.memref_squeeze %dma_wait3A_267 : memref<1x!tpu.dma_semaphore, #tpu.memory_space<semaphore_mem>> -> memref<!tpu.dma_semaphore, #tpu.memory_space<semaphore_mem>>
          %dma_wait3A_269 = arith.constant 0 : i32
          %dma_wait3A_270 = tpu.memref_slice %arg4[%mul3A_260, %dma_wait3A_269] : memref<163840x128xf32, #tpu.memory_space<hbm>> -> memref<128x128xf32, #tpu.memory_space<hbm>>
          %dma_wait3A_271 = arith.constant 0 : i32
          %dma_wait3A_272 = arith.constant 0 : i32
          %dma_wait3A_273 = tpu.memref_slice %run_scoped3A_2[%rem3A_258, %dma_wait3A_271, %dma_wait3A_272] : memref<2x128x128xf32, #tpu.memory_space<vmem>> -> memref<1x128x128xf32, #tpu.memory_space<vmem>>
          %dma_wait3A_274 = tpu.memref_squeeze %dma_wait3A_273 : memref<1x128x128xf32, #tpu.memory_space<vmem>> -> memref<128x128xf32, #tpu.memory_space<vmem>>
          tpu.wait_dma2 semaphore(%dma_wait3A_268 : memref<!tpu.dma_semaphore, #tpu.memory_space<semaphore_mem>>) src(%dma_wait3A_274 : memref<128x128xf32, #tpu.memory_space<vmem>>) dst(%dma_wait3A_270 : memref<128x128xf32, #tpu.memory_space<hbm>>)
          "tpu.trace_stop"() : () -> ()
        } else {
        }
        %and3A_237 = arith.constant true
        %and3A_238 = arith.andi %and3A_233, %and3A_237 : i1
        %add3A_239 = arith.constant 1 : i32
        %add3A_240 = arith.addi %scan3A_118, %add3A_239 : i32
        %select_n3A_241 = arith.select %and3A_238, %add3A_240, %scan3A_118 : i32
        %ne3A_242 = arith.cmpi ne, %add3A_124, %add3A_142 : i32
        %or3A_243 = arith.constant false
        %or3A_244 = arith.ori %or3A_243, %ne3A_242 : i1
        %or3A_245 = arith.ori %or3A_244, %eq3A_123 : i1
        %add3A_246 = arith.constant 1 : i32
        %add3A_247 = arith.addi %scan3A_116, %add3A_246 : i32
        %select_n3A_248 = arith.select %or3A_245, %add3A_247, %scan3A_116 : i32
        %add3A_249 = arith.constant 1 : i32
        %add3A_250 = arith.addi %scan3A_119, %add3A_249 : i32
        %select_n3A_251 = arith.constant true
        %select_n3A_252 = arith.select %select_n3A_251, %add3A_250, %scan3A_119 : i32
        %eq3A_253 = arith.constant 80 : i32
        %eq3A_254 = arith.cmpi eq, %select_n3A_252, %eq3A_253 : i32
        %select_n3A_255 = arith.constant 0 : i32
        %select_n3A_256 = arith.select %eq3A_254, %select_n3A_255, %select_n3A_252 : i32
        scf.yield %select_n3A_160, %select_n3A_248, %select_n3A_214, %select_n3A_241, %select_n3A_256 : i32, i32, i32, i32, i32
      }
      %scan3A_61 = arith.constant 80 : i32
      %sub3A = arith.constant 1 : i32
      %sub3A_62 = arith.subi %scan3A_60#4, %sub3A : i32
      %select_n3A_63 = arith.constant true
      %select_n3A_64 = arith.select %select_n3A_63, %sub3A_62, %scan3A_60#4 : i32
      %eq3A_65 = arith.constant -1 : i32
      %eq3A_66 = arith.cmpi eq, %select_n3A_64, %eq3A_65 : i32
      %select_n3A_67 = arith.constant 79 : i32
      %select_n3A_68 = arith.select %eq3A_66, %select_n3A_67, %select_n3A_64 : i32
      %add3A_69 = arith.addi %select_n3A_68, %mul3A_0 : i32
      %sub3A_70 = arith.constant 1 : i32
      %sub3A_71 = arith.subi %select_n3A_68, %sub3A_70 : i32
      %select_n3A_72 = arith.constant true
      %select_n3A_73 = arith.select %select_n3A_72, %sub3A_71, %select_n3A_68 : i32
      %eq3A_74 = arith.constant -1 : i32
      %eq3A_75 = arith.cmpi eq, %select_n3A_73, %eq3A_74 : i32
      %select_n3A_76 = arith.constant 79 : i32
      %select_n3A_77 = arith.select %eq3A_75, %select_n3A_76, %select_n3A_73 : i32
      %add3A_78 = arith.addi %select_n3A_77, %mul3A_0 : i32
      %add3A_79 = arith.constant 1 : i32
      %add3A_80 = arith.addi %select_n3A_68, %add3A_79 : i32
      %select_n3A_81 = arith.constant true
      %select_n3A_82 = arith.select %select_n3A_81, %add3A_80, %select_n3A_68 : i32
      %eq3A_83 = arith.constant 80 : i32
      %eq3A_84 = arith.cmpi eq, %select_n3A_82, %eq3A_83 : i32
      %select_n3A_85 = arith.constant 0 : i32
      %select_n3A_86 = arith.select %eq3A_84, %select_n3A_85, %select_n3A_82 : i32
      %add3A_87 = arith.addi %select_n3A_86, %mul3A_0 : i32
      %add3A_88 = arith.constant 1 : i32
      %add3A_89 = arith.addi %select_n3A_86, %add3A_88 : i32
      %select_n3A_90 = arith.constant true
      %select_n3A_91 = arith.select %select_n3A_90, %add3A_89, %select_n3A_86 : i32
      %eq3A_92 = arith.constant 80 : i32
      %eq3A_93 = arith.cmpi eq, %select_n3A_91, %eq3A_92 : i32
      %select_n3A_94 = arith.constant 0 : i32
      %select_n3A_95 = arith.select %eq3A_93, %select_n3A_94, %select_n3A_91 : i32
      %add3A_96 = arith.addi %select_n3A_95, %mul3A_0 : i32
      "tpu.trace_start"() <{level = 10 : i32, message = "ep_finalize"}> : () -> ()
      %rem3A_97 = arith.constant 2 : i32
      %rem3A_98 = arith.remui %scan3A_60#3, %rem3A_97 : i32
      %mul3A_99 = arith.constant 128 : i32
      %mul3A_100 = arith.muli %mul3A_99, %add3A_69 : i32
      %dma_wait3A = arith.constant 0 : i32
      %dma_wait3A_101 = arith.constant 0 : i32
      %dma_wait3A_102 = tpu.memref_slice %run_scoped3A_2[%rem3A_98, %dma_wait3A, %dma_wait3A_101] : memref<2x128x128xf32, #tpu.memory_space<vmem>> -> memref<1x128x128xf32, #tpu.memory_space<vmem>>
      %dma_wait3A_103 = tpu.memref_squeeze %dma_wait3A_102 : memref<1x128x128xf32, #tpu.memory_space<vmem>> -> memref<128x128xf32, #tpu.memory_space<vmem>>
      %dma_wait3A_104 = arith.constant 0 : i32
      %dma_wait3A_105 = tpu.memref_slice %arg4[%mul3A_100, %dma_wait3A_104] : memref<163840x128xf32, #tpu.memory_space<hbm>> -> memref<128x128xf32, #tpu.memory_space<hbm>>
      %dma_wait3A_106 = tpu.memref_slice %run_scoped3A_3[%rem3A_98] : memref<2x!tpu.dma_semaphore, #tpu.memory_space<semaphore_mem>> -> memref<1x!tpu.dma_semaphore, #tpu.memory_space<semaphore_mem>>
      %dma_wait3A_107 = tpu.memref_squeeze %dma_wait3A_106 : memref<1x!tpu.dma_semaphore, #tpu.memory_space<semaphore_mem>> -> memref<!tpu.dma_semaphore, #tpu.memory_space<semaphore_mem>>
      %dma_wait3A_108 = arith.constant 0 : i32
      %dma_wait3A_109 = tpu.memref_slice %arg4[%mul3A_100, %dma_wait3A_108] : memref<163840x128xf32, #tpu.memory_space<hbm>> -> memref<128x128xf32, #tpu.memory_space<hbm>>
      %dma_wait3A_110 = arith.constant 0 : i32
      %dma_wait3A_111 = arith.constant 0 : i32
      %dma_wait3A_112 = tpu.memref_slice %run_scoped3A_2[%rem3A_98, %dma_wait3A_110, %dma_wait3A_111] : memref<2x128x128xf32, #tpu.memory_space<vmem>> -> memref<1x128x128xf32, #tpu.memory_space<vmem>>
      %dma_wait3A_113 = tpu.memref_squeeze %dma_wait3A_112 : memref<1x128x128xf32, #tpu.memory_space<vmem>> -> memref<128x128xf32, #tpu.memory_space<vmem>>
      tpu.wait_dma2 semaphore(%dma_wait3A_107 : memref<!tpu.dma_semaphore, #tpu.memory_space<semaphore_mem>>) src(%dma_wait3A_113 : memref<128x128xf32, #tpu.memory_space<vmem>>) dst(%dma_wait3A_109 : memref<128x128xf32, #tpu.memory_space<hbm>>)
      "tpu.trace_stop"() : () -> ()
      tpu.yield
    }) : () -> ()
    return
  }
}

#map = affine_map<(d0, d1) -> (0, 0)>
module attributes {stable_mosaic.version = 14 : i64} {
  func.func @gather_kernel(%arg0: i32, %arg1: i32, %arg2: memref<8192x128xf32, #tpu.memory_space<hbm>>, %arg3: memref<1x163840xi32, #tpu.memory_space<hbm>>, %arg4: memref<163840x128xf32, #tpu.memory_space<hbm>>) attributes {dimension_semantics = [#tpu.dimension_semantics<core_parallel>, #tpu.dimension_semantics<subcore_parallel>], iteration_bounds = array<i64: 2, 16>, scalar_prefetch = 0 : i64, scratch_operands = 0 : i64, tpu.core_type = #tpu.core_type<sc_vector_subcore>, window_params = [{transform_indices = #map}, {transform_indices = #map}, {transform_indices = #map}]} {
    %mul3A = arith.constant 80 : i32
    %mul3A_0 = arith.muli %arg1, %mul3A : i32
    "tpu.region"() ({
      %run_scoped3A = memref.alloca() : memref<2x1x128xi32, #tpu.memory_space<vmem>>
      %run_scoped3A_1 = tpu.sem_alloc : memref<2x!tpu.dma_semaphore, #tpu.memory_space<semaphore_mem>>
      %run_scoped3A_2 = memref.alloca() : memref<2x128x128xf32, #tpu.memory_space<vmem>>
      %run_scoped3A_3 = tpu.sem_alloc : memref<2x!tpu.dma_semaphore, #tpu.memory_space<semaphore_mem>>
      %add3A = arith.constant 0 : i32
      %add3A_4 = arith.addi %add3A, %mul3A_0 : i32
      %select_n3A = arith.constant true
      %select_n3A_5 = arith.constant 0 : i32
      %select_n3A_6 = arith.constant -1 : i32
      %select_n3A_7 = arith.select %select_n3A, %select_n3A_6, %select_n3A_5 : i32
      %eq3A = arith.constant -1 : i32
      %eq3A_8 = arith.cmpi eq, %select_n3A_7, %eq3A : i32
      %select_n3A_9 = arith.constant 79 : i32
      %select_n3A_10 = arith.select %eq3A_8, %select_n3A_9, %select_n3A_7 : i32
      %add3A_11 = arith.addi %select_n3A_10, %mul3A_0 : i32
      %select_n3A_12 = arith.constant true
      %select_n3A_13 = arith.constant 0 : i32
      %select_n3A_14 = arith.constant 1 : i32
      %select_n3A_15 = arith.select %select_n3A_12, %select_n3A_14, %select_n3A_13 : i32
      %eq3A_16 = arith.constant 80 : i32
      %eq3A_17 = arith.cmpi eq, %select_n3A_15, %eq3A_16 : i32
      %select_n3A_18 = arith.constant 0 : i32
      %select_n3A_19 = arith.select %eq3A_17, %select_n3A_18, %select_n3A_15 : i32
      %add3A_20 = arith.addi %select_n3A_19, %mul3A_0 : i32
      %add3A_21 = arith.constant 1 : i32
      %add3A_22 = arith.addi %select_n3A_19, %add3A_21 : i32
      %select_n3A_23 = arith.constant true
      %select_n3A_24 = arith.select %select_n3A_23, %add3A_22, %select_n3A_19 : i32
      %eq3A_25 = arith.constant 80 : i32
      %eq3A_26 = arith.cmpi eq, %select_n3A_24, %eq3A_25 : i32
      %select_n3A_27 = arith.constant 0 : i32
      %select_n3A_28 = arith.select %eq3A_26, %select_n3A_27, %select_n3A_24 : i32
      %add3A_29 = arith.addi %select_n3A_28, %mul3A_0 : i32
      "tpu.trace_start"() <{level = 10 : i32, message = "ep_initialize_0"}> : () -> ()
      %rem3A = arith.constant 0 : i32
      %rem3A_30 = arith.constant 2 : i32
      %rem3A_31 = arith.remui %rem3A, %rem3A_30 : i32
      %mul3A_32 = arith.constant 128 : i32
      %mul3A_33 = arith.muli %mul3A_32, %add3A_4 : i32
      %dma_start3A = arith.constant 0 : i32
      %dma_start3A_34 = arith.constant 0 : i32
      %dma_start3A_35 = tpu.memref_slice %run_scoped3A[%rem3A_31, %dma_start3A, %dma_start3A_34] : memref<2x1x128xi32, #tpu.memory_space<vmem>> -> memref<1x1x128xi32, #tpu.memory_space<vmem>>
      %dma_start3A_36 = tpu.memref_squeeze %dma_start3A_35 : memref<1x1x128xi32, #tpu.memory_space<vmem>> -> memref<1x128xi32, #tpu.memory_space<vmem>>
      %dma_start3A_37 = arith.constant 0 : i32
      %dma_start3A_38 = tpu.memref_slice %arg3[%dma_start3A_37, %mul3A_33] : memref<1x163840xi32, #tpu.memory_space<hbm>> -> memref<1x128xi32, #tpu.memory_space<hbm>>
      %dma_start3A_39 = tpu.memref_slice %run_scoped3A_1[%rem3A_31] : memref<2x!tpu.dma_semaphore, #tpu.memory_space<semaphore_mem>> -> memref<1x!tpu.dma_semaphore, #tpu.memory_space<semaphore_mem>>
      %dma_start3A_40 = tpu.memref_squeeze %dma_start3A_39 : memref<1x!tpu.dma_semaphore, #tpu.memory_space<semaphore_mem>> -> memref<!tpu.dma_semaphore, #tpu.memory_space<semaphore_mem>>
      %dma_start3A_41 = arith.constant 0 : i32
      %dma_start3A_42 = arith.constant 0 : i32
      %dma_start3A_43 = tpu.memref_slice %run_scoped3A[%rem3A_31, %dma_start3A_41, %dma_start3A_42] : memref<2x1x128xi32, #tpu.memory_space<vmem>> -> memref<1x1x128xi32, #tpu.memory_space<vmem>>
      %dma_start3A_44 = tpu.memref_squeeze %dma_start3A_43 : memref<1x1x128xi32, #tpu.memory_space<vmem>> -> memref<1x128xi32, #tpu.memory_space<vmem>>
      %dma_start3A_45 = arith.constant 0 : i32
      %dma_start3A_46 = tpu.memref_slice %arg3[%dma_start3A_45, %mul3A_33] : memref<1x163840xi32, #tpu.memory_space<hbm>> -> memref<1x128xi32, #tpu.memory_space<hbm>>
      tpu.enqueue_dma source(%dma_start3A_46 : memref<1x128xi32, #tpu.memory_space<hbm>>) target(%dma_start3A_44 : memref<1x128xi32, #tpu.memory_space<vmem>>) target_semaphore(%dma_start3A_40 : memref<!tpu.dma_semaphore, #tpu.memory_space<semaphore_mem>>)
      %add3A_47 = arith.constant 0 : i32
      %add3A_48 = arith.constant 1 : i32
      %add3A_49 = arith.addi %add3A_47, %add3A_48 : i32
      %select_n3A_50 = arith.constant true
      %select_n3A_51 = arith.constant 0 : i32
      %select_n3A_52 = arith.select %select_n3A_50, %add3A_49, %select_n3A_51 : i32
      "tpu.trace_stop"() : () -> ()
      %scan3A = arith.constant 0 : i32
      %scan3A_53 = arith.constant 0 : i32
      %scan3A_54 = arith.constant 0 : i32
      %scan3A_55 = arith.constant 0 : i32
      %scan3A_56 = arith.constant 0 : i32
      %scan3A_57 = arith.constant 80 : i32
      %scan3A_58 = arith.addi %scan3A_56, %scan3A_57 : i32
      %scan3A_59 = arith.constant 1 : i32
      %scan3A_60:5 = scf.for %scan3A_114 = %scan3A_56 to %scan3A_58 step %scan3A_59 iter_args(%scan3A_115 = %select_n3A_52, %scan3A_116 = %scan3A, %scan3A_117 = %scan3A_53, %scan3A_118 = %scan3A_54, %scan3A_119 = %scan3A_55) -> (i32, i32, i32, i32, i32)  : i32 {
        %eq3A_120 = arith.constant 0 : i32
        %eq3A_121 = arith.cmpi eq, %scan3A_114, %eq3A_120 : i32
        %eq3A_122 = arith.constant 79 : i32
        %eq3A_123 = arith.cmpi eq, %scan3A_114, %eq3A_122 : i32
        %add3A_124 = arith.addi %scan3A_119, %mul3A_0 : i32
        %sub3A_125 = arith.constant 1 : i32
        %sub3A_126 = arith.subi %scan3A_119, %sub3A_125 : i32
        %select_n3A_127 = arith.constant true
        %select_n3A_128 = arith.select %select_n3A_127, %sub3A_126, %scan3A_119 : i32
        %eq3A_129 = arith.constant -1 : i32
        %eq3A_130 = arith.cmpi eq, %select_n3A_128, %eq3A_129 : i32
        %select_n3A_131 = arith.constant 79 : i32
        %select_n3A_132 = arith.select %eq3A_130, %select_n3A_131, %select_n3A_128 : i32
        %add3A_133 = arith.addi %select_n3A_132, %mul3A_0 : i32
        %add3A_134 = arith.constant 1 : i32
        %add3A_135 = arith.addi %scan3A_119, %add3A_134 : i32
        %select_n3A_136 = arith.constant true
        %select_n3A_137 = arith.select %select_n3A_136, %add3A_135, %scan3A_119 : i32
        %eq3A_138 = arith.constant 80 : i32
        %eq3A_139 = arith.cmpi eq, %select_n3A_137, %eq3A_138 : i32
        %select_n3A_140 = arith.constant 0 : i32
        %select_n3A_141 = arith.select %eq3A_139, %select_n3A_140, %select_n3A_137 : i32
        %add3A_142 = arith.addi %select_n3A_141, %mul3A_0 : i32
        %add3A_143 = arith.constant 1 : i32
        %add3A_144 = arith.addi %select_n3A_141, %add3A_143 : i32
        %select_n3A_145 = arith.constant true
        %select_n3A_146 = arith.select %select_n3A_145, %add3A_144, %select_n3A_141 : i32
        %eq3A_147 = arith.constant 80 : i32
        %eq3A_148 = arith.cmpi eq, %select_n3A_146, %eq3A_147 : i32
        %select_n3A_149 = arith.constant 0 : i32
        %select_n3A_150 = arith.select %eq3A_148, %select_n3A_149, %select_n3A_146 : i32
        %add3A_151 = arith.addi %select_n3A_150, %mul3A_0 : i32
        %ne3A = arith.cmpi ne, %add3A_124, %add3A_142 : i32
        %or3A = arith.constant false
        %or3A_152 = arith.ori %or3A, %ne3A : i1
        %ge3A = arith.constant 79 : i32
        %ge3A_153 = arith.cmpi sge, %scan3A_114, %ge3A : i32
        %not3A = arith.constant true
        %not3A_154 = arith.xori %ge3A_153, %not3A : i1
        %and3A = arith.andi %or3A_152, %not3A_154 : i1
        %convert_element_type3A = arith.extui %and3A : i1 to i32
        %cond3A = arith.constant 0 : i32
        %cond3A_155 = arith.cmpi ne, %convert_element_type3A, %cond3A : i32
        scf.if %cond3A_155 {
          "tpu.trace_start"() <{level = 10 : i32, message = "ep_copy_in"}> : () -> ()
          %rem3A_257 = arith.constant 2 : i32
          %rem3A_258 = arith.remui %scan3A_115, %rem3A_257 : i32
          %mul3A_259 = arith.constant 128 : i32
          %mul3A_260 = arith.muli %mul3A_259, %add3A_142 : i32
          %dma_start3A_261 = arith.constant 0 : i32
          %dma_start3A_262 = arith.constant 0 : i32
          %dma_start3A_263 = tpu.memref_slice %run_scoped3A[%rem3A_258, %dma_start3A_261, %dma_start3A_262] : memref<2x1x128xi32, #tpu.memory_space<vmem>> -> memref<1x1x128xi32, #tpu.memory_space<vmem>>
          %dma_start3A_264 = tpu.memref_squeeze %dma_start3A_263 : memref<1x1x128xi32, #tpu.memory_space<vmem>> -> memref<1x128xi32, #tpu.memory_space<vmem>>
          %dma_start3A_265 = arith.constant 0 : i32
          %dma_start3A_266 = tpu.memref_slice %arg3[%dma_start3A_265, %mul3A_260] : memref<1x163840xi32, #tpu.memory_space<hbm>> -> memref<1x128xi32, #tpu.memory_space<hbm>>
          %dma_start3A_267 = tpu.memref_slice %run_scoped3A_1[%rem3A_258] : memref<2x!tpu.dma_semaphore, #tpu.memory_space<semaphore_mem>> -> memref<1x!tpu.dma_semaphore, #tpu.memory_space<semaphore_mem>>
          %dma_start3A_268 = tpu.memref_squeeze %dma_start3A_267 : memref<1x!tpu.dma_semaphore, #tpu.memory_space<semaphore_mem>> -> memref<!tpu.dma_semaphore, #tpu.memory_space<semaphore_mem>>
          %dma_start3A_269 = arith.constant 0 : i32
          %dma_start3A_270 = arith.constant 0 : i32
          %dma_start3A_271 = tpu.memref_slice %run_scoped3A[%rem3A_258, %dma_start3A_269, %dma_start3A_270] : memref<2x1x128xi32, #tpu.memory_space<vmem>> -> memref<1x1x128xi32, #tpu.memory_space<vmem>>
          %dma_start3A_272 = tpu.memref_squeeze %dma_start3A_271 : memref<1x1x128xi32, #tpu.memory_space<vmem>> -> memref<1x128xi32, #tpu.memory_space<vmem>>
          %dma_start3A_273 = arith.constant 0 : i32
          %dma_start3A_274 = tpu.memref_slice %arg3[%dma_start3A_273, %mul3A_260] : memref<1x163840xi32, #tpu.memory_space<hbm>> -> memref<1x128xi32, #tpu.memory_space<hbm>>
          tpu.enqueue_dma source(%dma_start3A_274 : memref<1x128xi32, #tpu.memory_space<hbm>>) target(%dma_start3A_272 : memref<1x128xi32, #tpu.memory_space<vmem>>) target_semaphore(%dma_start3A_268 : memref<!tpu.dma_semaphore, #tpu.memory_space<semaphore_mem>>)
          "tpu.trace_stop"() : () -> ()
        } else {
        }
        %and3A_156 = arith.constant true
        %and3A_157 = arith.andi %and3A, %and3A_156 : i1
        %add3A_158 = arith.constant 1 : i32
        %add3A_159 = arith.addi %scan3A_115, %add3A_158 : i32
        %select_n3A_160 = arith.select %and3A_157, %add3A_159, %scan3A_115 : i32
        %ne3A_161 = arith.cmpi ne, %add3A_124, %add3A_142 : i32
        %or3A_162 = arith.constant false
        %or3A_163 = arith.ori %or3A_162, %ne3A_161 : i1
        %or3A_164 = arith.constant false
        %or3A_165 = arith.ori %or3A_163, %or3A_164 : i1
        %ge3A_166 = arith.constant 79 : i32
        %ge3A_167 = arith.cmpi sge, %scan3A_114, %ge3A_166 : i32
        %not3A_168 = arith.constant true
        %not3A_169 = arith.xori %ge3A_167, %not3A_168 : i1
        %and3A_170 = arith.andi %or3A_165, %not3A_169 : i1
        %ne3A_171 = arith.cmpi ne, %add3A_124, %add3A_133 : i32
        %or3A_172 = arith.constant false
        %or3A_173 = arith.ori %or3A_172, %ne3A_171 : i1
        %or3A_174 = arith.ori %or3A_173, %eq3A_121 : i1
        %convert_element_type3A_175 = arith.extui %or3A_174 : i1 to i32
        %cond3A_176 = arith.constant 0 : i32
        %cond3A_177 = arith.cmpi ne, %convert_element_type3A_175, %cond3A_176 : i32
        scf.if %cond3A_177 {
          "tpu.trace_start"() <{level = 10 : i32, message = "ep_wait_in"}> : () -> ()
          %mul3A_257 = arith.constant 128 : i32
          %mul3A_258 = arith.muli %mul3A_257, %add3A_124 : i32
          %rem3A_259 = arith.constant 2 : i32
          %rem3A_260 = arith.remui %scan3A_116, %rem3A_259 : i32
          %dma_wait3A_261 = arith.constant 0 : i32
          %dma_wait3A_262 = arith.constant 0 : i32
          %dma_wait3A_263 = tpu.memref_slice %run_scoped3A[%rem3A_260, %dma_wait3A_261, %dma_wait3A_262] : memref<2x1x128xi32, #tpu.memory_space<vmem>> -> memref<1x1x128xi32, #tpu.memory_space<vmem>>
          %dma_wait3A_264 = tpu.memref_squeeze %dma_wait3A_263 : memref<1x1x128xi32, #tpu.memory_space<vmem>> -> memref<1x128xi32, #tpu.memory_space<vmem>>
          %dma_wait3A_265 = arith.constant 0 : i32
          %dma_wait3A_266 = tpu.memref_slice %arg3[%dma_wait3A_265, %mul3A_258] : memref<1x163840xi32, #tpu.memory_space<hbm>> -> memref<1x128xi32, #tpu.memory_space<hbm>>
          %dma_wait3A_267 = tpu.memref_slice %run_scoped3A_1[%rem3A_260] : memref<2x!tpu.dma_semaphore, #tpu.memory_space<semaphore_mem>> -> memref<1x!tpu.dma_semaphore, #tpu.memory_space<semaphore_mem>>
          %dma_wait3A_268 = tpu.memref_squeeze %dma_wait3A_267 : memref<1x!tpu.dma_semaphore, #tpu.memory_space<semaphore_mem>> -> memref<!tpu.dma_semaphore, #tpu.memory_space<semaphore_mem>>
          %dma_wait3A_269 = arith.constant 0 : i32
          %dma_wait3A_270 = arith.constant 0 : i32
          %dma_wait3A_271 = tpu.memref_slice %run_scoped3A[%rem3A_260, %dma_wait3A_269, %dma_wait3A_270] : memref<2x1x128xi32, #tpu.memory_space<vmem>> -> memref<1x1x128xi32, #tpu.memory_space<vmem>>
          %dma_wait3A_272 = tpu.memref_squeeze %dma_wait3A_271 : memref<1x1x128xi32, #tpu.memory_space<vmem>> -> memref<1x128xi32, #tpu.memory_space<vmem>>
          %dma_wait3A_273 = arith.constant 0 : i32
          %dma_wait3A_274 = tpu.memref_slice %arg3[%dma_wait3A_273, %mul3A_258] : memref<1x163840xi32, #tpu.memory_space<hbm>> -> memref<1x128xi32, #tpu.memory_space<hbm>>
          tpu.wait_dma2 semaphore(%dma_wait3A_268 : memref<!tpu.dma_semaphore, #tpu.memory_space<semaphore_mem>>) src(%dma_wait3A_274 : memref<1x128xi32, #tpu.memory_space<hbm>>) dst(%dma_wait3A_272 : memref<1x128xi32, #tpu.memory_space<vmem>>)
          "tpu.trace_stop"() : () -> ()
        } else {
        }
        %ne3A_178 = arith.cmpi ne, %add3A_124, %add3A_133 : i32
        %or3A_179 = arith.constant false
        %or3A_180 = arith.ori %or3A_179, %ne3A_178 : i1
        %or3A_181 = arith.constant false
        %or3A_182 = arith.ori %or3A_180, %or3A_181 : i1
        %or3A_183 = arith.ori %or3A_182, %eq3A_121 : i1
        %convert_element_type3A_184 = arith.extui %or3A_183 : i1 to i32
        %cond3A_185 = arith.constant 0 : i32
        %cond3A_186 = arith.cmpi ne, %convert_element_type3A_184, %cond3A_185 : i32
        scf.if %cond3A_186 {
        } else {
        }
        %rem3A_187 = arith.constant 2 : i32
        %rem3A_188 = arith.remui %scan3A_116, %rem3A_187 : i32
        %rem3A_189 = arith.constant 2 : i32
        %rem3A_190 = arith.remui %scan3A_117, %rem3A_189 : i32
        %run_scoped3A_191 = arith.constant 0 : i32
        "tpu.trace_start"() <{level = 10 : i32, message = "ep_run_kernel"}> : () -> ()
        "tpu.region"() ({
          %run_scoped3A_257 = tpu.sem_alloc : memref<!tpu.dma_semaphore, #tpu.memory_space<semaphore_mem>>
          %dma_start3A_258 = arith.constant 0 : i32
          %dma_start3A_259 = arith.constant 0 : i32
          %dma_start3A_260 = tpu.memref_slice %run_scoped3A_2[%rem3A_190, %dma_start3A_258, %dma_start3A_259] : memref<2x128x128xf32, #tpu.memory_space<vmem>> -> memref<1x128x128xf32, #tpu.memory_space<vmem>>
          %dma_start3A_261 = tpu.memref_squeeze %dma_start3A_260 : memref<1x128x128xf32, #tpu.memory_space<vmem>> -> memref<128x128xf32, #tpu.memory_space<vmem>>
          %dma_start3A_262 = arith.constant 0 : i32
          %dma_start3A_263 = arith.constant 0 : i32
          %dma_start3A_264 = tpu.memref_slice %run_scoped3A[%rem3A_188, %dma_start3A_262, %dma_start3A_263] : memref<2x1x128xi32, #tpu.memory_space<vmem>> -> memref<1x1x128xi32, #tpu.memory_space<vmem>>
          %dma_start3A_265 = tpu.memref_squeeze %dma_start3A_264 : memref<1x1x128xi32, #tpu.memory_space<vmem>> -> memref<1x128xi32, #tpu.memory_space<vmem>>
          %dma_start3A_266 = arith.constant 0 : i32
          %dma_start3A_267 = tpu.memref_slice %dma_start3A_265[%run_scoped3A_191, %dma_start3A_266] : memref<1x128xi32, #tpu.memory_space<vmem>> -> memref<1x128xi32, #tpu.memory_space<vmem>>
          %dma_start3A_268 = tpu.memref_squeeze %dma_start3A_267 : memref<1x128xi32, #tpu.memory_space<vmem>> -> memref<128xi32, #tpu.memory_space<vmem>>
          %dma_start3A_269 = arith.constant 0 : i32
          %dma_start3A_270 = arith.constant 0 : i32
          %dma_start3A_271 = tpu.memref_slice %arg2[%dma_start3A_269, %dma_start3A_270] : memref<8192x128xf32, #tpu.memory_space<hbm>> -> memref<8192x128xf32, #tpu.memory_space<hbm>>
          tpu.enqueue_indirect_dma source(%dma_start3A_271 : memref<8192x128xf32, #tpu.memory_space<hbm>>) target(%dma_start3A_261 : memref<128x128xf32, #tpu.memory_space<vmem>>) offsets(%dma_start3A_268 : memref<128xi32, #tpu.memory_space<vmem>>) semaphore(%run_scoped3A_257 : memref<!tpu.dma_semaphore, #tpu.memory_space<semaphore_mem>>)
          %dma_wait3A_272 = arith.constant 0 : i32
          %dma_wait3A_273 = arith.constant 0 : i32
          %dma_wait3A_274 = tpu.memref_slice %run_scoped3A_2[%rem3A_190, %dma_wait3A_272, %dma_wait3A_273] : memref<2x128x128xf32, #tpu.memory_space<vmem>> -> memref<1x128x128xf32, #tpu.memory_space<vmem>>
          %dma_wait3A_275 = tpu.memref_squeeze %dma_wait3A_274 : memref<1x128x128xf32, #tpu.memory_space<vmem>> -> memref<128x128xf32, #tpu.memory_space<vmem>>
          %dma_wait3A_276 = arith.constant 0 : i32
          %dma_wait3A_277 = arith.constant 0 : i32
          %dma_wait3A_278 = tpu.memref_slice %run_scoped3A[%rem3A_188, %dma_wait3A_276, %dma_wait3A_277] : memref<2x1x128xi32, #tpu.memory_space<vmem>> -> memref<1x1x128xi32, #tpu.memory_space<vmem>>
          %dma_wait3A_279 = tpu.memref_squeeze %dma_wait3A_278 : memref<1x1x128xi32, #tpu.memory_space<vmem>> -> memref<1x128xi32, #tpu.memory_space<vmem>>
          %dma_wait3A_280 = arith.constant 0 : i32
          %dma_wait3A_281 = tpu.memref_slice %dma_wait3A_279[%run_scoped3A_191, %dma_wait3A_280] : memref<1x128xi32, #tpu.memory_space<vmem>> -> memref<1x128xi32, #tpu.memory_space<vmem>>
          %dma_wait3A_282 = tpu.memref_squeeze %dma_wait3A_281 : memref<1x128xi32, #tpu.memory_space<vmem>> -> memref<128xi32, #tpu.memory_space<vmem>>
          %dma_wait3A_283 = arith.constant 0 : i32
          %dma_wait3A_284 = arith.constant 0 : i32
          %dma_wait3A_285 = tpu.memref_slice %arg2[%dma_wait3A_283, %dma_wait3A_284] : memref<8192x128xf32, #tpu.memory_space<hbm>> -> memref<8192x128xf32, #tpu.memory_space<hbm>>
          tpu.wait_indirect_dma semaphore(%run_scoped3A_257 : memref<!tpu.dma_semaphore, #tpu.memory_space<semaphore_mem>>) src(%dma_wait3A_285 : memref<8192x128xf32, #tpu.memory_space<hbm>>) dst(%dma_wait3A_275 : memref<128x128xf32, #tpu.memory_space<vmem>>)
          tpu.yield
        }) : () -> ()
        "tpu.trace_stop"() : () -> ()
        %ne3A_192 = arith.cmpi ne, %add3A_124, %add3A_142 : i32
        %or3A_193 = arith.constant false
        %or3A_194 = arith.ori %or3A_193, %ne3A_192 : i1
        %or3A_195 = arith.ori %or3A_194, %eq3A_123 : i1
        %convert_element_type3A_196 = arith.extui %or3A_195 : i1 to i32
        %cond3A_197 = arith.constant 0 : i32
        %cond3A_198 = arith.cmpi ne, %convert_element_type3A_196, %cond3A_197 : i32
        scf.if %cond3A_198 {
        } else {
        }
        %and3A_199 = arith.constant false
        %and3A_200 = arith.andi %or3A_195, %and3A_199 : i1
        %ne3A_201 = arith.cmpi ne, %add3A_124, %add3A_142 : i32
        %or3A_202 = arith.constant false
        %or3A_203 = arith.ori %or3A_202, %ne3A_201 : i1
        %or3A_204 = arith.constant false
        %or3A_205 = arith.ori %or3A_203, %or3A_204 : i1
        %or3A_206 = arith.ori %or3A_205, %eq3A_123 : i1
        %convert_element_type3A_207 = arith.extui %or3A_206 : i1 to i32
        %cond3A_208 = arith.constant 0 : i32
        %cond3A_209 = arith.cmpi ne, %convert_element_type3A_207, %cond3A_208 : i32
        scf.if %cond3A_209 {
          "tpu.trace_start"() <{level = 10 : i32, message = "ep_copy_out"}> : () -> ()
          %rem3A_257 = arith.constant 2 : i32
          %rem3A_258 = arith.remui %scan3A_117, %rem3A_257 : i32
          %mul3A_259 = arith.constant 128 : i32
          %mul3A_260 = arith.muli %mul3A_259, %add3A_124 : i32
          %dma_start3A_261 = arith.constant 0 : i32
          %dma_start3A_262 = arith.constant 0 : i32
          %dma_start3A_263 = tpu.memref_slice %run_scoped3A_2[%rem3A_258, %dma_start3A_261, %dma_start3A_262] : memref<2x128x128xf32, #tpu.memory_space<vmem>> -> memref<1x128x128xf32, #tpu.memory_space<vmem>>
          %dma_start3A_264 = tpu.memref_squeeze %dma_start3A_263 : memref<1x128x128xf32, #tpu.memory_space<vmem>> -> memref<128x128xf32, #tpu.memory_space<vmem>>
          %dma_start3A_265 = arith.constant 0 : i32
          %dma_start3A_266 = tpu.memref_slice %arg4[%mul3A_260, %dma_start3A_265] : memref<163840x128xf32, #tpu.memory_space<hbm>> -> memref<128x128xf32, #tpu.memory_space<hbm>>
          %dma_start3A_267 = tpu.memref_slice %run_scoped3A_3[%rem3A_258] : memref<2x!tpu.dma_semaphore, #tpu.memory_space<semaphore_mem>> -> memref<1x!tpu.dma_semaphore, #tpu.memory_space<semaphore_mem>>
          %dma_start3A_268 = tpu.memref_squeeze %dma_start3A_267 : memref<1x!tpu.dma_semaphore, #tpu.memory_space<semaphore_mem>> -> memref<!tpu.dma_semaphore, #tpu.memory_space<semaphore_mem>>
          %dma_start3A_269 = arith.constant 0 : i32
          %dma_start3A_270 = tpu.memref_slice %arg4[%mul3A_260, %dma_start3A_269] : memref<163840x128xf32, #tpu.memory_space<hbm>> -> memref<128x128xf32, #tpu.memory_space<hbm>>
          %dma_start3A_271 = arith.constant 0 : i32
          %dma_start3A_272 = arith.constant 0 : i32
          %dma_start3A_273 = tpu.memref_slice %run_scoped3A_2[%rem3A_258, %dma_start3A_271, %dma_start3A_272] : memref<2x128x128xf32, #tpu.memory_space<vmem>> -> memref<1x128x128xf32, #tpu.memory_space<vmem>>
          %dma_start3A_274 = tpu.memref_squeeze %dma_start3A_273 : memref<1x128x128xf32, #tpu.memory_space<vmem>> -> memref<128x128xf32, #tpu.memory_space<vmem>>
          tpu.enqueue_dma source(%dma_start3A_274 : memref<128x128xf32, #tpu.memory_space<vmem>>) target(%dma_start3A_270 : memref<128x128xf32, #tpu.memory_space<hbm>>) target_semaphore(%dma_start3A_268 : memref<!tpu.dma_semaphore, #tpu.memory_space<semaphore_mem>>)
          "tpu.trace_stop"() : () -> ()
        } else {
        }
        %and3A_210 = arith.constant true
        %and3A_211 = arith.andi %or3A_206, %and3A_210 : i1
        %add3A_212 = arith.constant 1 : i32
        %add3A_213 = arith.addi %scan3A_117, %add3A_212 : i32
        %select_n3A_214 = arith.select %and3A_211, %add3A_213, %scan3A_117 : i32
        %ne3A_215 = arith.cmpi ne, %add3A_124, %add3A_133 : i32
        %or3A_216 = arith.constant false
        %or3A_217 = arith.ori %or3A_216, %ne3A_215 : i1
        %not3A_218 = arith.constant true
        %not3A_219 = arith.xori %eq3A_121, %not3A_218 : i1
        %and3A_220 = arith.andi %or3A_217, %not3A_219 : i1
        %convert_element_type3A_221 = arith.extui %and3A_220 : i1 to i32
        %cond3A_222 = arith.constant 0 : i32
        %cond3A_223 = arith.cmpi ne, %convert_element_type3A_221, %cond3A_222 : i32
        scf.if %cond3A_223 {
        } else {
        }
        %and3A_224 = arith.constant false
        %and3A_225 = arith.andi %and3A_220, %and3A_224 : i1
        %ne3A_226 = arith.cmpi ne, %add3A_124, %add3A_133 : i32
        %or3A_227 = arith.constant false
        %or3A_228 = arith.ori %or3A_227, %ne3A_226 : i1
        %or3A_229 = arith.constant false
        %or3A_230 = arith.ori %or3A_228, %or3A_229 : i1
        %not3A_231 = arith.constant true
        %not3A_232 = arith.xori %eq3A_121, %not3A_231 : i1
        %and3A_233 = arith.andi %or3A_230, %not3A_232 : i1
        %convert_element_type3A_234 = arith.extui %and3A_233 : i1 to i32
        %cond3A_235 = arith.constant 0 : i32
        %cond3A_236 = arith.cmpi ne, %convert_element_type3A_234, %cond3A_235 : i32
        scf.if %cond3A_236 {
          "tpu.trace_start"() <{level = 10 : i32, message = "ep_wait_out"}> : () -> ()
          %rem3A_257 = arith.constant 2 : i32
          %rem3A_258 = arith.remui %scan3A_118, %rem3A_257 : i32
          %mul3A_259 = arith.constant 128 : i32
          %mul3A_260 = arith.muli %mul3A_259, %add3A_133 : i32
          %dma_wait3A_261 = arith.constant 0 : i32
          %dma_wait3A_262 = arith.constant 0 : i32
          %dma_wait3A_263 = tpu.memref_slice %run_scoped3A_2[%rem3A_258, %dma_wait3A_261, %dma_wait3A_262] : memref<2x128x128xf32, #tpu.memory_space<vmem>> -> memref<1x128x128xf32, #tpu.memory_space<vmem>>
          %dma_wait3A_264 = tpu.memref_squeeze %dma_wait3A_263 : memref<1x128x128xf32, #tpu.memory_space<vmem>> -> memref<128x128xf32, #tpu.memory_space<vmem>>
          %dma_wait3A_265 = arith.constant 0 : i32
          %dma_wait3A_266 = tpu.memref_slice %arg4[%mul3A_260, %dma_wait3A_265] : memref<163840x128xf32, #tpu.memory_space<hbm>> -> memref<128x128xf32, #tpu.memory_space<hbm>>
          %dma_wait3A_267 = tpu.memref_slice %run_scoped3A_3[%rem3A_258] : memref<2x!tpu.dma_semaphore, #tpu.memory_space<semaphore_mem>> -> memref<1x!tpu.dma_semaphore, #tpu.memory_space<semaphore_mem>>
          %dma_wait3A_268 = tpu.memref_squeeze %dma_wait3A_267 : memref<1x!tpu.dma_semaphore, #tpu.memory_space<semaphore_mem>> -> memref<!tpu.dma_semaphore, #tpu.memory_space<semaphore_mem>>
          %dma_wait3A_269 = arith.constant 0 : i32
          %dma_wait3A_270 = tpu.memref_slice %arg4[%mul3A_260, %dma_wait3A_269] : memref<163840x128xf32, #tpu.memory_space<hbm>> -> memref<128x128xf32, #tpu.memory_space<hbm>>
          %dma_wait3A_271 = arith.constant 0 : i32
          %dma_wait3A_272 = arith.constant 0 : i32
          %dma_wait3A_273 = tpu.memref_slice %run_scoped3A_2[%rem3A_258, %dma_wait3A_271, %dma_wait3A_272] : memref<2x128x128xf32, #tpu.memory_space<vmem>> -> memref<1x128x128xf32, #tpu.memory_space<vmem>>
          %dma_wait3A_274 = tpu.memref_squeeze %dma_wait3A_273 : memref<1x128x128xf32, #tpu.memory_space<vmem>> -> memref<128x128xf32, #tpu.memory_space<vmem>>
          tpu.wait_dma2 semaphore(%dma_wait3A_268 : memref<!tpu.dma_semaphore, #tpu.memory_space<semaphore_mem>>) src(%dma_wait3A_274 : memref<128x128xf32, #tpu.memory_space<vmem>>) dst(%dma_wait3A_270 : memref<128x128xf32, #tpu.memory_space<hbm>>)
          "tpu.trace_stop"() : () -> ()
        } else {
        }
        %and3A_237 = arith.constant true
        %and3A_238 = arith.andi %and3A_233, %and3A_237 : i1
        %add3A_239 = arith.constant 1 : i32
        %add3A_240 = arith.addi %scan3A_118, %add3A_239 : i32
        %select_n3A_241 = arith.select %and3A_238, %add3A_240, %scan3A_118 : i32
        %ne3A_242 = arith.cmpi ne, %add3A_124, %add3A_142 : i32
        %or3A_243 = arith.constant false
        %or3A_244 = arith.ori %or3A_243, %ne3A_242 : i1
        %or3A_245 = arith.ori %or3A_244, %eq3A_123 : i1
        %add3A_246 = arith.constant 1 : i32
        %add3A_247 = arith.addi %scan3A_116, %add3A_246 : i32
        %select_n3A_248 = arith.select %or3A_245, %add3A_247, %scan3A_116 : i32
        %add3A_249 = arith.constant 1 : i32
        %add3A_250 = arith.addi %scan3A_119, %add3A_249 : i32
        %select_n3A_251 = arith.constant true
        %select_n3A_252 = arith.select %select_n3A_251, %add3A_250, %scan3A_119 : i32
        %eq3A_253 = arith.constant 80 : i32
        %eq3A_254 = arith.cmpi eq, %select_n3A_252, %eq3A_253 : i32
        %select_n3A_255 = arith.constant 0 : i32
        %select_n3A_256 = arith.select %eq3A_254, %select_n3A_255, %select_n3A_252 : i32
        scf.yield %select_n3A_160, %select_n3A_248, %select_n3A_214, %select_n3A_241, %select_n3A_256 : i32, i32, i32, i32, i32
      }
      %scan3A_61 = arith.constant 80 : i32
      %sub3A = arith.constant 1 : i32
      %sub3A_62 = arith.subi %scan3A_60#4, %sub3A : i32
      %select_n3A_63 = arith.constant true
      %select_n3A_64 = arith.select %select_n3A_63, %sub3A_62, %scan3A_60#4 : i32
      %eq3A_65 = arith.constant -1 : i32
      %eq3A_66 = arith.cmpi eq, %select_n3A_64, %eq3A_65 : i32
      %select_n3A_67 = arith.constant 79 : i32
      %select_n3A_68 = arith.select %eq3A_66, %select_n3A_67, %select_n3A_64 : i32
      %add3A_69 = arith.addi %select_n3A_68, %mul3A_0 : i32
      %sub3A_70 = arith.constant 1 : i32
      %sub3A_71 = arith.subi %select_n3A_68, %sub3A_70 : i32
      %select_n3A_72 = arith.constant true
      %select_n3A_73 = arith.select %select_n3A_72, %sub3A_71, %select_n3A_68 : i32
      %eq3A_74 = arith.constant -1 : i32
      %eq3A_75 = arith.cmpi eq, %select_n3A_73, %eq3A_74 : i32
      %select_n3A_76 = arith.constant 79 : i32
      %select_n3A_77 = arith.select %eq3A_75, %select_n3A_76, %select_n3A_73 : i32
      %add3A_78 = arith.addi %select_n3A_77, %mul3A_0 : i32
      %add3A_79 = arith.constant 1 : i32
      %add3A_80 = arith.addi %select_n3A_68, %add3A_79 : i32
      %select_n3A_81 = arith.constant true
      %select_n3A_82 = arith.select %select_n3A_81, %add3A_80, %select_n3A_68 : i32
      %eq3A_83 = arith.constant 80 : i32
      %eq3A_84 = arith.cmpi eq, %select_n3A_82, %eq3A_83 : i32
      %select_n3A_85 = arith.constant 0 : i32
      %select_n3A_86 = arith.select %eq3A_84, %select_n3A_85, %select_n3A_82 : i32
      %add3A_87 = arith.addi %select_n3A_86, %mul3A_0 : i32
      %add3A_88 = arith.constant 1 : i32
      %add3A_89 = arith.addi %select_n3A_86, %add3A_88 : i32
      %select_n3A_90 = arith.constant true
      %select_n3A_91 = arith.select %select_n3A_90, %add3A_89, %select_n3A_86 : i32
      %eq3A_92 = arith.constant 80 : i32
      %eq3A_93 = arith.cmpi eq, %select_n3A_91, %eq3A_92 : i32
      %select_n3A_94 = arith.constant 0 : i32
      %select_n3A_95 = arith.select %eq3A_93, %select_n3A_94, %select_n3A_91 : i32
      %add3A_96 = arith.addi %select_n3A_95, %mul3A_0 : i32
      "tpu.trace_start"() <{level = 10 : i32, message = "ep_finalize"}> : () -> ()
      %rem3A_97 = arith.constant 2 : i32
      %rem3A_98 = arith.remui %scan3A_60#3, %rem3A_97 : i32
      %mul3A_99 = arith.constant 128 : i32
      %mul3A_100 = arith.muli %mul3A_99, %add3A_69 : i32
      %dma_wait3A = arith.constant 0 : i32
      %dma_wait3A_101 = arith.constant 0 : i32
      %dma_wait3A_102 = tpu.memref_slice %run_scoped3A_2[%rem3A_98, %dma_wait3A, %dma_wait3A_101] : memref<2x128x128xf32, #tpu.memory_space<vmem>> -> memref<1x128x128xf32, #tpu.memory_space<vmem>>
      %dma_wait3A_103 = tpu.memref_squeeze %dma_wait3A_102 : memref<1x128x128xf32, #tpu.memory_space<vmem>> -> memref<128x128xf32, #tpu.memory_space<vmem>>
      %dma_wait3A_104 = arith.constant 0 : i32
      %dma_wait3A_105 = tpu.memref_slice %arg4[%mul3A_100, %dma_wait3A_104] : memref<163840x128xf32, #tpu.memory_space<hbm>> -> memref<128x128xf32, #tpu.memory_space<hbm>>
      %dma_wait3A_106 = tpu.memref_slice %run_scoped3A_3[%rem3A_98] : memref<2x!tpu.dma_semaphore, #tpu.memory_space<semaphore_mem>> -> memref<1x!tpu.dma_semaphore, #tpu.memory_space<semaphore_mem>>
      %dma_wait3A_107 = tpu.memref_squeeze %dma_wait3A_106 : memref<1x!tpu.dma_semaphore, #tpu.memory_space<semaphore_mem>> -> memref<!tpu.dma_semaphore, #tpu.memory_space<semaphore_mem>>
      %dma_wait3A_108 = arith.constant 0 : i32
      %dma_wait3A_109 = tpu.memref_slice %arg4[%mul3A_100, %dma_wait3A_108] : memref<163840x128xf32, #tpu.memory_space<hbm>> -> memref<128x128xf32, #tpu.memory_space<hbm>>
      %dma_wait3A_110 = arith.constant 0 : i32
      %dma_wait3A_111 = arith.constant 0 : i32
      %dma_wait3A_112 = tpu.memref_slice %run_scoped3A_2[%rem3A_98, %dma_wait3A_110, %dma_wait3A_111] : memref<2x128x128xf32, #tpu.memory_space<vmem>> -> memref<1x128x128xf32, #tpu.memory_space<vmem>>
      %dma_wait3A_113 = tpu.memref_squeeze %dma_wait3A_112 : memref<1x128x128xf32, #tpu.memory_space<vmem>> -> memref<128x128xf32, #tpu.memory_space<vmem>>
      tpu.wait_dma2 semaphore(%dma_wait3A_107 : memref<!tpu.dma_semaphore, #tpu.memory_space<semaphore_mem>>) src(%dma_wait3A_113 : memref<128x128xf32, #tpu.memory_space<vmem>>) dst(%dma_wait3A_109 : memref<128x128xf32, #tpu.memory_space<hbm>>)
      "tpu.trace_stop"() : () -> ()
      tpu.yield
    }) : () -> ()
    return
  }
}

module attributes {stable_mosaic.version = 14 : i64} {
  func.func @_knn_body(%arg0: i32, %arg1: i32, %arg2: memref<1x256x128xf32, #tpu.memory_space<vmem>>, %arg3: memref<1x2048x128xf32, #tpu.memory_space<vmem>>, %arg4: memref<1x256x20xi32, #tpu.memory_space<vmem>>, %arg5: memref<256x2048xf32, #tpu.memory_space<vmem>>) attributes {dimension_semantics = [#tpu.dimension_semantics<arbitrary>, #tpu.dimension_semantics<arbitrary>], iteration_bounds = array<i64: 4, 8>, scalar_prefetch = 0 : i64, scratch_operands = 1 : i64, tpu.core_type = #tpu.core_type<tc>, window_params = [{transform_indices = @transform_0, window_bounds = array<i64: 1, 256, 128>}, {transform_indices = @transform_1, window_bounds = array<i64: 1, 2048, 128>}, {transform_indices = @transform_2, window_bounds = array<i64: 1, 256, 20>}]} {
    %get3A = arith.constant 0 : index
    %get3A_0 = arith.constant 0 : index
    %get3A_1 = arith.constant 0 : index
    %get3A_2 = vector.load %arg2[%get3A, %get3A_0, %get3A_1] : memref<1x256x128xf32, #tpu.memory_space<vmem>>, vector<1x256x128xf32>
    %get3A_3 = vector.shape_cast %get3A_2 : vector<1x256x128xf32> to vector<256x128xf32>
    %get3A_4 = arith.constant 0 : index
    %get3A_5 = arith.constant 0 : index
    %get3A_6 = arith.constant 0 : index
    %get3A_7 = vector.load %arg3[%get3A_4, %get3A_5, %get3A_6] : memref<1x2048x128xf32, #tpu.memory_space<vmem>>, vector<1x2048x128xf32>
    %get3A_8 = vector.shape_cast %get3A_7 : vector<1x2048x128xf32> to vector<2048x128xf32>
    %convert_element_type3A = arith.truncf %get3A_3 : vector<256x128xf32> to vector<256x128xbf16>
    %convert_element_type3A_9 = arith.truncf %get3A_8 : vector<2048x128xf32> to vector<2048x128xbf16>
    %dot_general3A = arith.constant dense<0.000000e+00> : vector<256x2048xf32>
    %dot_general3A_10 = tpu.matmul %convert_element_type3A, %convert_element_type3A_9, %dot_general3A {dimension_numbers = #tpu.dot_dimension_numbers<[1], [1], [0], [0], [0, 0, 1, 0], [], []>, transpose_lhs_hint = false} : vector<256x128xbf16>, vector<2048x128xbf16>, vector<256x2048xf32> -> vector<256x2048xf32>
    %mul3A = arith.mulf %get3A_3, %get3A_3 : vector<256x128xf32>
    %reduce_sum3A = arith.constant dense<0.000000e+00> : vector<256xf32>
    %reduce_sum3A_11 = vector.multi_reduction <add>, %mul3A, %reduce_sum3A [1] : vector<256x128xf32> to vector<256xf32>
    %broadcast_in_dim3A = vector.shape_cast %reduce_sum3A_11 : vector<256xf32> to vector<256x1xf32>
    %mul3A_12 = arith.mulf %get3A_8, %get3A_8 : vector<2048x128xf32>
    %reduce_sum3A_13 = arith.constant dense<0.000000e+00> : vector<2048xf32>
    %reduce_sum3A_14 = vector.multi_reduction <add>, %mul3A_12, %reduce_sum3A_13 [1] : vector<2048x128xf32> to vector<2048xf32>
    %broadcast_in_dim3A_15 = vector.shape_cast %reduce_sum3A_14 : vector<2048xf32> to vector<1x2048xf32>
    %mul3A_16 = arith.constant 2.000000e+00 : f32
    %mul3A_17 = vector.broadcast %mul3A_16 : f32 to vector<256x2048xf32>
    %mul3A_18 = arith.mulf %mul3A_17, %dot_general3A_10 : vector<256x2048xf32>
    %sub3A = vector.broadcast %broadcast_in_dim3A : vector<256x1xf32> to vector<256x2048xf32>
    %sub3A_19 = arith.subf %mul3A_18, %sub3A : vector<256x2048xf32>
    %sub3A_20 = vector.broadcast %broadcast_in_dim3A_15 : vector<1x2048xf32> to vector<256x2048xf32>
    %sub3A_21 = arith.subf %sub3A_19, %sub3A_20 : vector<256x2048xf32>
    %swap3A = arith.constant 0 : index
    %swap3A_22 = arith.constant 0 : index
    %swap3A_23 = vector.load %arg5[%swap3A, %swap3A_22] : memref<256x2048xf32, #tpu.memory_space<vmem>>, vector<256x2048xf32>
    tpu.vector_store %arg5[%swap3A, %swap3A_22], %sub3A_21 {strides = array<i32>} : memref<256x2048xf32, #tpu.memory_space<vmem>>, vector<256x2048xf32>,
    %scan3A = arith.constant 0 : i32
    %scan3A_24 = arith.constant 32 : i32
    %scan3A_25 = arith.addi %scan3A, %scan3A_24 : i32
    %scan3A_26 = arith.constant 1 : i32
    scf.for %scan3A_28 = %scan3A to %scan3A_25 step %scan3A_26  : i32 {
      %mul3A_29 = arith.constant 8 : i32
      %mul3A_30 = arith.muli %scan3A_28, %mul3A_29 : i32
      %get3A_31 = arith.index_cast %mul3A_30 : i32 to index
      %get3A_32 = arith.constant 0 : index
      %get3A_33 = vector.load %arg5[%get3A_31, %get3A_32] : memref<256x2048xf32, #tpu.memory_space<vmem>>, vector<8x2048xf32>
      %iota3A = tpu.iota {dimensions = array<i32: 1>} : vector<8x2048xi32>
      %iota3A_34 = tpu.iota {dimensions = array<i32: 1>} : vector<8x20xi32>
      %broadcast_in_dim3A_35 = arith.constant 0 : i32
      %broadcast_in_dim3A_36 = vector.broadcast %broadcast_in_dim3A_35 : i32 to vector<8x20xi32>
      %reduce_max3A = arith.constant dense<0xFF800000> : vector<8xf32>
      %reduce_max3A_37 = vector.multi_reduction <maximumf>, %get3A_33, %reduce_max3A [1] : vector<8x2048xf32> to vector<8xf32>
      %broadcast_in_dim3A_38 = vector.shape_cast %reduce_max3A_37 : vector<8xf32> to vector<8x1xf32>
      %eq3A = vector.broadcast %broadcast_in_dim3A_38 : vector<8x1xf32> to vector<8x2048xf32>
      %eq3A_39 = arith.cmpf oeq, %get3A_33, %eq3A : vector<8x2048xf32>
      %jit3A = arith.constant 2048 : i32
      %broadcast_in_dim3A_40 = vector.broadcast %jit3A : i32 to vector<8x2048xi32>
      %select_n3A = arith.select %eq3A_39, %iota3A, %broadcast_in_dim3A_40 : vector<8x2048xi1>, vector<8x2048xi32>
      %reduce_min3A = arith.constant dense<2147483647> : vector<8xi32>
      %reduce_min3A_41 = vector.multi_reduction <minsi>, %select_n3A, %reduce_min3A [1] : vector<8x2048xi32> to vector<8xi32>
      %broadcast_in_dim3A_42 = vector.shape_cast %reduce_min3A_41 : vector<8xi32> to vector<8x1xi32>
      %eq3A_43 = arith.constant 0 : i32
      %eq3A_44 = vector.broadcast %eq3A_43 : i32 to vector<8x20xi32>
      %eq3A_45 = arith.cmpi eq, %iota3A_34, %eq3A_44 : vector<8x20xi32>
      %broadcast_in_dim3A_46 = vector.shape_cast %broadcast_in_dim3A_42 : vector<8x1xi32> to vector<8x1xi32>
      %broadcast_in_dim3A_47 = vector.broadcast %broadcast_in_dim3A_46 : vector<8x1xi32> to vector<8x20xi32>
      %select_n3A_48 = arith.select %eq3A_45, %broadcast_in_dim3A_47, %broadcast_in_dim3A_36 : vector<8x20xi1>, vector<8x20xi32>
      %eq3A_49 = vector.broadcast %broadcast_in_dim3A_42 : vector<8x1xi32> to vector<8x2048xi32>
      %eq3A_50 = arith.cmpi eq, %iota3A, %eq3A_49 : vector<8x2048xi32>
      %jit3A_51 = arith.constant 0xFF800000 : f32
      %broadcast_in_dim3A_52 = vector.broadcast %jit3A_51 : f32 to vector<8x2048xf32>
      %select_n3A_53 = arith.select %eq3A_50, %broadcast_in_dim3A_52, %get3A_33 : vector<8x2048xi1>, vector<8x2048xf32>
      %reduce_max3A_54 = arith.constant dense<0xFF800000> : vector<8xf32>
      %reduce_max3A_55 = vector.multi_reduction <maximumf>, %select_n3A_53, %reduce_max3A_54 [1] : vector<8x2048xf32> to vector<8xf32>
      %broadcast_in_dim3A_56 = vector.shape_cast %reduce_max3A_55 : vector<8xf32> to vector<8x1xf32>
      %eq3A_57 = vector.broadcast %broadcast_in_dim3A_56 : vector<8x1xf32> to vector<8x2048xf32>
      %eq3A_58 = arith.cmpf oeq, %select_n3A_53, %eq3A_57 : vector<8x2048xf32>
      %jit3A_59 = arith.constant 2048 : i32
      %broadcast_in_dim3A_60 = vector.broadcast %jit3A_59 : i32 to vector<8x2048xi32>
      %select_n3A_61 = arith.select %eq3A_58, %iota3A, %broadcast_in_dim3A_60 : vector<8x2048xi1>, vector<8x2048xi32>
      %reduce_min3A_62 = arith.constant dense<2147483647> : vector<8xi32>
      %reduce_min3A_63 = vector.multi_reduction <minsi>, %select_n3A_61, %reduce_min3A_62 [1] : vector<8x2048xi32> to vector<8xi32>
      %broadcast_in_dim3A_64 = vector.shape_cast %reduce_min3A_63 : vector<8xi32> to vector<8x1xi32>
      %eq3A_65 = arith.constant 1 : i32
      %eq3A_66 = vector.broadcast %eq3A_65 : i32 to vector<8x20xi32>
      %eq3A_67 = arith.cmpi eq, %iota3A_34, %eq3A_66 : vector<8x20xi32>
      %broadcast_in_dim3A_68 = vector.shape_cast %broadcast_in_dim3A_64 : vector<8x1xi32> to vector<8x1xi32>
      %broadcast_in_dim3A_69 = vector.broadcast %broadcast_in_dim3A_68 : vector<8x1xi32> to vector<8x20xi32>
      %select_n3A_70 = arith.select %eq3A_67, %broadcast_in_dim3A_69, %select_n3A_48 : vector<8x20xi1>, vector<8x20xi32>
      %eq3A_71 = vector.broadcast %broadcast_in_dim3A_64 : vector<8x1xi32> to vector<8x2048xi32>
      %eq3A_72 = arith.cmpi eq, %iota3A, %eq3A_71 : vector<8x2048xi32>
      %jit3A_73 = arith.constant 0xFF800000 : f32
      %broadcast_in_dim3A_74 = vector.broadcast %jit3A_73 : f32 to vector<8x2048xf32>
      %select_n3A_75 = arith.select %eq3A_72, %broadcast_in_dim3A_74, %select_n3A_53 : vector<8x2048xi1>, vector<8x2048xf32>
      %reduce_max3A_76 = arith.constant dense<0xFF800000> : vector<8xf32>
      %reduce_max3A_77 = vector.multi_reduction <maximumf>, %select_n3A_75, %reduce_max3A_76 [1] : vector<8x2048xf32> to vector<8xf32>
      %broadcast_in_dim3A_78 = vector.shape_cast %reduce_max3A_77 : vector<8xf32> to vector<8x1xf32>
      %eq3A_79 = vector.broadcast %broadcast_in_dim3A_78 : vector<8x1xf32> to vector<8x2048xf32>
      %eq3A_80 = arith.cmpf oeq, %select_n3A_75, %eq3A_79 : vector<8x2048xf32>
      %jit3A_81 = arith.constant 2048 : i32
      %broadcast_in_dim3A_82 = vector.broadcast %jit3A_81 : i32 to vector<8x2048xi32>
      %select_n3A_83 = arith.select %eq3A_80, %iota3A, %broadcast_in_dim3A_82 : vector<8x2048xi1>, vector<8x2048xi32>
      %reduce_min3A_84 = arith.constant dense<2147483647> : vector<8xi32>
      %reduce_min3A_85 = vector.multi_reduction <minsi>, %select_n3A_83, %reduce_min3A_84 [1] : vector<8x2048xi32> to vector<8xi32>
      %broadcast_in_dim3A_86 = vector.shape_cast %reduce_min3A_85 : vector<8xi32> to vector<8x1xi32>
      %eq3A_87 = arith.constant 2 : i32
      %eq3A_88 = vector.broadcast %eq3A_87 : i32 to vector<8x20xi32>
      %eq3A_89 = arith.cmpi eq, %iota3A_34, %eq3A_88 : vector<8x20xi32>
      %broadcast_in_dim3A_90 = vector.shape_cast %broadcast_in_dim3A_86 : vector<8x1xi32> to vector<8x1xi32>
      %broadcast_in_dim3A_91 = vector.broadcast %broadcast_in_dim3A_90 : vector<8x1xi32> to vector<8x20xi32>
      %select_n3A_92 = arith.select %eq3A_89, %broadcast_in_dim3A_91, %select_n3A_70 : vector<8x20xi1>, vector<8x20xi32>
      %eq3A_93 = vector.broadcast %broadcast_in_dim3A_86 : vector<8x1xi32> to vector<8x2048xi32>
      %eq3A_94 = arith.cmpi eq, %iota3A, %eq3A_93 : vector<8x2048xi32>
      %jit3A_95 = arith.constant 0xFF800000 : f32
      %broadcast_in_dim3A_96 = vector.broadcast %jit3A_95 : f32 to vector<8x2048xf32>
      %select_n3A_97 = arith.select %eq3A_94, %broadcast_in_dim3A_96, %select_n3A_75 : vector<8x2048xi1>, vector<8x2048xf32>
      %reduce_max3A_98 = arith.constant dense<0xFF800000> : vector<8xf32>
      %reduce_max3A_99 = vector.multi_reduction <maximumf>, %select_n3A_97, %reduce_max3A_98 [1] : vector<8x2048xf32> to vector<8xf32>
      %broadcast_in_dim3A_100 = vector.shape_cast %reduce_max3A_99 : vector<8xf32> to vector<8x1xf32>
      %eq3A_101 = vector.broadcast %broadcast_in_dim3A_100 : vector<8x1xf32> to vector<8x2048xf32>
      %eq3A_102 = arith.cmpf oeq, %select_n3A_97, %eq3A_101 : vector<8x2048xf32>
      %jit3A_103 = arith.constant 2048 : i32
      %broadcast_in_dim3A_104 = vector.broadcast %jit3A_103 : i32 to vector<8x2048xi32>
      %select_n3A_105 = arith.select %eq3A_102, %iota3A, %broadcast_in_dim3A_104 : vector<8x2048xi1>, vector<8x2048xi32>
      %reduce_min3A_106 = arith.constant dense<2147483647> : vector<8xi32>
      %reduce_min3A_107 = vector.multi_reduction <minsi>, %select_n3A_105, %reduce_min3A_106 [1] : vector<8x2048xi32> to vector<8xi32>
      %broadcast_in_dim3A_108 = vector.shape_cast %reduce_min3A_107 : vector<8xi32> to vector<8x1xi32>
      %eq3A_109 = arith.constant 3 : i32
      %eq3A_110 = vector.broadcast %eq3A_109 : i32 to vector<8x20xi32>
      %eq3A_111 = arith.cmpi eq, %iota3A_34, %eq3A_110 : vector<8x20xi32>
      %broadcast_in_dim3A_112 = vector.shape_cast %broadcast_in_dim3A_108 : vector<8x1xi32> to vector<8x1xi32>
      %broadcast_in_dim3A_113 = vector.broadcast %broadcast_in_dim3A_112 : vector<8x1xi32> to vector<8x20xi32>
      %select_n3A_114 = arith.select %eq3A_111, %broadcast_in_dim3A_113, %select_n3A_92 : vector<8x20xi1>, vector<8x20xi32>
      %eq3A_115 = vector.broadcast %broadcast_in_dim3A_108 : vector<8x1xi32> to vector<8x2048xi32>
      %eq3A_116 = arith.cmpi eq, %iota3A, %eq3A_115 : vector<8x2048xi32>
      %jit3A_117 = arith.constant 0xFF800000 : f32
      %broadcast_in_dim3A_118 = vector.broadcast %jit3A_117 : f32 to vector<8x2048xf32>
      %select_n3A_119 = arith.select %eq3A_116, %broadcast_in_dim3A_118, %select_n3A_97 : vector<8x2048xi1>, vector<8x2048xf32>
      %reduce_max3A_120 = arith.constant dense<0xFF800000> : vector<8xf32>
      %reduce_max3A_121 = vector.multi_reduction <maximumf>, %select_n3A_119, %reduce_max3A_120 [1] : vector<8x2048xf32> to vector<8xf32>
      %broadcast_in_dim3A_122 = vector.shape_cast %reduce_max3A_121 : vector<8xf32> to vector<8x1xf32>
      %eq3A_123 = vector.broadcast %broadcast_in_dim3A_122 : vector<8x1xf32> to vector<8x2048xf32>
      %eq3A_124 = arith.cmpf oeq, %select_n3A_119, %eq3A_123 : vector<8x2048xf32>
      %jit3A_125 = arith.constant 2048 : i32
      %broadcast_in_dim3A_126 = vector.broadcast %jit3A_125 : i32 to vector<8x2048xi32>
      %select_n3A_127 = arith.select %eq3A_124, %iota3A, %broadcast_in_dim3A_126 : vector<8x2048xi1>, vector<8x2048xi32>
      %reduce_min3A_128 = arith.constant dense<2147483647> : vector<8xi32>
      %reduce_min3A_129 = vector.multi_reduction <minsi>, %select_n3A_127, %reduce_min3A_128 [1] : vector<8x2048xi32> to vector<8xi32>
      %broadcast_in_dim3A_130 = vector.shape_cast %reduce_min3A_129 : vector<8xi32> to vector<8x1xi32>
      %eq3A_131 = arith.constant 4 : i32
      %eq3A_132 = vector.broadcast %eq3A_131 : i32 to vector<8x20xi32>
      %eq3A_133 = arith.cmpi eq, %iota3A_34, %eq3A_132 : vector<8x20xi32>
      %broadcast_in_dim3A_134 = vector.shape_cast %broadcast_in_dim3A_130 : vector<8x1xi32> to vector<8x1xi32>
      %broadcast_in_dim3A_135 = vector.broadcast %broadcast_in_dim3A_134 : vector<8x1xi32> to vector<8x20xi32>
      %select_n3A_136 = arith.select %eq3A_133, %broadcast_in_dim3A_135, %select_n3A_114 : vector<8x20xi1>, vector<8x20xi32>
      %eq3A_137 = vector.broadcast %broadcast_in_dim3A_130 : vector<8x1xi32> to vector<8x2048xi32>
      %eq3A_138 = arith.cmpi eq, %iota3A, %eq3A_137 : vector<8x2048xi32>
      %jit3A_139 = arith.constant 0xFF800000 : f32
      %broadcast_in_dim3A_140 = vector.broadcast %jit3A_139 : f32 to vector<8x2048xf32>
      %select_n3A_141 = arith.select %eq3A_138, %broadcast_in_dim3A_140, %select_n3A_119 : vector<8x2048xi1>, vector<8x2048xf32>
      %reduce_max3A_142 = arith.constant dense<0xFF800000> : vector<8xf32>
      %reduce_max3A_143 = vector.multi_reduction <maximumf>, %select_n3A_141, %reduce_max3A_142 [1] : vector<8x2048xf32> to vector<8xf32>
      %broadcast_in_dim3A_144 = vector.shape_cast %reduce_max3A_143 : vector<8xf32> to vector<8x1xf32>
      %eq3A_145 = vector.broadcast %broadcast_in_dim3A_144 : vector<8x1xf32> to vector<8x2048xf32>
      %eq3A_146 = arith.cmpf oeq, %select_n3A_141, %eq3A_145 : vector<8x2048xf32>
      %jit3A_147 = arith.constant 2048 : i32
      %broadcast_in_dim3A_148 = vector.broadcast %jit3A_147 : i32 to vector<8x2048xi32>
      %select_n3A_149 = arith.select %eq3A_146, %iota3A, %broadcast_in_dim3A_148 : vector<8x2048xi1>, vector<8x2048xi32>
      %reduce_min3A_150 = arith.constant dense<2147483647> : vector<8xi32>
      %reduce_min3A_151 = vector.multi_reduction <minsi>, %select_n3A_149, %reduce_min3A_150 [1] : vector<8x2048xi32> to vector<8xi32>
      %broadcast_in_dim3A_152 = vector.shape_cast %reduce_min3A_151 : vector<8xi32> to vector<8x1xi32>
      %eq3A_153 = arith.constant 5 : i32
      %eq3A_154 = vector.broadcast %eq3A_153 : i32 to vector<8x20xi32>
      %eq3A_155 = arith.cmpi eq, %iota3A_34, %eq3A_154 : vector<8x20xi32>
      %broadcast_in_dim3A_156 = vector.shape_cast %broadcast_in_dim3A_152 : vector<8x1xi32> to vector<8x1xi32>
      %broadcast_in_dim3A_157 = vector.broadcast %broadcast_in_dim3A_156 : vector<8x1xi32> to vector<8x20xi32>
      %select_n3A_158 = arith.select %eq3A_155, %broadcast_in_dim3A_157, %select_n3A_136 : vector<8x20xi1>, vector<8x20xi32>
      %eq3A_159 = vector.broadcast %broadcast_in_dim3A_152 : vector<8x1xi32> to vector<8x2048xi32>
      %eq3A_160 = arith.cmpi eq, %iota3A, %eq3A_159 : vector<8x2048xi32>
      %jit3A_161 = arith.constant 0xFF800000 : f32
      %broadcast_in_dim3A_162 = vector.broadcast %jit3A_161 : f32 to vector<8x2048xf32>
      %select_n3A_163 = arith.select %eq3A_160, %broadcast_in_dim3A_162, %select_n3A_141 : vector<8x2048xi1>, vector<8x2048xf32>
      %reduce_max3A_164 = arith.constant dense<0xFF800000> : vector<8xf32>
      %reduce_max3A_165 = vector.multi_reduction <maximumf>, %select_n3A_163, %reduce_max3A_164 [1] : vector<8x2048xf32> to vector<8xf32>
      %broadcast_in_dim3A_166 = vector.shape_cast %reduce_max3A_165 : vector<8xf32> to vector<8x1xf32>
      %eq3A_167 = vector.broadcast %broadcast_in_dim3A_166 : vector<8x1xf32> to vector<8x2048xf32>
      %eq3A_168 = arith.cmpf oeq, %select_n3A_163, %eq3A_167 : vector<8x2048xf32>
      %jit3A_169 = arith.constant 2048 : i32
      %broadcast_in_dim3A_170 = vector.broadcast %jit3A_169 : i32 to vector<8x2048xi32>
      %select_n3A_171 = arith.select %eq3A_168, %iota3A, %broadcast_in_dim3A_170 : vector<8x2048xi1>, vector<8x2048xi32>
      %reduce_min3A_172 = arith.constant dense<2147483647> : vector<8xi32>
      %reduce_min3A_173 = vector.multi_reduction <minsi>, %select_n3A_171, %reduce_min3A_172 [1] : vector<8x2048xi32> to vector<8xi32>
      %broadcast_in_dim3A_174 = vector.shape_cast %reduce_min3A_173 : vector<8xi32> to vector<8x1xi32>
      %eq3A_175 = arith.constant 6 : i32
      %eq3A_176 = vector.broadcast %eq3A_175 : i32 to vector<8x20xi32>
      %eq3A_177 = arith.cmpi eq, %iota3A_34, %eq3A_176 : vector<8x20xi32>
      %broadcast_in_dim3A_178 = vector.shape_cast %broadcast_in_dim3A_174 : vector<8x1xi32> to vector<8x1xi32>
      %broadcast_in_dim3A_179 = vector.broadcast %broadcast_in_dim3A_178 : vector<8x1xi32> to vector<8x20xi32>
      %select_n3A_180 = arith.select %eq3A_177, %broadcast_in_dim3A_179, %select_n3A_158 : vector<8x20xi1>, vector<8x20xi32>
      %eq3A_181 = vector.broadcast %broadcast_in_dim3A_174 : vector<8x1xi32> to vector<8x2048xi32>
      %eq3A_182 = arith.cmpi eq, %iota3A, %eq3A_181 : vector<8x2048xi32>
      %jit3A_183 = arith.constant 0xFF800000 : f32
      %broadcast_in_dim3A_184 = vector.broadcast %jit3A_183 : f32 to vector<8x2048xf32>
      %select_n3A_185 = arith.select %eq3A_182, %broadcast_in_dim3A_184, %select_n3A_163 : vector<8x2048xi1>, vector<8x2048xf32>
      %reduce_max3A_186 = arith.constant dense<0xFF800000> : vector<8xf32>
      %reduce_max3A_187 = vector.multi_reduction <maximumf>, %select_n3A_185, %reduce_max3A_186 [1] : vector<8x2048xf32> to vector<8xf32>
      %broadcast_in_dim3A_188 = vector.shape_cast %reduce_max3A_187 : vector<8xf32> to vector<8x1xf32>
      %eq3A_189 = vector.broadcast %broadcast_in_dim3A_188 : vector<8x1xf32> to vector<8x2048xf32>
      %eq3A_190 = arith.cmpf oeq, %select_n3A_185, %eq3A_189 : vector<8x2048xf32>
      %jit3A_191 = arith.constant 2048 : i32
      %broadcast_in_dim3A_192 = vector.broadcast %jit3A_191 : i32 to vector<8x2048xi32>
      %select_n3A_193 = arith.select %eq3A_190, %iota3A, %broadcast_in_dim3A_192 : vector<8x2048xi1>, vector<8x2048xi32>
      %reduce_min3A_194 = arith.constant dense<2147483647> : vector<8xi32>
      %reduce_min3A_195 = vector.multi_reduction <minsi>, %select_n3A_193, %reduce_min3A_194 [1] : vector<8x2048xi32> to vector<8xi32>
      %broadcast_in_dim3A_196 = vector.shape_cast %reduce_min3A_195 : vector<8xi32> to vector<8x1xi32>
      %eq3A_197 = arith.constant 7 : i32
      %eq3A_198 = vector.broadcast %eq3A_197 : i32 to vector<8x20xi32>
      %eq3A_199 = arith.cmpi eq, %iota3A_34, %eq3A_198 : vector<8x20xi32>
      %broadcast_in_dim3A_200 = vector.shape_cast %broadcast_in_dim3A_196 : vector<8x1xi32> to vector<8x1xi32>
      %broadcast_in_dim3A_201 = vector.broadcast %broadcast_in_dim3A_200 : vector<8x1xi32> to vector<8x20xi32>
      %select_n3A_202 = arith.select %eq3A_199, %broadcast_in_dim3A_201, %select_n3A_180 : vector<8x20xi1>, vector<8x20xi32>
      %eq3A_203 = vector.broadcast %broadcast_in_dim3A_196 : vector<8x1xi32> to vector<8x2048xi32>
      %eq3A_204 = arith.cmpi eq, %iota3A, %eq3A_203 : vector<8x2048xi32>
      %jit3A_205 = arith.constant 0xFF800000 : f32
      %broadcast_in_dim3A_206 = vector.broadcast %jit3A_205 : f32 to vector<8x2048xf32>
      %select_n3A_207 = arith.select %eq3A_204, %broadcast_in_dim3A_206, %select_n3A_185 : vector<8x2048xi1>, vector<8x2048xf32>
      %reduce_max3A_208 = arith.constant dense<0xFF800000> : vector<8xf32>
      %reduce_max3A_209 = vector.multi_reduction <maximumf>, %select_n3A_207, %reduce_max3A_208 [1] : vector<8x2048xf32> to vector<8xf32>
      %broadcast_in_dim3A_210 = vector.shape_cast %reduce_max3A_209 : vector<8xf32> to vector<8x1xf32>
      %eq3A_211 = vector.broadcast %broadcast_in_dim3A_210 : vector<8x1xf32> to vector<8x2048xf32>
      %eq3A_212 = arith.cmpf oeq, %select_n3A_207, %eq3A_211 : vector<8x2048xf32>
      %jit3A_213 = arith.constant 2048 : i32
      %broadcast_in_dim3A_214 = vector.broadcast %jit3A_213 : i32 to vector<8x2048xi32>
      %select_n3A_215 = arith.select %eq3A_212, %iota3A, %broadcast_in_dim3A_214 : vector<8x2048xi1>, vector<8x2048xi32>
      %reduce_min3A_216 = arith.constant dense<2147483647> : vector<8xi32>
      %reduce_min3A_217 = vector.multi_reduction <minsi>, %select_n3A_215, %reduce_min3A_216 [1] : vector<8x2048xi32> to vector<8xi32>
      %broadcast_in_dim3A_218 = vector.shape_cast %reduce_min3A_217 : vector<8xi32> to vector<8x1xi32>
      %eq3A_219 = arith.constant 8 : i32
      %eq3A_220 = vector.broadcast %eq3A_219 : i32 to vector<8x20xi32>
      %eq3A_221 = arith.cmpi eq, %iota3A_34, %eq3A_220 : vector<8x20xi32>
      %broadcast_in_dim3A_222 = vector.shape_cast %broadcast_in_dim3A_218 : vector<8x1xi32> to vector<8x1xi32>
      %broadcast_in_dim3A_223 = vector.broadcast %broadcast_in_dim3A_222 : vector<8x1xi32> to vector<8x20xi32>
      %select_n3A_224 = arith.select %eq3A_221, %broadcast_in_dim3A_223, %select_n3A_202 : vector<8x20xi1>, vector<8x20xi32>
      %eq3A_225 = vector.broadcast %broadcast_in_dim3A_218 : vector<8x1xi32> to vector<8x2048xi32>
      %eq3A_226 = arith.cmpi eq, %iota3A, %eq3A_225 : vector<8x2048xi32>
      %jit3A_227 = arith.constant 0xFF800000 : f32
      %broadcast_in_dim3A_228 = vector.broadcast %jit3A_227 : f32 to vector<8x2048xf32>
      %select_n3A_229 = arith.select %eq3A_226, %broadcast_in_dim3A_228, %select_n3A_207 : vector<8x2048xi1>, vector<8x2048xf32>
      %reduce_max3A_230 = arith.constant dense<0xFF800000> : vector<8xf32>
      %reduce_max3A_231 = vector.multi_reduction <maximumf>, %select_n3A_229, %reduce_max3A_230 [1] : vector<8x2048xf32> to vector<8xf32>
      %broadcast_in_dim3A_232 = vector.shape_cast %reduce_max3A_231 : vector<8xf32> to vector<8x1xf32>
      %eq3A_233 = vector.broadcast %broadcast_in_dim3A_232 : vector<8x1xf32> to vector<8x2048xf32>
      %eq3A_234 = arith.cmpf oeq, %select_n3A_229, %eq3A_233 : vector<8x2048xf32>
      %jit3A_235 = arith.constant 2048 : i32
      %broadcast_in_dim3A_236 = vector.broadcast %jit3A_235 : i32 to vector<8x2048xi32>
      %select_n3A_237 = arith.select %eq3A_234, %iota3A, %broadcast_in_dim3A_236 : vector<8x2048xi1>, vector<8x2048xi32>
      %reduce_min3A_238 = arith.constant dense<2147483647> : vector<8xi32>
      %reduce_min3A_239 = vector.multi_reduction <minsi>, %select_n3A_237, %reduce_min3A_238 [1] : vector<8x2048xi32> to vector<8xi32>
      %broadcast_in_dim3A_240 = vector.shape_cast %reduce_min3A_239 : vector<8xi32> to vector<8x1xi32>
      %eq3A_241 = arith.constant 9 : i32
      %eq3A_242 = vector.broadcast %eq3A_241 : i32 to vector<8x20xi32>
      %eq3A_243 = arith.cmpi eq, %iota3A_34, %eq3A_242 : vector<8x20xi32>
      %broadcast_in_dim3A_244 = vector.shape_cast %broadcast_in_dim3A_240 : vector<8x1xi32> to vector<8x1xi32>
      %broadcast_in_dim3A_245 = vector.broadcast %broadcast_in_dim3A_244 : vector<8x1xi32> to vector<8x20xi32>
      %select_n3A_246 = arith.select %eq3A_243, %broadcast_in_dim3A_245, %select_n3A_224 : vector<8x20xi1>, vector<8x20xi32>
      %eq3A_247 = vector.broadcast %broadcast_in_dim3A_240 : vector<8x1xi32> to vector<8x2048xi32>
      %eq3A_248 = arith.cmpi eq, %iota3A, %eq3A_247 : vector<8x2048xi32>
      %jit3A_249 = arith.constant 0xFF800000 : f32
      %broadcast_in_dim3A_250 = vector.broadcast %jit3A_249 : f32 to vector<8x2048xf32>
      %select_n3A_251 = arith.select %eq3A_248, %broadcast_in_dim3A_250, %select_n3A_229 : vector<8x2048xi1>, vector<8x2048xf32>
      %reduce_max3A_252 = arith.constant dense<0xFF800000> : vector<8xf32>
      %reduce_max3A_253 = vector.multi_reduction <maximumf>, %select_n3A_251, %reduce_max3A_252 [1] : vector<8x2048xf32> to vector<8xf32>
      %broadcast_in_dim3A_254 = vector.shape_cast %reduce_max3A_253 : vector<8xf32> to vector<8x1xf32>
      %eq3A_255 = vector.broadcast %broadcast_in_dim3A_254 : vector<8x1xf32> to vector<8x2048xf32>
      %eq3A_256 = arith.cmpf oeq, %select_n3A_251, %eq3A_255 : vector<8x2048xf32>
      %jit3A_257 = arith.constant 2048 : i32
      %broadcast_in_dim3A_258 = vector.broadcast %jit3A_257 : i32 to vector<8x2048xi32>
      %select_n3A_259 = arith.select %eq3A_256, %iota3A, %broadcast_in_dim3A_258 : vector<8x2048xi1>, vector<8x2048xi32>
      %reduce_min3A_260 = arith.constant dense<2147483647> : vector<8xi32>
      %reduce_min3A_261 = vector.multi_reduction <minsi>, %select_n3A_259, %reduce_min3A_260 [1] : vector<8x2048xi32> to vector<8xi32>
      %broadcast_in_dim3A_262 = vector.shape_cast %reduce_min3A_261 : vector<8xi32> to vector<8x1xi32>
      %eq3A_263 = arith.constant 10 : i32
      %eq3A_264 = vector.broadcast %eq3A_263 : i32 to vector<8x20xi32>
      %eq3A_265 = arith.cmpi eq, %iota3A_34, %eq3A_264 : vector<8x20xi32>
      %broadcast_in_dim3A_266 = vector.shape_cast %broadcast_in_dim3A_262 : vector<8x1xi32> to vector<8x1xi32>
      %broadcast_in_dim3A_267 = vector.broadcast %broadcast_in_dim3A_266 : vector<8x1xi32> to vector<8x20xi32>
      %select_n3A_268 = arith.select %eq3A_265, %broadcast_in_dim3A_267, %select_n3A_246 : vector<8x20xi1>, vector<8x20xi32>
      %eq3A_269 = vector.broadcast %broadcast_in_dim3A_262 : vector<8x1xi32> to vector<8x2048xi32>
      %eq3A_270 = arith.cmpi eq, %iota3A, %eq3A_269 : vector<8x2048xi32>
      %jit3A_271 = arith.constant 0xFF800000 : f32
      %broadcast_in_dim3A_272 = vector.broadcast %jit3A_271 : f32 to vector<8x2048xf32>
      %select_n3A_273 = arith.select %eq3A_270, %broadcast_in_dim3A_272, %select_n3A_251 : vector<8x2048xi1>, vector<8x2048xf32>
      %reduce_max3A_274 = arith.constant dense<0xFF800000> : vector<8xf32>
      %reduce_max3A_275 = vector.multi_reduction <maximumf>, %select_n3A_273, %reduce_max3A_274 [1] : vector<8x2048xf32> to vector<8xf32>
      %broadcast_in_dim3A_276 = vector.shape_cast %reduce_max3A_275 : vector<8xf32> to vector<8x1xf32>
      %eq3A_277 = vector.broadcast %broadcast_in_dim3A_276 : vector<8x1xf32> to vector<8x2048xf32>
      %eq3A_278 = arith.cmpf oeq, %select_n3A_273, %eq3A_277 : vector<8x2048xf32>
      %jit3A_279 = arith.constant 2048 : i32
      %broadcast_in_dim3A_280 = vector.broadcast %jit3A_279 : i32 to vector<8x2048xi32>
      %select_n3A_281 = arith.select %eq3A_278, %iota3A, %broadcast_in_dim3A_280 : vector<8x2048xi1>, vector<8x2048xi32>
      %reduce_min3A_282 = arith.constant dense<2147483647> : vector<8xi32>
      %reduce_min3A_283 = vector.multi_reduction <minsi>, %select_n3A_281, %reduce_min3A_282 [1] : vector<8x2048xi32> to vector<8xi32>
      %broadcast_in_dim3A_284 = vector.shape_cast %reduce_min3A_283 : vector<8xi32> to vector<8x1xi32>
      %eq3A_285 = arith.constant 11 : i32
      %eq3A_286 = vector.broadcast %eq3A_285 : i32 to vector<8x20xi32>
      %eq3A_287 = arith.cmpi eq, %iota3A_34, %eq3A_286 : vector<8x20xi32>
      %broadcast_in_dim3A_288 = vector.shape_cast %broadcast_in_dim3A_284 : vector<8x1xi32> to vector<8x1xi32>
      %broadcast_in_dim3A_289 = vector.broadcast %broadcast_in_dim3A_288 : vector<8x1xi32> to vector<8x20xi32>
      %select_n3A_290 = arith.select %eq3A_287, %broadcast_in_dim3A_289, %select_n3A_268 : vector<8x20xi1>, vector<8x20xi32>
      %eq3A_291 = vector.broadcast %broadcast_in_dim3A_284 : vector<8x1xi32> to vector<8x2048xi32>
      %eq3A_292 = arith.cmpi eq, %iota3A, %eq3A_291 : vector<8x2048xi32>
      %jit3A_293 = arith.constant 0xFF800000 : f32
      %broadcast_in_dim3A_294 = vector.broadcast %jit3A_293 : f32 to vector<8x2048xf32>
      %select_n3A_295 = arith.select %eq3A_292, %broadcast_in_dim3A_294, %select_n3A_273 : vector<8x2048xi1>, vector<8x2048xf32>
      %reduce_max3A_296 = arith.constant dense<0xFF800000> : vector<8xf32>
      %reduce_max3A_297 = vector.multi_reduction <maximumf>, %select_n3A_295, %reduce_max3A_296 [1] : vector<8x2048xf32> to vector<8xf32>
      %broadcast_in_dim3A_298 = vector.shape_cast %reduce_max3A_297 : vector<8xf32> to vector<8x1xf32>
      %eq3A_299 = vector.broadcast %broadcast_in_dim3A_298 : vector<8x1xf32> to vector<8x2048xf32>
      %eq3A_300 = arith.cmpf oeq, %select_n3A_295, %eq3A_299 : vector<8x2048xf32>
      %jit3A_301 = arith.constant 2048 : i32
      %broadcast_in_dim3A_302 = vector.broadcast %jit3A_301 : i32 to vector<8x2048xi32>
      %select_n3A_303 = arith.select %eq3A_300, %iota3A, %broadcast_in_dim3A_302 : vector<8x2048xi1>, vector<8x2048xi32>
      %reduce_min3A_304 = arith.constant dense<2147483647> : vector<8xi32>
      %reduce_min3A_305 = vector.multi_reduction <minsi>, %select_n3A_303, %reduce_min3A_304 [1] : vector<8x2048xi32> to vector<8xi32>
      %broadcast_in_dim3A_306 = vector.shape_cast %reduce_min3A_305 : vector<8xi32> to vector<8x1xi32>
      %eq3A_307 = arith.constant 12 : i32
      %eq3A_308 = vector.broadcast %eq3A_307 : i32 to vector<8x20xi32>
      %eq3A_309 = arith.cmpi eq, %iota3A_34, %eq3A_308 : vector<8x20xi32>
      %broadcast_in_dim3A_310 = vector.shape_cast %broadcast_in_dim3A_306 : vector<8x1xi32> to vector<8x1xi32>
      %broadcast_in_dim3A_311 = vector.broadcast %broadcast_in_dim3A_310 : vector<8x1xi32> to vector<8x20xi32>
      %select_n3A_312 = arith.select %eq3A_309, %broadcast_in_dim3A_311, %select_n3A_290 : vector<8x20xi1>, vector<8x20xi32>
      %eq3A_313 = vector.broadcast %broadcast_in_dim3A_306 : vector<8x1xi32> to vector<8x2048xi32>
      %eq3A_314 = arith.cmpi eq, %iota3A, %eq3A_313 : vector<8x2048xi32>
      %jit3A_315 = arith.constant 0xFF800000 : f32
      %broadcast_in_dim3A_316 = vector.broadcast %jit3A_315 : f32 to vector<8x2048xf32>
      %select_n3A_317 = arith.select %eq3A_314, %broadcast_in_dim3A_316, %select_n3A_295 : vector<8x2048xi1>, vector<8x2048xf32>
      %reduce_max3A_318 = arith.constant dense<0xFF800000> : vector<8xf32>
      %reduce_max3A_319 = vector.multi_reduction <maximumf>, %select_n3A_317, %reduce_max3A_318 [1] : vector<8x2048xf32> to vector<8xf32>
      %broadcast_in_dim3A_320 = vector.shape_cast %reduce_max3A_319 : vector<8xf32> to vector<8x1xf32>
      %eq3A_321 = vector.broadcast %broadcast_in_dim3A_320 : vector<8x1xf32> to vector<8x2048xf32>
      %eq3A_322 = arith.cmpf oeq, %select_n3A_317, %eq3A_321 : vector<8x2048xf32>
      %jit3A_323 = arith.constant 2048 : i32
      %broadcast_in_dim3A_324 = vector.broadcast %jit3A_323 : i32 to vector<8x2048xi32>
      %select_n3A_325 = arith.select %eq3A_322, %iota3A, %broadcast_in_dim3A_324 : vector<8x2048xi1>, vector<8x2048xi32>
      %reduce_min3A_326 = arith.constant dense<2147483647> : vector<8xi32>
      %reduce_min3A_327 = vector.multi_reduction <minsi>, %select_n3A_325, %reduce_min3A_326 [1] : vector<8x2048xi32> to vector<8xi32>
      %broadcast_in_dim3A_328 = vector.shape_cast %reduce_min3A_327 : vector<8xi32> to vector<8x1xi32>
      %eq3A_329 = arith.constant 13 : i32
      %eq3A_330 = vector.broadcast %eq3A_329 : i32 to vector<8x20xi32>
      %eq3A_331 = arith.cmpi eq, %iota3A_34, %eq3A_330 : vector<8x20xi32>
      %broadcast_in_dim3A_332 = vector.shape_cast %broadcast_in_dim3A_328 : vector<8x1xi32> to vector<8x1xi32>
      %broadcast_in_dim3A_333 = vector.broadcast %broadcast_in_dim3A_332 : vector<8x1xi32> to vector<8x20xi32>
      %select_n3A_334 = arith.select %eq3A_331, %broadcast_in_dim3A_333, %select_n3A_312 : vector<8x20xi1>, vector<8x20xi32>
      %eq3A_335 = vector.broadcast %broadcast_in_dim3A_328 : vector<8x1xi32> to vector<8x2048xi32>
      %eq3A_336 = arith.cmpi eq, %iota3A, %eq3A_335 : vector<8x2048xi32>
      %jit3A_337 = arith.constant 0xFF800000 : f32
      %broadcast_in_dim3A_338 = vector.broadcast %jit3A_337 : f32 to vector<8x2048xf32>
      %select_n3A_339 = arith.select %eq3A_336, %broadcast_in_dim3A_338, %select_n3A_317 : vector<8x2048xi1>, vector<8x2048xf32>
      %reduce_max3A_340 = arith.constant dense<0xFF800000> : vector<8xf32>
      %reduce_max3A_341 = vector.multi_reduction <maximumf>, %select_n3A_339, %reduce_max3A_340 [1] : vector<8x2048xf32> to vector<8xf32>
      %broadcast_in_dim3A_342 = vector.shape_cast %reduce_max3A_341 : vector<8xf32> to vector<8x1xf32>
      %eq3A_343 = vector.broadcast %broadcast_in_dim3A_342 : vector<8x1xf32> to vector<8x2048xf32>
      %eq3A_344 = arith.cmpf oeq, %select_n3A_339, %eq3A_343 : vector<8x2048xf32>
      %jit3A_345 = arith.constant 2048 : i32
      %broadcast_in_dim3A_346 = vector.broadcast %jit3A_345 : i32 to vector<8x2048xi32>
      %select_n3A_347 = arith.select %eq3A_344, %iota3A, %broadcast_in_dim3A_346 : vector<8x2048xi1>, vector<8x2048xi32>
      %reduce_min3A_348 = arith.constant dense<2147483647> : vector<8xi32>
      %reduce_min3A_349 = vector.multi_reduction <minsi>, %select_n3A_347, %reduce_min3A_348 [1] : vector<8x2048xi32> to vector<8xi32>
      %broadcast_in_dim3A_350 = vector.shape_cast %reduce_min3A_349 : vector<8xi32> to vector<8x1xi32>
      %eq3A_351 = arith.constant 14 : i32
      %eq3A_352 = vector.broadcast %eq3A_351 : i32 to vector<8x20xi32>
      %eq3A_353 = arith.cmpi eq, %iota3A_34, %eq3A_352 : vector<8x20xi32>
      %broadcast_in_dim3A_354 = vector.shape_cast %broadcast_in_dim3A_350 : vector<8x1xi32> to vector<8x1xi32>
      %broadcast_in_dim3A_355 = vector.broadcast %broadcast_in_dim3A_354 : vector<8x1xi32> to vector<8x20xi32>
      %select_n3A_356 = arith.select %eq3A_353, %broadcast_in_dim3A_355, %select_n3A_334 : vector<8x20xi1>, vector<8x20xi32>
      %eq3A_357 = vector.broadcast %broadcast_in_dim3A_350 : vector<8x1xi32> to vector<8x2048xi32>
      %eq3A_358 = arith.cmpi eq, %iota3A, %eq3A_357 : vector<8x2048xi32>
      %jit3A_359 = arith.constant 0xFF800000 : f32
      %broadcast_in_dim3A_360 = vector.broadcast %jit3A_359 : f32 to vector<8x2048xf32>
      %select_n3A_361 = arith.select %eq3A_358, %broadcast_in_dim3A_360, %select_n3A_339 : vector<8x2048xi1>, vector<8x2048xf32>
      %reduce_max3A_362 = arith.constant dense<0xFF800000> : vector<8xf32>
      %reduce_max3A_363 = vector.multi_reduction <maximumf>, %select_n3A_361, %reduce_max3A_362 [1] : vector<8x2048xf32> to vector<8xf32>
      %broadcast_in_dim3A_364 = vector.shape_cast %reduce_max3A_363 : vector<8xf32> to vector<8x1xf32>
      %eq3A_365 = vector.broadcast %broadcast_in_dim3A_364 : vector<8x1xf32> to vector<8x2048xf32>
      %eq3A_366 = arith.cmpf oeq, %select_n3A_361, %eq3A_365 : vector<8x2048xf32>
      %jit3A_367 = arith.constant 2048 : i32
      %broadcast_in_dim3A_368 = vector.broadcast %jit3A_367 : i32 to vector<8x2048xi32>
      %select_n3A_369 = arith.select %eq3A_366, %iota3A, %broadcast_in_dim3A_368 : vector<8x2048xi1>, vector<8x2048xi32>
      %reduce_min3A_370 = arith.constant dense<2147483647> : vector<8xi32>
      %reduce_min3A_371 = vector.multi_reduction <minsi>, %select_n3A_369, %reduce_min3A_370 [1] : vector<8x2048xi32> to vector<8xi32>
      %broadcast_in_dim3A_372 = vector.shape_cast %reduce_min3A_371 : vector<8xi32> to vector<8x1xi32>
      %eq3A_373 = arith.constant 15 : i32
      %eq3A_374 = vector.broadcast %eq3A_373 : i32 to vector<8x20xi32>
      %eq3A_375 = arith.cmpi eq, %iota3A_34, %eq3A_374 : vector<8x20xi32>
      %broadcast_in_dim3A_376 = vector.shape_cast %broadcast_in_dim3A_372 : vector<8x1xi32> to vector<8x1xi32>
      %broadcast_in_dim3A_377 = vector.broadcast %broadcast_in_dim3A_376 : vector<8x1xi32> to vector<8x20xi32>
      %select_n3A_378 = arith.select %eq3A_375, %broadcast_in_dim3A_377, %select_n3A_356 : vector<8x20xi1>, vector<8x20xi32>
      %eq3A_379 = vector.broadcast %broadcast_in_dim3A_372 : vector<8x1xi32> to vector<8x2048xi32>
      %eq3A_380 = arith.cmpi eq, %iota3A, %eq3A_379 : vector<8x2048xi32>
      %jit3A_381 = arith.constant 0xFF800000 : f32
      %broadcast_in_dim3A_382 = vector.broadcast %jit3A_381 : f32 to vector<8x2048xf32>
      %select_n3A_383 = arith.select %eq3A_380, %broadcast_in_dim3A_382, %select_n3A_361 : vector<8x2048xi1>, vector<8x2048xf32>
      %reduce_max3A_384 = arith.constant dense<0xFF800000> : vector<8xf32>
      %reduce_max3A_385 = vector.multi_reduction <maximumf>, %select_n3A_383, %reduce_max3A_384 [1] : vector<8x2048xf32> to vector<8xf32>
      %broadcast_in_dim3A_386 = vector.shape_cast %reduce_max3A_385 : vector<8xf32> to vector<8x1xf32>
      %eq3A_387 = vector.broadcast %broadcast_in_dim3A_386 : vector<8x1xf32> to vector<8x2048xf32>
      %eq3A_388 = arith.cmpf oeq, %select_n3A_383, %eq3A_387 : vector<8x2048xf32>
      %jit3A_389 = arith.constant 2048 : i32
      %broadcast_in_dim3A_390 = vector.broadcast %jit3A_389 : i32 to vector<8x2048xi32>
      %select_n3A_391 = arith.select %eq3A_388, %iota3A, %broadcast_in_dim3A_390 : vector<8x2048xi1>, vector<8x2048xi32>
      %reduce_min3A_392 = arith.constant dense<2147483647> : vector<8xi32>
      %reduce_min3A_393 = vector.multi_reduction <minsi>, %select_n3A_391, %reduce_min3A_392 [1] : vector<8x2048xi32> to vector<8xi32>
      %broadcast_in_dim3A_394 = vector.shape_cast %reduce_min3A_393 : vector<8xi32> to vector<8x1xi32>
      %eq3A_395 = arith.constant 16 : i32
      %eq3A_396 = vector.broadcast %eq3A_395 : i32 to vector<8x20xi32>
      %eq3A_397 = arith.cmpi eq, %iota3A_34, %eq3A_396 : vector<8x20xi32>
      %broadcast_in_dim3A_398 = vector.shape_cast %broadcast_in_dim3A_394 : vector<8x1xi32> to vector<8x1xi32>
      %broadcast_in_dim3A_399 = vector.broadcast %broadcast_in_dim3A_398 : vector<8x1xi32> to vector<8x20xi32>
      %select_n3A_400 = arith.select %eq3A_397, %broadcast_in_dim3A_399, %select_n3A_378 : vector<8x20xi1>, vector<8x20xi32>
      %eq3A_401 = vector.broadcast %broadcast_in_dim3A_394 : vector<8x1xi32> to vector<8x2048xi32>
      %eq3A_402 = arith.cmpi eq, %iota3A, %eq3A_401 : vector<8x2048xi32>
      %jit3A_403 = arith.constant 0xFF800000 : f32
      %broadcast_in_dim3A_404 = vector.broadcast %jit3A_403 : f32 to vector<8x2048xf32>
      %select_n3A_405 = arith.select %eq3A_402, %broadcast_in_dim3A_404, %select_n3A_383 : vector<8x2048xi1>, vector<8x2048xf32>
      %reduce_max3A_406 = arith.constant dense<0xFF800000> : vector<8xf32>
      %reduce_max3A_407 = vector.multi_reduction <maximumf>, %select_n3A_405, %reduce_max3A_406 [1] : vector<8x2048xf32> to vector<8xf32>
      %broadcast_in_dim3A_408 = vector.shape_cast %reduce_max3A_407 : vector<8xf32> to vector<8x1xf32>
      %eq3A_409 = vector.broadcast %broadcast_in_dim3A_408 : vector<8x1xf32> to vector<8x2048xf32>
      %eq3A_410 = arith.cmpf oeq, %select_n3A_405, %eq3A_409 : vector<8x2048xf32>
      %jit3A_411 = arith.constant 2048 : i32
      %broadcast_in_dim3A_412 = vector.broadcast %jit3A_411 : i32 to vector<8x2048xi32>
      %select_n3A_413 = arith.select %eq3A_410, %iota3A, %broadcast_in_dim3A_412 : vector<8x2048xi1>, vector<8x2048xi32>
      %reduce_min3A_414 = arith.constant dense<2147483647> : vector<8xi32>
      %reduce_min3A_415 = vector.multi_reduction <minsi>, %select_n3A_413, %reduce_min3A_414 [1] : vector<8x2048xi32> to vector<8xi32>
      %broadcast_in_dim3A_416 = vector.shape_cast %reduce_min3A_415 : vector<8xi32> to vector<8x1xi32>
      %eq3A_417 = arith.constant 17 : i32
      %eq3A_418 = vector.broadcast %eq3A_417 : i32 to vector<8x20xi32>
      %eq3A_419 = arith.cmpi eq, %iota3A_34, %eq3A_418 : vector<8x20xi32>
      %broadcast_in_dim3A_420 = vector.shape_cast %broadcast_in_dim3A_416 : vector<8x1xi32> to vector<8x1xi32>
      %broadcast_in_dim3A_421 = vector.broadcast %broadcast_in_dim3A_420 : vector<8x1xi32> to vector<8x20xi32>
      %select_n3A_422 = arith.select %eq3A_419, %broadcast_in_dim3A_421, %select_n3A_400 : vector<8x20xi1>, vector<8x20xi32>
      %eq3A_423 = vector.broadcast %broadcast_in_dim3A_416 : vector<8x1xi32> to vector<8x2048xi32>
      %eq3A_424 = arith.cmpi eq, %iota3A, %eq3A_423 : vector<8x2048xi32>
      %jit3A_425 = arith.constant 0xFF800000 : f32
      %broadcast_in_dim3A_426 = vector.broadcast %jit3A_425 : f32 to vector<8x2048xf32>
      %select_n3A_427 = arith.select %eq3A_424, %broadcast_in_dim3A_426, %select_n3A_405 : vector<8x2048xi1>, vector<8x2048xf32>
      %reduce_max3A_428 = arith.constant dense<0xFF800000> : vector<8xf32>
      %reduce_max3A_429 = vector.multi_reduction <maximumf>, %select_n3A_427, %reduce_max3A_428 [1] : vector<8x2048xf32> to vector<8xf32>
      %broadcast_in_dim3A_430 = vector.shape_cast %reduce_max3A_429 : vector<8xf32> to vector<8x1xf32>
      %eq3A_431 = vector.broadcast %broadcast_in_dim3A_430 : vector<8x1xf32> to vector<8x2048xf32>
      %eq3A_432 = arith.cmpf oeq, %select_n3A_427, %eq3A_431 : vector<8x2048xf32>
      %jit3A_433 = arith.constant 2048 : i32
      %broadcast_in_dim3A_434 = vector.broadcast %jit3A_433 : i32 to vector<8x2048xi32>
      %select_n3A_435 = arith.select %eq3A_432, %iota3A, %broadcast_in_dim3A_434 : vector<8x2048xi1>, vector<8x2048xi32>
      %reduce_min3A_436 = arith.constant dense<2147483647> : vector<8xi32>
      %reduce_min3A_437 = vector.multi_reduction <minsi>, %select_n3A_435, %reduce_min3A_436 [1] : vector<8x2048xi32> to vector<8xi32>
      %broadcast_in_dim3A_438 = vector.shape_cast %reduce_min3A_437 : vector<8xi32> to vector<8x1xi32>
      %eq3A_439 = arith.constant 18 : i32
      %eq3A_440 = vector.broadcast %eq3A_439 : i32 to vector<8x20xi32>
      %eq3A_441 = arith.cmpi eq, %iota3A_34, %eq3A_440 : vector<8x20xi32>
      %broadcast_in_dim3A_442 = vector.shape_cast %broadcast_in_dim3A_438 : vector<8x1xi32> to vector<8x1xi32>
      %broadcast_in_dim3A_443 = vector.broadcast %broadcast_in_dim3A_442 : vector<8x1xi32> to vector<8x20xi32>
      %select_n3A_444 = arith.select %eq3A_441, %broadcast_in_dim3A_443, %select_n3A_422 : vector<8x20xi1>, vector<8x20xi32>
      %eq3A_445 = vector.broadcast %broadcast_in_dim3A_438 : vector<8x1xi32> to vector<8x2048xi32>
      %eq3A_446 = arith.cmpi eq, %iota3A, %eq3A_445 : vector<8x2048xi32>
      %jit3A_447 = arith.constant 0xFF800000 : f32
      %broadcast_in_dim3A_448 = vector.broadcast %jit3A_447 : f32 to vector<8x2048xf32>
      %select_n3A_449 = arith.select %eq3A_446, %broadcast_in_dim3A_448, %select_n3A_427 : vector<8x2048xi1>, vector<8x2048xf32>
      %reduce_max3A_450 = arith.constant dense<0xFF800000> : vector<8xf32>
      %reduce_max3A_451 = vector.multi_reduction <maximumf>, %select_n3A_449, %reduce_max3A_450 [1] : vector<8x2048xf32> to vector<8xf32>
      %broadcast_in_dim3A_452 = vector.shape_cast %reduce_max3A_451 : vector<8xf32> to vector<8x1xf32>
      %eq3A_453 = vector.broadcast %broadcast_in_dim3A_452 : vector<8x1xf32> to vector<8x2048xf32>
      %eq3A_454 = arith.cmpf oeq, %select_n3A_449, %eq3A_453 : vector<8x2048xf32>
      %jit3A_455 = arith.constant 2048 : i32
      %broadcast_in_dim3A_456 = vector.broadcast %jit3A_455 : i32 to vector<8x2048xi32>
      %select_n3A_457 = arith.select %eq3A_454, %iota3A, %broadcast_in_dim3A_456 : vector<8x2048xi1>, vector<8x2048xi32>
      %reduce_min3A_458 = arith.constant dense<2147483647> : vector<8xi32>
      %reduce_min3A_459 = vector.multi_reduction <minsi>, %select_n3A_457, %reduce_min3A_458 [1] : vector<8x2048xi32> to vector<8xi32>
      %broadcast_in_dim3A_460 = vector.shape_cast %reduce_min3A_459 : vector<8xi32> to vector<8x1xi32>
      %eq3A_461 = arith.constant 19 : i32
      %eq3A_462 = vector.broadcast %eq3A_461 : i32 to vector<8x20xi32>
      %eq3A_463 = arith.cmpi eq, %iota3A_34, %eq3A_462 : vector<8x20xi32>
      %broadcast_in_dim3A_464 = vector.shape_cast %broadcast_in_dim3A_460 : vector<8x1xi32> to vector<8x1xi32>
      %broadcast_in_dim3A_465 = vector.broadcast %broadcast_in_dim3A_464 : vector<8x1xi32> to vector<8x20xi32>
      %select_n3A_466 = arith.select %eq3A_463, %broadcast_in_dim3A_465, %select_n3A_444 : vector<8x20xi1>, vector<8x20xi32>
      %mul3A_467 = arith.constant 2048 : i32
      %mul3A_468 = arith.muli %arg0, %mul3A_467 : i32
      %add3A = vector.broadcast %mul3A_468 : i32 to vector<8x20xi32>
      %add3A_469 = arith.addi %select_n3A_466, %add3A : vector<8x20xi32>
      %mul3A_470 = arith.constant 8 : i32
      %mul3A_471 = arith.muli %scan3A_28, %mul3A_470 : i32
      %swap3A_472 = arith.constant 0 : index
      %swap3A_473 = arith.index_cast %mul3A_471 : i32 to index
      %swap3A_474 = arith.constant 0 : index
      %swap3A_475 = vector.load %arg4[%swap3A_472, %swap3A_473, %swap3A_474] : memref<1x256x20xi32, #tpu.memory_space<vmem>>, vector<1x8x20xi32>
      %swap3A_476 = vector.shape_cast %swap3A_475 : vector<1x8x20xi32> to vector<8x20xi32>
      %swap3A_477 = vector.shape_cast %add3A_469 : vector<8x20xi32> to vector<1x8x20xi32>
      tpu.vector_store %arg4[%swap3A_472, %swap3A_473, %swap3A_474], %swap3A_477 {strides = array<i32>} : memref<1x256x20xi32, #tpu.memory_space<vmem>>, vector<1x8x20xi32>,
    }
    %scan3A_27 = arith.constant 32 : i32
    return
  }
  func.func @transform_0(%arg0: i32, %arg1: i32) -> (i32, i32, i32) {
    %c0_i32 = arith.constant 0 : i32
    %c0_i32_0 = arith.constant 0 : i32
    return %arg0, %arg1, %c0_i32 : i32, i32, i32
  }
  func.func @transform_1(%arg0: i32, %arg1: i32) -> (i32, i32, i32) {
    %c0_i32 = arith.constant 0 : i32
    %c0_i32_0 = arith.constant 0 : i32
    %c0_i32_1 = arith.constant 0 : i32
    return %arg0, %c0_i32, %c0_i32_0 : i32, i32, i32
  }
  func.func @transform_2(%arg0: i32, %arg1: i32) -> (i32, i32, i32) {
    %c0_i32 = arith.constant 0 : i32
    %c0_i32_0 = arith.constant 0 : i32
    return %arg0, %arg1, %c0_i32 : i32, i32, i32
  }
}

module attributes {stable_mosaic.version = 14 : i64} {
  func.func @_estats_body(%arg0: i32, %arg1: i32, %arg2: i32, %arg3: memref<1x1x256x128xf32, #tpu.memory_space<vmem>>, %arg4: memref<1x256x128xf32, #tpu.memory_space<vmem>>, %arg5: memref<64x256xbf16, #tpu.memory_space<vmem>>, %arg6: memref<1x64xf32, #tpu.memory_space<vmem>>, %arg7: memref<1x64xf32, #tpu.memory_space<vmem>>) attributes {dimension_semantics = [#tpu.dimension_semantics<arbitrary>, #tpu.dimension_semantics<arbitrary>, #tpu.dimension_semantics<arbitrary>], iteration_bounds = array<i64: 4, 20, 8>, scalar_prefetch = 0 : i64, scratch_operands = 0 : i64, tpu.core_type = #tpu.core_type<tc>, window_params = [{transform_indices = @transform_0, window_bounds = array<i64: 1, 1, 256, 128>}, {transform_indices = @transform_1, window_bounds = array<i64: 1, 256, 128>}, {pipeline_mode = #tpu.pipeline_mode<synchronous>, transform_indices = @transform_2, window_bounds = array<i64: 64, 256>}, {pipeline_mode = #tpu.pipeline_mode<synchronous>, transform_indices = @transform_3, window_bounds = array<i64: 1, 64>}, {pipeline_mode = #tpu.pipeline_mode<synchronous>, transform_indices = @transform_4, window_bounds = array<i64: 1, 64>}]} {
    %eq3A = arith.constant 0 : i32
    %eq3A_0 = arith.cmpi eq, %arg0, %eq3A : i32
    %eq3A_1 = arith.constant 0 : i32
    %eq3A_2 = arith.cmpi eq, %arg1, %eq3A_1 : i32
    %and3A = arith.andi %eq3A_0, %eq3A_2 : i1
    %eq3A_3 = arith.constant 0 : i32
    %eq3A_4 = arith.cmpi eq, %arg2, %eq3A_3 : i32
    %and3A_5 = arith.andi %and3A, %eq3A_4 : i1
    %convert_element_type3A = arith.extui %and3A_5 : i1 to i32
    %cond3A = arith.constant 0 : i32
    %cond3A_6 = arith.cmpi ne, %convert_element_type3A, %cond3A : i32
    scf.if %cond3A_6 {
      %broadcast_in_dim3A_39 = arith.constant 0.000000e+00 : f32
      %broadcast_in_dim3A_40 = vector.broadcast %broadcast_in_dim3A_39 : f32 to vector<1x64xf32>
      %swap3A_41 = arith.constant 0 : index
      %swap3A_42 = arith.constant 0 : index
      %swap3A_43 = vector.load %arg6[%swap3A_41, %swap3A_42] : memref<1x64xf32, #tpu.memory_space<vmem>>, vector<1x64xf32>
      tpu.vector_store %arg6[%swap3A_41, %swap3A_42], %broadcast_in_dim3A_40 {strides = array<i32>} : memref<1x64xf32, #tpu.memory_space<vmem>>, vector<1x64xf32>,
      %broadcast_in_dim3A_44 = arith.constant 0.000000e+00 : f32
      %broadcast_in_dim3A_45 = vector.broadcast %broadcast_in_dim3A_44 : f32 to vector<1x64xf32>
      %swap3A_46 = arith.constant 0 : index
      %swap3A_47 = arith.constant 0 : index
      %swap3A_48 = vector.load %arg7[%swap3A_46, %swap3A_47] : memref<1x64xf32, #tpu.memory_space<vmem>>, vector<1x64xf32>
      tpu.vector_store %arg7[%swap3A_46, %swap3A_47], %broadcast_in_dim3A_45 {strides = array<i32>} : memref<1x64xf32, #tpu.memory_space<vmem>>, vector<1x64xf32>,
    } else {
    }
    %get3A = arith.constant 0 : index
    %get3A_7 = arith.constant 0 : index
    %get3A_8 = arith.constant 0 : index
    %get3A_9 = arith.constant 0 : index
    %get3A_10 = vector.load %arg3[%get3A, %get3A_7, %get3A_8, %get3A_9] : memref<1x1x256x128xf32, #tpu.memory_space<vmem>>, vector<1x1x256x128xf32>
    %get3A_11 = vector.shape_cast %get3A_10 : vector<1x1x256x128xf32> to vector<256x128xf32>
    %get3A_12 = arith.constant 0 : index
    %get3A_13 = arith.constant 0 : index
    %get3A_14 = arith.constant 0 : index
    %get3A_15 = vector.load %arg4[%get3A_12, %get3A_13, %get3A_14] : memref<1x256x128xf32, #tpu.memory_space<vmem>>, vector<1x256x128xf32>
    %get3A_16 = vector.shape_cast %get3A_15 : vector<1x256x128xf32> to vector<256x128xf32>
    %sub3A = arith.subf %get3A_11, %get3A_16 : vector<256x128xf32>
    %convert_element_type3A_17 = arith.truncf %sub3A : vector<256x128xf32> to vector<256x128xbf16>
    %convert_element_type3A_18 = arith.truncf %get3A_16 : vector<256x128xf32> to vector<256x128xbf16>
    %concatenate3A = tpu.concatenate %convert_element_type3A_17, %convert_element_type3A_18 in 1 : vector<256x128xbf16>, vector<256x128xbf16> -> vector<256x256xbf16>
    %get3A_19 = arith.constant 0 : index
    %get3A_20 = arith.constant 0 : index
    %get3A_21 = vector.load %arg5[%get3A_19, %get3A_20] : memref<64x256xbf16, #tpu.memory_space<vmem>>, vector<64x256xbf16>
    %dot_general3A = arith.constant dense<0.000000e+00> : vector<256x64xf32>
    %dot_general3A_22 = tpu.matmul %concatenate3A, %get3A_21, %dot_general3A {dimension_numbers = #tpu.dot_dimension_numbers<[1], [1], [0], [0], [0, 0, 1, 0], [], []>, transpose_lhs_hint = false} : vector<256x256xbf16>, vector<64x256xbf16>, vector<256x64xf32> -> vector<256x64xf32>
    %get3A_23 = arith.constant 0 : index
    %get3A_24 = arith.constant 0 : index
    %get3A_25 = vector.load %arg6[%get3A_23, %get3A_24] : memref<1x64xf32, #tpu.memory_space<vmem>>, vector<1x64xf32>
    %reduce_sum3A = arith.constant dense<0.000000e+00> : vector<64xf32>
    %reduce_sum3A_26 = vector.multi_reduction <add>, %dot_general3A_22, %reduce_sum3A [0] : vector<256x64xf32> to vector<64xf32>
    %broadcast_in_dim3A = vector.shape_cast %reduce_sum3A_26 : vector<64xf32> to vector<1x64xf32>
    %add3A = arith.addf %get3A_25, %broadcast_in_dim3A : vector<1x64xf32>
    %swap3A = arith.constant 0 : index
    %swap3A_27 = arith.constant 0 : index
    %swap3A_28 = vector.load %arg6[%swap3A, %swap3A_27] : memref<1x64xf32, #tpu.memory_space<vmem>>, vector<1x64xf32>
    tpu.vector_store %arg6[%swap3A, %swap3A_27], %add3A {strides = array<i32>} : memref<1x64xf32, #tpu.memory_space<vmem>>, vector<1x64xf32>,
    %get3A_29 = arith.constant 0 : index
    %get3A_30 = arith.constant 0 : index
    %get3A_31 = vector.load %arg7[%get3A_29, %get3A_30] : memref<1x64xf32, #tpu.memory_space<vmem>>, vector<1x64xf32>
    %mul3A = arith.mulf %dot_general3A_22, %dot_general3A_22 : vector<256x64xf32>
    %reduce_sum3A_32 = arith.constant dense<0.000000e+00> : vector<64xf32>
    %reduce_sum3A_33 = vector.multi_reduction <add>, %mul3A, %reduce_sum3A_32 [0] : vector<256x64xf32> to vector<64xf32>
    %broadcast_in_dim3A_34 = vector.shape_cast %reduce_sum3A_33 : vector<64xf32> to vector<1x64xf32>
    %add3A_35 = arith.addf %get3A_31, %broadcast_in_dim3A_34 : vector<1x64xf32>
    %swap3A_36 = arith.constant 0 : index
    %swap3A_37 = arith.constant 0 : index
    %swap3A_38 = vector.load %arg7[%swap3A_36, %swap3A_37] : memref<1x64xf32, #tpu.memory_space<vmem>>, vector<1x64xf32>
    tpu.vector_store %arg7[%swap3A_36, %swap3A_37], %add3A_35 {strides = array<i32>} : memref<1x64xf32, #tpu.memory_space<vmem>>, vector<1x64xf32>,
    return
  }
  func.func @transform_0(%arg0: i32, %arg1: i32, %arg2: i32) -> (i32, i32, i32, i32) {
    %c0_i32 = arith.constant 0 : i32
    %c0_i32_0 = arith.constant 0 : i32
    return %arg0, %arg1, %arg2, %c0_i32 : i32, i32, i32, i32
  }
  func.func @transform_1(%arg0: i32, %arg1: i32, %arg2: i32) -> (i32, i32, i32) {
    %c0_i32 = arith.constant 0 : i32
    %c0_i32_0 = arith.constant 0 : i32
    return %arg0, %arg2, %c0_i32 : i32, i32, i32
  }
  func.func @transform_2(%arg0: i32, %arg1: i32, %arg2: i32) -> (i32, i32) {
    %c0_i32 = arith.constant 0 : i32
    %c0_i32_0 = arith.constant 0 : i32
    %c0_i32_1 = arith.constant 0 : i32
    return %c0_i32, %c0_i32_0 : i32, i32
  }
  func.func @transform_3(%arg0: i32, %arg1: i32, %arg2: i32) -> (i32, i32) {
    %c0_i32 = arith.constant 0 : i32
    %c0_i32_0 = arith.constant 0 : i32
    %c0_i32_1 = arith.constant 0 : i32
    return %c0_i32, %c0_i32_0 : i32, i32
  }
  func.func @transform_4(%arg0: i32, %arg1: i32, %arg2: i32) -> (i32, i32) {
    %c0_i32 = arith.constant 0 : i32
    %c0_i32_0 = arith.constant 0 : i32
    %c0_i32_1 = arith.constant 0 : i32
    return %c0_i32, %c0_i32_0 : i32, i32
  }
}

module attributes {stable_mosaic.version = 14 : i64} {
  func.func @_econv2_body(%arg0: i32, %arg1: i32, %arg2: i32, %arg3: memref<1x1x256x128xf32, #tpu.memory_space<vmem>>, %arg4: memref<1x256x128xf32, #tpu.memory_space<vmem>>, %arg5: memref<64x256xbf16, #tpu.memory_space<vmem>>, %arg6: memref<1x64xf32, #tpu.memory_space<vmem>>, %arg7: memref<1x64xf32, #tpu.memory_space<vmem>>, %arg8: memref<1x64xf32, #tpu.memory_space<vmem>>, %arg9: memref<1x64xf32, #tpu.memory_space<vmem>>, %arg10: memref<64x64xf32, #tpu.memory_space<vmem>>, %arg11: memref<1x256x64xf32, #tpu.memory_space<vmem>>, %arg12: memref<1x64xf32, #tpu.memory_space<vmem>>, %arg13: memref<1x64xf32, #tpu.memory_space<vmem>>) attributes {dimension_semantics = [#tpu.dimension_semantics<arbitrary>, #tpu.dimension_semantics<arbitrary>, #tpu.dimension_semantics<arbitrary>], iteration_bounds = array<i64: 4, 8, 20>, scalar_prefetch = 0 : i64, scratch_operands = 0 : i64, tpu.core_type = #tpu.core_type<tc>, window_params = [{transform_indices = @transform_0, window_bounds = array<i64: 1, 1, 256, 128>}, {transform_indices = @transform_1, window_bounds = array<i64: 1, 256, 128>}, {pipeline_mode = #tpu.pipeline_mode<synchronous>, transform_indices = @transform_2, window_bounds = array<i64: 64, 256>}, {pipeline_mode = #tpu.pipeline_mode<synchronous>, transform_indices = @transform_3, window_bounds = array<i64: 1, 64>}, {pipeline_mode = #tpu.pipeline_mode<synchronous>, transform_indices = @transform_4, window_bounds = array<i64: 1, 64>}, {pipeline_mode = #tpu.pipeline_mode<synchronous>, transform_indices = @transform_5, window_bounds = array<i64: 1, 64>}, {pipeline_mode = #tpu.pipeline_mode<synchronous>, transform_indices = @transform_6, window_bounds = array<i64: 1, 64>}, {pipeline_mode = #tpu.pipeline_mode<synchronous>, transform_indices = @transform_7, window_bounds = array<i64: 64, 64>}, {transform_indices = @transform_8, window_bounds = array<i64: 1, 256, 64>}, {pipeline_mode = #tpu.pipeline_mode<synchronous>, transform_indices = @transform_9, window_bounds = array<i64: 1, 64>}, {pipeline_mode = #tpu.pipeline_mode<synchronous>, transform_indices = @transform_10, window_bounds = array<i64: 1, 64>}]} {
    %eq3A = arith.constant 0 : i32
    %eq3A_0 = arith.cmpi eq, %arg0, %eq3A : i32
    %eq3A_1 = arith.constant 0 : i32
    %eq3A_2 = arith.cmpi eq, %arg1, %eq3A_1 : i32
    %and3A = arith.andi %eq3A_0, %eq3A_2 : i1
    %eq3A_3 = arith.constant 0 : i32
    %eq3A_4 = arith.cmpi eq, %arg2, %eq3A_3 : i32
    %and3A_5 = arith.andi %and3A, %eq3A_4 : i1
    %convert_element_type3A = arith.extui %and3A_5 : i1 to i32
    %cond3A = arith.constant 0 : i32
    %cond3A_6 = arith.cmpi ne, %convert_element_type3A, %cond3A : i32
    scf.if %cond3A_6 {
      %broadcast_in_dim3A_79 = arith.constant 0.000000e+00 : f32
      %broadcast_in_dim3A_80 = vector.broadcast %broadcast_in_dim3A_79 : f32 to vector<1x64xf32>
      %swap3A_81 = arith.constant 0 : index
      %swap3A_82 = arith.constant 0 : index
      %swap3A_83 = vector.load %arg12[%swap3A_81, %swap3A_82] : memref<1x64xf32, #tpu.memory_space<vmem>>, vector<1x64xf32>
      tpu.vector_store %arg12[%swap3A_81, %swap3A_82], %broadcast_in_dim3A_80 {strides = array<i32>} : memref<1x64xf32, #tpu.memory_space<vmem>>, vector<1x64xf32>,
      %broadcast_in_dim3A_84 = arith.constant 0.000000e+00 : f32
      %broadcast_in_dim3A_85 = vector.broadcast %broadcast_in_dim3A_84 : f32 to vector<1x64xf32>
      %swap3A_86 = arith.constant 0 : index
      %swap3A_87 = arith.constant 0 : index
      %swap3A_88 = vector.load %arg13[%swap3A_86, %swap3A_87] : memref<1x64xf32, #tpu.memory_space<vmem>>, vector<1x64xf32>
      tpu.vector_store %arg13[%swap3A_86, %swap3A_87], %broadcast_in_dim3A_85 {strides = array<i32>} : memref<1x64xf32, #tpu.memory_space<vmem>>, vector<1x64xf32>,
    } else {
    }
    %get3A = arith.constant 0 : index
    %get3A_7 = arith.constant 0 : index
    %get3A_8 = arith.constant 0 : index
    %get3A_9 = arith.constant 0 : index
    %get3A_10 = vector.load %arg3[%get3A, %get3A_7, %get3A_8, %get3A_9] : memref<1x1x256x128xf32, #tpu.memory_space<vmem>>, vector<1x1x256x128xf32>
    %get3A_11 = vector.shape_cast %get3A_10 : vector<1x1x256x128xf32> to vector<256x128xf32>
    %get3A_12 = arith.constant 0 : index
    %get3A_13 = arith.constant 0 : index
    %get3A_14 = arith.constant 0 : index
    %get3A_15 = vector.load %arg4[%get3A_12, %get3A_13, %get3A_14] : memref<1x256x128xf32, #tpu.memory_space<vmem>>, vector<1x256x128xf32>
    %get3A_16 = vector.shape_cast %get3A_15 : vector<1x256x128xf32> to vector<256x128xf32>
    %sub3A = arith.subf %get3A_11, %get3A_16 : vector<256x128xf32>
    %convert_element_type3A_17 = arith.truncf %sub3A : vector<256x128xf32> to vector<256x128xbf16>
    %convert_element_type3A_18 = arith.truncf %get3A_16 : vector<256x128xf32> to vector<256x128xbf16>
    %concatenate3A = tpu.concatenate %convert_element_type3A_17, %convert_element_type3A_18 in 1 : vector<256x128xbf16>, vector<256x128xbf16> -> vector<256x256xbf16>
    %get3A_19 = arith.constant 0 : index
    %get3A_20 = arith.constant 0 : index
    %get3A_21 = vector.load %arg5[%get3A_19, %get3A_20] : memref<64x256xbf16, #tpu.memory_space<vmem>>, vector<64x256xbf16>
    %dot_general3A = arith.constant dense<0.000000e+00> : vector<256x64xf32>
    %dot_general3A_22 = tpu.matmul %concatenate3A, %get3A_21, %dot_general3A {dimension_numbers = #tpu.dot_dimension_numbers<[1], [1], [0], [0], [0, 0, 1, 0], [], []>, transpose_lhs_hint = false} : vector<256x256xbf16>, vector<64x256xbf16>, vector<256x64xf32> -> vector<256x64xf32>
    %get3A_23 = arith.constant 0 : index
    %get3A_24 = arith.constant 0 : index
    %get3A_25 = vector.load %arg8[%get3A_23, %get3A_24] : memref<1x64xf32, #tpu.memory_space<vmem>>, vector<1x64xf32>
    %get3A_26 = arith.constant 0 : index
    %get3A_27 = arith.constant 0 : index
    %get3A_28 = vector.load %arg6[%get3A_26, %get3A_27] : memref<1x64xf32, #tpu.memory_space<vmem>>, vector<1x64xf32>
    %sub3A_29 = vector.broadcast %get3A_28 : vector<1x64xf32> to vector<256x64xf32>
    %sub3A_30 = arith.subf %dot_general3A_22, %sub3A_29 : vector<256x64xf32>
    %mul3A = vector.broadcast %get3A_25 : vector<1x64xf32> to vector<256x64xf32>
    %mul3A_31 = arith.mulf %mul3A, %sub3A_30 : vector<256x64xf32>
    %get3A_32 = arith.constant 0 : index
    %get3A_33 = arith.constant 0 : index
    %get3A_34 = vector.load %arg7[%get3A_32, %get3A_33] : memref<1x64xf32, #tpu.memory_space<vmem>>, vector<1x64xf32>
    %div3A = vector.broadcast %get3A_34 : vector<1x64xf32> to vector<256x64xf32>
    %div3A_35 = arith.divf %mul3A_31, %div3A : vector<256x64xf32>
    %get3A_36 = arith.constant 0 : index
    %get3A_37 = arith.constant 0 : index
    %get3A_38 = vector.load %arg9[%get3A_36, %get3A_37] : memref<1x64xf32, #tpu.memory_space<vmem>>, vector<1x64xf32>
    %add3A = vector.broadcast %get3A_38 : vector<1x64xf32> to vector<256x64xf32>
    %add3A_39 = arith.addf %div3A_35, %add3A : vector<256x64xf32>
    %ge3A = arith.constant 0.000000e+00 : f32
    %ge3A_40 = vector.broadcast %ge3A : f32 to vector<256x64xf32>
    %ge3A_41 = arith.cmpf oge, %add3A_39, %ge3A_40 : vector<256x64xf32>
    %mul3A_42 = arith.constant 2.000000e-01 : f32
    %mul3A_43 = vector.broadcast %mul3A_42 : f32 to vector<256x64xf32>
    %mul3A_44 = arith.mulf %mul3A_43, %add3A_39 : vector<256x64xf32>
    %select_n3A = arith.select %ge3A_41, %add3A_39, %mul3A_44 : vector<256x64xi1>, vector<256x64xf32>
    %get3A_45 = arith.constant 0 : index
    %get3A_46 = arith.constant 0 : index
    %get3A_47 = vector.load %arg10[%get3A_45, %get3A_46] : memref<64x64xf32, #tpu.memory_space<vmem>>, vector<64x64xf32>
    %convert_element_type3A_48 = arith.truncf %select_n3A : vector<256x64xf32> to vector<256x64xbf16>
    %convert_element_type3A_49 = arith.truncf %get3A_47 : vector<64x64xf32> to vector<64x64xbf16>
    %dot_general3A_50 = arith.constant dense<0.000000e+00> : vector<256x64xf32>
    %dot_general3A_51 = tpu.matmul %convert_element_type3A_48, %convert_element_type3A_49, %dot_general3A_50 {dimension_numbers = #tpu.dot_dimension_numbers<[1], [1], [0], [0], [0, 0, 1, 0], [], []>, transpose_lhs_hint = false} : vector<256x64xbf16>, vector<64x64xbf16>, vector<256x64xf32> -> vector<256x64xf32>
    %get3A_52 = arith.constant 0 : index
    %get3A_53 = arith.constant 0 : index
    %get3A_54 = vector.load %arg12[%get3A_52, %get3A_53] : memref<1x64xf32, #tpu.memory_space<vmem>>, vector<1x64xf32>
    %reduce_sum3A = arith.constant dense<0.000000e+00> : vector<64xf32>
    %reduce_sum3A_55 = vector.multi_reduction <add>, %dot_general3A_51, %reduce_sum3A [0] : vector<256x64xf32> to vector<64xf32>
    %broadcast_in_dim3A = vector.shape_cast %reduce_sum3A_55 : vector<64xf32> to vector<1x64xf32>
    %add3A_56 = arith.addf %get3A_54, %broadcast_in_dim3A : vector<1x64xf32>
    %swap3A = arith.constant 0 : index
    %swap3A_57 = arith.constant 0 : index
    %swap3A_58 = vector.load %arg12[%swap3A, %swap3A_57] : memref<1x64xf32, #tpu.memory_space<vmem>>, vector<1x64xf32>
    tpu.vector_store %arg12[%swap3A, %swap3A_57], %add3A_56 {strides = array<i32>} : memref<1x64xf32, #tpu.memory_space<vmem>>, vector<1x64xf32>,
    %get3A_59 = arith.constant 0 : index
    %get3A_60 = arith.constant 0 : index
    %get3A_61 = vector.load %arg13[%get3A_59, %get3A_60] : memref<1x64xf32, #tpu.memory_space<vmem>>, vector<1x64xf32>
    %mul3A_62 = arith.mulf %dot_general3A_51, %dot_general3A_51 : vector<256x64xf32>
    %reduce_sum3A_63 = arith.constant dense<0.000000e+00> : vector<64xf32>
    %reduce_sum3A_64 = vector.multi_reduction <add>, %mul3A_62, %reduce_sum3A_63 [0] : vector<256x64xf32> to vector<64xf32>
    %broadcast_in_dim3A_65 = vector.shape_cast %reduce_sum3A_64 : vector<64xf32> to vector<1x64xf32>
    %add3A_66 = arith.addf %get3A_61, %broadcast_in_dim3A_65 : vector<1x64xf32>
    %swap3A_67 = arith.constant 0 : index
    %swap3A_68 = arith.constant 0 : index
    %swap3A_69 = vector.load %arg13[%swap3A_67, %swap3A_68] : memref<1x64xf32, #tpu.memory_space<vmem>>, vector<1x64xf32>
    tpu.vector_store %arg13[%swap3A_67, %swap3A_68], %add3A_66 {strides = array<i32>} : memref<1x64xf32, #tpu.memory_space<vmem>>, vector<1x64xf32>,
    %eq3A_70 = arith.constant 0 : i32
    %eq3A_71 = arith.cmpi eq, %arg2, %eq3A_70 : i32
    %convert_element_type3A_72 = arith.extui %eq3A_71 : i1 to i32
    %cond3A_73 = arith.constant 0 : i32
    %cond3A_74 = arith.cmpi ne, %convert_element_type3A_72, %cond3A_73 : i32
    scf.if %cond3A_74 {
      %swap3A_79 = arith.constant 0 : index
      %swap3A_80 = arith.constant 0 : index
      %swap3A_81 = arith.constant 0 : index
      %swap3A_82 = vector.load %arg11[%swap3A_79, %swap3A_80, %swap3A_81] : memref<1x256x64xf32, #tpu.memory_space<vmem>>, vector<1x256x64xf32>
      %swap3A_83 = vector.shape_cast %swap3A_82 : vector<1x256x64xf32> to vector<256x64xf32>
      %swap3A_84 = vector.shape_cast %dot_general3A_51 : vector<256x64xf32> to vector<1x256x64xf32>
      tpu.vector_store %arg11[%swap3A_79, %swap3A_80, %swap3A_81], %swap3A_84 {strides = array<i32>} : memref<1x256x64xf32, #tpu.memory_space<vmem>>, vector<1x256x64xf32>,
    } else {
    }
    %ne3A = arith.constant 0 : i32
    %ne3A_75 = arith.cmpi ne, %arg2, %ne3A : i32
    %convert_element_type3A_76 = arith.extui %ne3A_75 : i1 to i32
    %cond3A_77 = arith.constant 0 : i32
    %cond3A_78 = arith.cmpi ne, %convert_element_type3A_76, %cond3A_77 : i32
    scf.if %cond3A_78 {
      %get3A_79 = arith.constant 0 : index
      %get3A_80 = arith.constant 0 : index
      %get3A_81 = arith.constant 0 : index
      %get3A_82 = vector.load %arg11[%get3A_79, %get3A_80, %get3A_81] : memref<1x256x64xf32, #tpu.memory_space<vmem>>, vector<1x256x64xf32>
      %get3A_83 = vector.shape_cast %get3A_82 : vector<1x256x64xf32> to vector<256x64xf32>
      %max3A = arith.maximumf %get3A_83, %dot_general3A_51 : vector<256x64xf32>
      %swap3A_84 = arith.constant 0 : index
      %swap3A_85 = arith.constant 0 : index
      %swap3A_86 = arith.constant 0 : index
      %swap3A_87 = vector.load %arg11[%swap3A_84, %swap3A_85, %swap3A_86] : memref<1x256x64xf32, #tpu.memory_space<vmem>>, vector<1x256x64xf32>
      %swap3A_88 = vector.shape_cast %swap3A_87 : vector<1x256x64xf32> to vector<256x64xf32>
      %swap3A_89 = vector.shape_cast %max3A : vector<256x64xf32> to vector<1x256x64xf32>
      tpu.vector_store %arg11[%swap3A_84, %swap3A_85, %swap3A_86], %swap3A_89 {strides = array<i32>} : memref<1x256x64xf32, #tpu.memory_space<vmem>>, vector<1x256x64xf32>,
    } else {
    }
    return
  }
  func.func @transform_0(%arg0: i32, %arg1: i32, %arg2: i32) -> (i32, i32, i32, i32) {
    %c0_i32 = arith.constant 0 : i32
    %c0_i32_0 = arith.constant 0 : i32
    return %arg0, %arg2, %arg1, %c0_i32 : i32, i32, i32, i32
  }
  func.func @transform_1(%arg0: i32, %arg1: i32, %arg2: i32) -> (i32, i32, i32) {
    %c0_i32 = arith.constant 0 : i32
    %c0_i32_0 = arith.constant 0 : i32
    return %arg0, %arg1, %c0_i32 : i32, i32, i32
  }
  func.func @transform_2(%arg0: i32, %arg1: i32, %arg2: i32) -> (i32, i32) {
    %c0_i32 = arith.constant 0 : i32
    %c0_i32_0 = arith.constant 0 : i32
    %c0_i32_1 = arith.constant 0 : i32
    return %c0_i32, %c0_i32_0 : i32, i32
  }
  func.func @transform_3(%arg0: i32, %arg1: i32, %arg2: i32) -> (i32, i32) {
    %c0_i32 = arith.constant 0 : i32
    %c0_i32_0 = arith.constant 0 : i32
    %c0_i32_1 = arith.constant 0 : i32
    return %c0_i32, %c0_i32_0 : i32, i32
  }
  func.func @transform_4(%arg0: i32, %arg1: i32, %arg2: i32) -> (i32, i32) {
    %c0_i32 = arith.constant 0 : i32
    %c0_i32_0 = arith.constant 0 : i32
    %c0_i32_1 = arith.constant 0 : i32
    return %c0_i32, %c0_i32_0 : i32, i32
  }
  func.func @transform_5(%arg0: i32, %arg1: i32, %arg2: i32) -> (i32, i32) {
    %c0_i32 = arith.constant 0 : i32
    %c0_i32_0 = arith.constant 0 : i32
    %c0_i32_1 = arith.constant 0 : i32
    return %c0_i32, %c0_i32_0 : i32, i32
  }
  func.func @transform_6(%arg0: i32, %arg1: i32, %arg2: i32) -> (i32, i32) {
    %c0_i32 = arith.constant 0 : i32
    %c0_i32_0 = arith.constant 0 : i32
    %c0_i32_1 = arith.constant 0 : i32
    return %c0_i32, %c0_i32_0 : i32, i32
  }
  func.func @transform_7(%arg0: i32, %arg1: i32, %arg2: i32) -> (i32, i32) {
    %c0_i32 = arith.constant 0 : i32
    %c0_i32_0 = arith.constant 0 : i32
    %c0_i32_1 = arith.constant 0 : i32
    return %c0_i32, %c0_i32_0 : i32, i32
  }
  func.func @transform_8(%arg0: i32, %arg1: i32, %arg2: i32) -> (i32, i32, i32) {
    %c0_i32 = arith.constant 0 : i32
    %c0_i32_0 = arith.constant 0 : i32
    return %arg0, %arg1, %c0_i32 : i32, i32, i32
  }
  func.func @transform_9(%arg0: i32, %arg1: i32, %arg2: i32) -> (i32, i32) {
    %c0_i32 = arith.constant 0 : i32
    %c0_i32_0 = arith.constant 0 : i32
    %c0_i32_1 = arith.constant 0 : i32
    return %c0_i32, %c0_i32_0 : i32, i32
  }
  func.func @transform_10(%arg0: i32, %arg1: i32, %arg2: i32) -> (i32, i32) {
    %c0_i32 = arith.constant 0 : i32
    %c0_i32_0 = arith.constant 0 : i32
    %c0_i32_1 = arith.constant 0 : i32
    return %c0_i32, %c0_i32_0 : i32, i32
  }
}

module attributes {stable_mosaic.version = 14 : i64} {
  func.func @_act_body(%arg0: i32, %arg1: memref<256x64xf32, #tpu.memory_space<vmem>>, %arg2: memref<1x64xf32, #tpu.memory_space<vmem>>, %arg3: memref<1x64xf32, #tpu.memory_space<vmem>>, %arg4: memref<1x64xf32, #tpu.memory_space<vmem>>, %arg5: memref<1x64xf32, #tpu.memory_space<vmem>>, %arg6: memref<256x128xf32, #tpu.memory_space<vmem>>) attributes {dimension_semantics = [#tpu.dimension_semantics<arbitrary>], iteration_bounds = array<i64: 32>, scalar_prefetch = 0 : i64, scratch_operands = 0 : i64, tpu.core_type = #tpu.core_type<tc>, window_params = [{transform_indices = @transform_0, window_bounds = array<i64: 256, 64>}, {pipeline_mode = #tpu.pipeline_mode<synchronous>, transform_indices = @transform_1, window_bounds = array<i64: 1, 64>}, {pipeline_mode = #tpu.pipeline_mode<synchronous>, transform_indices = @transform_2, window_bounds = array<i64: 1, 64>}, {pipeline_mode = #tpu.pipeline_mode<synchronous>, transform_indices = @transform_3, window_bounds = array<i64: 1, 64>}, {pipeline_mode = #tpu.pipeline_mode<synchronous>, transform_indices = @transform_4, window_bounds = array<i64: 1, 64>}, {transform_indices = @transform_5, window_bounds = array<i64: 256, 128>}]} {
    %get3A = arith.constant 0 : index
    %get3A_0 = arith.constant 0 : index
    %get3A_1 = vector.load %arg4[%get3A, %get3A_0] : memref<1x64xf32, #tpu.memory_space<vmem>>, vector<1x64xf32>
    %get3A_2 = arith.constant 0 : index
    %get3A_3 = arith.constant 0 : index
    %get3A_4 = vector.load %arg1[%get3A_2, %get3A_3] : memref<256x64xf32, #tpu.memory_space<vmem>>, vector<256x64xf32>
    %get3A_5 = arith.constant 0 : index
    %get3A_6 = arith.constant 0 : index
    %get3A_7 = vector.load %arg2[%get3A_5, %get3A_6] : memref<1x64xf32, #tpu.memory_space<vmem>>, vector<1x64xf32>
    %sub3A = vector.broadcast %get3A_7 : vector<1x64xf32> to vector<256x64xf32>
    %sub3A_8 = arith.subf %get3A_4, %sub3A : vector<256x64xf32>
    %mul3A = vector.broadcast %get3A_1 : vector<1x64xf32> to vector<256x64xf32>
    %mul3A_9 = arith.mulf %mul3A, %sub3A_8 : vector<256x64xf32>
    %get3A_10 = arith.constant 0 : index
    %get3A_11 = arith.constant 0 : index
    %get3A_12 = vector.load %arg3[%get3A_10, %get3A_11] : memref<1x64xf32, #tpu.memory_space<vmem>>, vector<1x64xf32>
    %div3A = vector.broadcast %get3A_12 : vector<1x64xf32> to vector<256x64xf32>
    %div3A_13 = arith.divf %mul3A_9, %div3A : vector<256x64xf32>
    %get3A_14 = arith.constant 0 : index
    %get3A_15 = arith.constant 0 : index
    %get3A_16 = vector.load %arg5[%get3A_14, %get3A_15] : memref<1x64xf32, #tpu.memory_space<vmem>>, vector<1x64xf32>
    %add3A = vector.broadcast %get3A_16 : vector<1x64xf32> to vector<256x64xf32>
    %add3A_17 = arith.addf %div3A_13, %add3A : vector<256x64xf32>
    %ge3A = arith.constant 0.000000e+00 : f32
    %ge3A_18 = vector.broadcast %ge3A : f32 to vector<256x64xf32>
    %ge3A_19 = arith.cmpf oge, %add3A_17, %ge3A_18 : vector<256x64xf32>
    %mul3A_20 = arith.constant 2.000000e-01 : f32
    %mul3A_21 = vector.broadcast %mul3A_20 : f32 to vector<256x64xf32>
    %mul3A_22 = arith.mulf %mul3A_21, %add3A_17 : vector<256x64xf32>
    %select_n3A = arith.select %ge3A_19, %add3A_17, %mul3A_22 : vector<256x64xi1>, vector<256x64xf32>
    %swap3A = arith.constant 0 : index
    %swap3A_23 = arith.constant 0 : index
    %swap3A_24 = vector.load %arg6[%swap3A, %swap3A_23] : memref<256x128xf32, #tpu.memory_space<vmem>>, vector<256x64xf32>
    tpu.vector_store %arg6[%swap3A, %swap3A_23], %select_n3A {strides = array<i32>} : memref<256x128xf32, #tpu.memory_space<vmem>>, vector<256x64xf32>,
    %broadcast_in_dim3A = arith.constant 0.000000e+00 : f32
    %broadcast_in_dim3A_25 = vector.broadcast %broadcast_in_dim3A : f32 to vector<256x64xf32>
    %swap3A_26 = arith.constant 0 : index
    %swap3A_27 = arith.constant 64 : index
    %swap3A_28 = vector.load %arg6[%swap3A_26, %swap3A_27] : memref<256x128xf32, #tpu.memory_space<vmem>>, vector<256x64xf32>
    tpu.vector_store %arg6[%swap3A_26, %swap3A_27], %broadcast_in_dim3A_25 {strides = array<i32>} : memref<256x128xf32, #tpu.memory_space<vmem>>, vector<256x64xf32>,
    return
  }
  func.func @transform_0(%arg0: i32) -> (i32, i32) {
    %c0_i32 = arith.constant 0 : i32
    %c0_i32_0 = arith.constant 0 : i32
    return %arg0, %c0_i32 : i32, i32
  }
  func.func @transform_1(%arg0: i32) -> (i32, i32) {
    %c0_i32 = arith.constant 0 : i32
    %c0_i32_0 = arith.constant 0 : i32
    %c0_i32_1 = arith.constant 0 : i32
    return %c0_i32, %c0_i32_0 : i32, i32
  }
  func.func @transform_2(%arg0: i32) -> (i32, i32) {
    %c0_i32 = arith.constant 0 : i32
    %c0_i32_0 = arith.constant 0 : i32
    %c0_i32_1 = arith.constant 0 : i32
    return %c0_i32, %c0_i32_0 : i32, i32
  }
  func.func @transform_3(%arg0: i32) -> (i32, i32) {
    %c0_i32 = arith.constant 0 : i32
    %c0_i32_0 = arith.constant 0 : i32
    %c0_i32_1 = arith.constant 0 : i32
    return %c0_i32, %c0_i32_0 : i32, i32
  }
  func.func @transform_4(%arg0: i32) -> (i32, i32) {
    %c0_i32 = arith.constant 0 : i32
    %c0_i32_0 = arith.constant 0 : i32
    %c0_i32_1 = arith.constant 0 : i32
    return %c0_i32, %c0_i32_0 : i32, i32
  }
  func.func @transform_5(%arg0: i32) -> (i32, i32) {
    %c0_i32 = arith.constant 0 : i32
    %c0_i32_0 = arith.constant 0 : i32
    return %arg0, %c0_i32 : i32, i32
  }
}

module attributes {stable_mosaic.version = 14 : i64} {
  func.func @_emax1_body(%arg0: i32, %arg1: i32, %arg2: i32, %arg3: memref<1x1x256x128xf32, #tpu.memory_space<vmem>>, %arg4: memref<1x256x128xf32, #tpu.memory_space<vmem>>, %arg5: memref<64x256xbf16, #tpu.memory_space<vmem>>, %arg6: memref<1x256x64xf32, #tpu.memory_space<vmem>>, %arg7: memref<1x64xf32, #tpu.memory_space<vmem>>, %arg8: memref<1x64xf32, #tpu.memory_space<vmem>>) attributes {dimension_semantics = [#tpu.dimension_semantics<arbitrary>, #tpu.dimension_semantics<arbitrary>, #tpu.dimension_semantics<arbitrary>], iteration_bounds = array<i64: 4, 8, 20>, scalar_prefetch = 0 : i64, scratch_operands = 0 : i64, tpu.core_type = #tpu.core_type<tc>, window_params = [{transform_indices = @transform_0, window_bounds = array<i64: 1, 1, 256, 128>}, {transform_indices = @transform_1, window_bounds = array<i64: 1, 256, 128>}, {pipeline_mode = #tpu.pipeline_mode<synchronous>, transform_indices = @transform_2, window_bounds = array<i64: 64, 256>}, {transform_indices = @transform_3, window_bounds = array<i64: 1, 256, 64>}, {pipeline_mode = #tpu.pipeline_mode<synchronous>, transform_indices = @transform_4, window_bounds = array<i64: 1, 64>}, {pipeline_mode = #tpu.pipeline_mode<synchronous>, transform_indices = @transform_5, window_bounds = array<i64: 1, 64>}]} {
    %eq3A = arith.constant 0 : i32
    %eq3A_0 = arith.cmpi eq, %arg0, %eq3A : i32
    %eq3A_1 = arith.constant 0 : i32
    %eq3A_2 = arith.cmpi eq, %arg1, %eq3A_1 : i32
    %and3A = arith.andi %eq3A_0, %eq3A_2 : i1
    %eq3A_3 = arith.constant 0 : i32
    %eq3A_4 = arith.cmpi eq, %arg2, %eq3A_3 : i32
    %and3A_5 = arith.andi %and3A, %eq3A_4 : i1
    %convert_element_type3A = arith.extui %and3A_5 : i1 to i32
    %cond3A = arith.constant 0 : i32
    %cond3A_6 = arith.cmpi ne, %convert_element_type3A, %cond3A : i32
    scf.if %cond3A_6 {
      %broadcast_in_dim3A_48 = arith.constant 0.000000e+00 : f32
      %broadcast_in_dim3A_49 = vector.broadcast %broadcast_in_dim3A_48 : f32 to vector<1x64xf32>
      %swap3A_50 = arith.constant 0 : index
      %swap3A_51 = arith.constant 0 : index
      %swap3A_52 = vector.load %arg7[%swap3A_50, %swap3A_51] : memref<1x64xf32, #tpu.memory_space<vmem>>, vector<1x64xf32>
      tpu.vector_store %arg7[%swap3A_50, %swap3A_51], %broadcast_in_dim3A_49 {strides = array<i32>} : memref<1x64xf32, #tpu.memory_space<vmem>>, vector<1x64xf32>,
      %broadcast_in_dim3A_53 = arith.constant 0.000000e+00 : f32
      %broadcast_in_dim3A_54 = vector.broadcast %broadcast_in_dim3A_53 : f32 to vector<1x64xf32>
      %swap3A_55 = arith.constant 0 : index
      %swap3A_56 = arith.constant 0 : index
      %swap3A_57 = vector.load %arg8[%swap3A_55, %swap3A_56] : memref<1x64xf32, #tpu.memory_space<vmem>>, vector<1x64xf32>
      tpu.vector_store %arg8[%swap3A_55, %swap3A_56], %broadcast_in_dim3A_54 {strides = array<i32>} : memref<1x64xf32, #tpu.memory_space<vmem>>, vector<1x64xf32>,
    } else {
    }
    %get3A = arith.constant 0 : index
    %get3A_7 = arith.constant 0 : index
    %get3A_8 = arith.constant 0 : index
    %get3A_9 = arith.constant 0 : index
    %get3A_10 = vector.load %arg3[%get3A, %get3A_7, %get3A_8, %get3A_9] : memref<1x1x256x128xf32, #tpu.memory_space<vmem>>, vector<1x1x256x128xf32>
    %get3A_11 = vector.shape_cast %get3A_10 : vector<1x1x256x128xf32> to vector<256x128xf32>
    %get3A_12 = arith.constant 0 : index
    %get3A_13 = arith.constant 0 : index
    %get3A_14 = arith.constant 0 : index
    %get3A_15 = vector.load %arg4[%get3A_12, %get3A_13, %get3A_14] : memref<1x256x128xf32, #tpu.memory_space<vmem>>, vector<1x256x128xf32>
    %get3A_16 = vector.shape_cast %get3A_15 : vector<1x256x128xf32> to vector<256x128xf32>
    %sub3A = arith.subf %get3A_11, %get3A_16 : vector<256x128xf32>
    %convert_element_type3A_17 = arith.truncf %sub3A : vector<256x128xf32> to vector<256x128xbf16>
    %convert_element_type3A_18 = arith.truncf %get3A_16 : vector<256x128xf32> to vector<256x128xbf16>
    %concatenate3A = tpu.concatenate %convert_element_type3A_17, %convert_element_type3A_18 in 1 : vector<256x128xbf16>, vector<256x128xbf16> -> vector<256x256xbf16>
    %get3A_19 = arith.constant 0 : index
    %get3A_20 = arith.constant 0 : index
    %get3A_21 = vector.load %arg5[%get3A_19, %get3A_20] : memref<64x256xbf16, #tpu.memory_space<vmem>>, vector<64x256xbf16>
    %dot_general3A = arith.constant dense<0.000000e+00> : vector<256x64xf32>
    %dot_general3A_22 = tpu.matmul %concatenate3A, %get3A_21, %dot_general3A {dimension_numbers = #tpu.dot_dimension_numbers<[1], [1], [0], [0], [0, 0, 1, 0], [], []>, transpose_lhs_hint = false} : vector<256x256xbf16>, vector<64x256xbf16>, vector<256x64xf32> -> vector<256x64xf32>
    %get3A_23 = arith.constant 0 : index
    %get3A_24 = arith.constant 0 : index
    %get3A_25 = vector.load %arg7[%get3A_23, %get3A_24] : memref<1x64xf32, #tpu.memory_space<vmem>>, vector<1x64xf32>
    %reduce_sum3A = arith.constant dense<0.000000e+00> : vector<64xf32>
    %reduce_sum3A_26 = vector.multi_reduction <add>, %dot_general3A_22, %reduce_sum3A [0] : vector<256x64xf32> to vector<64xf32>
    %broadcast_in_dim3A = vector.shape_cast %reduce_sum3A_26 : vector<64xf32> to vector<1x64xf32>
    %add3A = arith.addf %get3A_25, %broadcast_in_dim3A : vector<1x64xf32>
    %swap3A = arith.constant 0 : index
    %swap3A_27 = arith.constant 0 : index
    %swap3A_28 = vector.load %arg7[%swap3A, %swap3A_27] : memref<1x64xf32, #tpu.memory_space<vmem>>, vector<1x64xf32>
    tpu.vector_store %arg7[%swap3A, %swap3A_27], %add3A {strides = array<i32>} : memref<1x64xf32, #tpu.memory_space<vmem>>, vector<1x64xf32>,
    %get3A_29 = arith.constant 0 : index
    %get3A_30 = arith.constant 0 : index
    %get3A_31 = vector.load %arg8[%get3A_29, %get3A_30] : memref<1x64xf32, #tpu.memory_space<vmem>>, vector<1x64xf32>
    %mul3A = arith.mulf %dot_general3A_22, %dot_general3A_22 : vector<256x64xf32>
    %reduce_sum3A_32 = arith.constant dense<0.000000e+00> : vector<64xf32>
    %reduce_sum3A_33 = vector.multi_reduction <add>, %mul3A, %reduce_sum3A_32 [0] : vector<256x64xf32> to vector<64xf32>
    %broadcast_in_dim3A_34 = vector.shape_cast %reduce_sum3A_33 : vector<64xf32> to vector<1x64xf32>
    %add3A_35 = arith.addf %get3A_31, %broadcast_in_dim3A_34 : vector<1x64xf32>
    %swap3A_36 = arith.constant 0 : index
    %swap3A_37 = arith.constant 0 : index
    %swap3A_38 = vector.load %arg8[%swap3A_36, %swap3A_37] : memref<1x64xf32, #tpu.memory_space<vmem>>, vector<1x64xf32>
    tpu.vector_store %arg8[%swap3A_36, %swap3A_37], %add3A_35 {strides = array<i32>} : memref<1x64xf32, #tpu.memory_space<vmem>>, vector<1x64xf32>,
    %eq3A_39 = arith.constant 0 : i32
    %eq3A_40 = arith.cmpi eq, %arg2, %eq3A_39 : i32
    %convert_element_type3A_41 = arith.extui %eq3A_40 : i1 to i32
    %cond3A_42 = arith.constant 0 : i32
    %cond3A_43 = arith.cmpi ne, %convert_element_type3A_41, %cond3A_42 : i32
    scf.if %cond3A_43 {
      %swap3A_48 = arith.constant 0 : index
      %swap3A_49 = arith.constant 0 : index
      %swap3A_50 = arith.constant 0 : index
      %swap3A_51 = vector.load %arg6[%swap3A_48, %swap3A_49, %swap3A_50] : memref<1x256x64xf32, #tpu.memory_space<vmem>>, vector<1x256x64xf32>
      %swap3A_52 = vector.shape_cast %swap3A_51 : vector<1x256x64xf32> to vector<256x64xf32>
      %swap3A_53 = vector.shape_cast %dot_general3A_22 : vector<256x64xf32> to vector<1x256x64xf32>
      tpu.vector_store %arg6[%swap3A_48, %swap3A_49, %swap3A_50], %swap3A_53 {strides = array<i32>} : memref<1x256x64xf32, #tpu.memory_space<vmem>>, vector<1x256x64xf32>,
    } else {
    }
    %ne3A = arith.constant 0 : i32
    %ne3A_44 = arith.cmpi ne, %arg2, %ne3A : i32
    %convert_element_type3A_45 = arith.extui %ne3A_44 : i1 to i32
    %cond3A_46 = arith.constant 0 : i32
    %cond3A_47 = arith.cmpi ne, %convert_element_type3A_45, %cond3A_46 : i32
    scf.if %cond3A_47 {
      %get3A_48 = arith.constant 0 : index
      %get3A_49 = arith.constant 0 : index
      %get3A_50 = arith.constant 0 : index
      %get3A_51 = vector.load %arg6[%get3A_48, %get3A_49, %get3A_50] : memref<1x256x64xf32, #tpu.memory_space<vmem>>, vector<1x256x64xf32>
      %get3A_52 = vector.shape_cast %get3A_51 : vector<1x256x64xf32> to vector<256x64xf32>
      %max3A = arith.maximumf %get3A_52, %dot_general3A_22 : vector<256x64xf32>
      %swap3A_53 = arith.constant 0 : index
      %swap3A_54 = arith.constant 0 : index
      %swap3A_55 = arith.constant 0 : index
      %swap3A_56 = vector.load %arg6[%swap3A_53, %swap3A_54, %swap3A_55] : memref<1x256x64xf32, #tpu.memory_space<vmem>>, vector<1x256x64xf32>
      %swap3A_57 = vector.shape_cast %swap3A_56 : vector<1x256x64xf32> to vector<256x64xf32>
      %swap3A_58 = vector.shape_cast %max3A : vector<256x64xf32> to vector<1x256x64xf32>
      tpu.vector_store %arg6[%swap3A_53, %swap3A_54, %swap3A_55], %swap3A_58 {strides = array<i32>} : memref<1x256x64xf32, #tpu.memory_space<vmem>>, vector<1x256x64xf32>,
    } else {
    }
    return
  }
  func.func @transform_0(%arg0: i32, %arg1: i32, %arg2: i32) -> (i32, i32, i32, i32) {
    %c0_i32 = arith.constant 0 : i32
    %c0_i32_0 = arith.constant 0 : i32
    return %arg0, %arg2, %arg1, %c0_i32 : i32, i32, i32, i32
  }
  func.func @transform_1(%arg0: i32, %arg1: i32, %arg2: i32) -> (i32, i32, i32) {
    %c0_i32 = arith.constant 0 : i32
    %c0_i32_0 = arith.constant 0 : i32
    return %arg0, %arg1, %c0_i32 : i32, i32, i32
  }
  func.func @transform_2(%arg0: i32, %arg1: i32, %arg2: i32) -> (i32, i32) {
    %c0_i32 = arith.constant 0 : i32
    %c0_i32_0 = arith.constant 0 : i32
    %c0_i32_1 = arith.constant 0 : i32
    return %c0_i32, %c0_i32_0 : i32, i32
  }
  func.func @transform_3(%arg0: i32, %arg1: i32, %arg2: i32) -> (i32, i32, i32) {
    %c0_i32 = arith.constant 0 : i32
    %c0_i32_0 = arith.constant 0 : i32
    return %arg0, %arg1, %c0_i32 : i32, i32, i32
  }
  func.func @transform_4(%arg0: i32, %arg1: i32, %arg2: i32) -> (i32, i32) {
    %c0_i32 = arith.constant 0 : i32
    %c0_i32_0 = arith.constant 0 : i32
    %c0_i32_1 = arith.constant 0 : i32
    return %c0_i32, %c0_i32_0 : i32, i32
  }
  func.func @transform_5(%arg0: i32, %arg1: i32, %arg2: i32) -> (i32, i32) {
    %c0_i32 = arith.constant 0 : i32
    %c0_i32_0 = arith.constant 0 : i32
    %c0_i32_1 = arith.constant 0 : i32
    return %c0_i32, %c0_i32_0 : i32, i32
  }
}

module attributes {stable_mosaic.version = 14 : i64} {
  func.func @_c6_body(%arg0: i32, %arg1: i32, %arg2: memref<1x256x128xf32, #tpu.memory_space<vmem>>, %arg3: memref<1x256x128xf32, #tpu.memory_space<vmem>>, %arg4: memref<1x256x128xf32, #tpu.memory_space<vmem>>, %arg5: memref<1024x64xf32, #tpu.memory_space<vmem>>, %arg6: memref<1024x64xf32, #tpu.memory_space<vmem>>, %arg7: memref<1024x64xf32, #tpu.memory_space<vmem>>, %arg8: memref<1x1x1024xf32, #tpu.memory_space<vmem>>, %arg9: memref<1x1024xf32, #tpu.memory_space<vmem>>, %arg10: memref<1x1024xf32, #tpu.memory_space<vmem>>) attributes {dimension_semantics = [#tpu.dimension_semantics<arbitrary>, #tpu.dimension_semantics<arbitrary>], iteration_bounds = array<i64: 4, 8>, scalar_prefetch = 0 : i64, scratch_operands = 0 : i64, tpu.core_type = #tpu.core_type<tc>, window_params = [{transform_indices = @transform_0, window_bounds = array<i64: 1, 256, 128>}, {transform_indices = @transform_1, window_bounds = array<i64: 1, 256, 128>}, {transform_indices = @transform_2, window_bounds = array<i64: 1, 256, 128>}, {pipeline_mode = #tpu.pipeline_mode<synchronous>, transform_indices = @transform_3, window_bounds = array<i64: 1024, 64>}, {pipeline_mode = #tpu.pipeline_mode<synchronous>, transform_indices = @transform_4, window_bounds = array<i64: 1024, 64>}, {pipeline_mode = #tpu.pipeline_mode<synchronous>, transform_indices = @transform_5, window_bounds = array<i64: 1024, 64>}, {transform_indices = @transform_6, window_bounds = array<i64: 1, 1, 1024>}, {pipeline_mode = #tpu.pipeline_mode<synchronous>, transform_indices = @transform_7, window_bounds = array<i64: 1, 1024>}, {pipeline_mode = #tpu.pipeline_mode<synchronous>, transform_indices = @transform_8, window_bounds = array<i64: 1, 1024>}]} {
    %eq3A = arith.constant 0 : i32
    %eq3A_0 = arith.cmpi eq, %arg0, %eq3A : i32
    %eq3A_1 = arith.constant 0 : i32
    %eq3A_2 = arith.cmpi eq, %arg1, %eq3A_1 : i32
    %and3A = arith.andi %eq3A_0, %eq3A_2 : i1
    %convert_element_type3A = arith.extui %and3A : i1 to i32
    %cond3A = arith.constant 0 : i32
    %cond3A_3 = arith.cmpi ne, %convert_element_type3A, %cond3A : i32
    scf.if %cond3A_3 {
      %broadcast_in_dim3A_67 = arith.constant 0.000000e+00 : f32
      %broadcast_in_dim3A_68 = vector.broadcast %broadcast_in_dim3A_67 : f32 to vector<1x1024xf32>
      %swap3A_69 = arith.constant 0 : index
      %swap3A_70 = arith.constant 0 : index
      %swap3A_71 = vector.load %arg9[%swap3A_69, %swap3A_70] : memref<1x1024xf32, #tpu.memory_space<vmem>>, vector<1x1024xf32>
      tpu.vector_store %arg9[%swap3A_69, %swap3A_70], %broadcast_in_dim3A_68 {strides = array<i32>} : memref<1x1024xf32, #tpu.memory_space<vmem>>, vector<1x1024xf32>,
      %broadcast_in_dim3A_72 = arith.constant 0.000000e+00 : f32
      %broadcast_in_dim3A_73 = vector.broadcast %broadcast_in_dim3A_72 : f32 to vector<1x1024xf32>
      %swap3A_74 = arith.constant 0 : index
      %swap3A_75 = arith.constant 0 : index
      %swap3A_76 = vector.load %arg10[%swap3A_74, %swap3A_75] : memref<1x1024xf32, #tpu.memory_space<vmem>>, vector<1x1024xf32>
      tpu.vector_store %arg10[%swap3A_74, %swap3A_75], %broadcast_in_dim3A_73 {strides = array<i32>} : memref<1x1024xf32, #tpu.memory_space<vmem>>, vector<1x1024xf32>,
    } else {
    }
    %get3A = arith.constant 0 : index
    %get3A_4 = arith.constant 0 : index
    %get3A_5 = arith.constant 0 : index
    %get3A_6 = vector.load %arg2[%get3A, %get3A_4, %get3A_5] : memref<1x256x128xf32, #tpu.memory_space<vmem>>, vector<1x256x64xf32>
    %get3A_7 = vector.shape_cast %get3A_6 : vector<1x256x64xf32> to vector<256x64xf32>
    %get3A_8 = arith.constant 0 : index
    %get3A_9 = arith.constant 0 : index
    %get3A_10 = vector.load %arg5[%get3A_8, %get3A_9] : memref<1024x64xf32, #tpu.memory_space<vmem>>, vector<1024x64xf32>
    %convert_element_type3A_11 = arith.truncf %get3A_7 : vector<256x64xf32> to vector<256x64xbf16>
    %convert_element_type3A_12 = arith.truncf %get3A_10 : vector<1024x64xf32> to vector<1024x64xbf16>
    %dot_general3A = arith.constant dense<0.000000e+00> : vector<256x1024xf32>
    %dot_general3A_13 = tpu.matmul %convert_element_type3A_11, %convert_element_type3A_12, %dot_general3A {dimension_numbers = #tpu.dot_dimension_numbers<[1], [1], [0], [0], [0, 0, 1, 0], [], []>, transpose_lhs_hint = false} : vector<256x64xbf16>, vector<1024x64xbf16>, vector<256x1024xf32> -> vector<256x1024xf32>
    %get3A_14 = arith.constant 0 : index
    %get3A_15 = arith.constant 0 : index
    %get3A_16 = arith.constant 0 : index
    %get3A_17 = vector.load %arg3[%get3A_14, %get3A_15, %get3A_16] : memref<1x256x128xf32, #tpu.memory_space<vmem>>, vector<1x256x64xf32>
    %get3A_18 = vector.shape_cast %get3A_17 : vector<1x256x64xf32> to vector<256x64xf32>
    %get3A_19 = arith.constant 0 : index
    %get3A_20 = arith.constant 0 : index
    %get3A_21 = vector.load %arg6[%get3A_19, %get3A_20] : memref<1024x64xf32, #tpu.memory_space<vmem>>, vector<1024x64xf32>
    %convert_element_type3A_22 = arith.truncf %get3A_18 : vector<256x64xf32> to vector<256x64xbf16>
    %convert_element_type3A_23 = arith.truncf %get3A_21 : vector<1024x64xf32> to vector<1024x64xbf16>
    %dot_general3A_24 = arith.constant dense<0.000000e+00> : vector<256x1024xf32>
    %dot_general3A_25 = tpu.matmul %convert_element_type3A_22, %convert_element_type3A_23, %dot_general3A_24 {dimension_numbers = #tpu.dot_dimension_numbers<[1], [1], [0], [0], [0, 0, 1, 0], [], []>, transpose_lhs_hint = false} : vector<256x64xbf16>, vector<1024x64xbf16>, vector<256x1024xf32> -> vector<256x1024xf32>
    %add3A = arith.addf %dot_general3A_13, %dot_general3A_25 : vector<256x1024xf32>
    %get3A_26 = arith.constant 0 : index
    %get3A_27 = arith.constant 0 : index
    %get3A_28 = arith.constant 0 : index
    %get3A_29 = vector.load %arg4[%get3A_26, %get3A_27, %get3A_28] : memref<1x256x128xf32, #tpu.memory_space<vmem>>, vector<1x256x64xf32>
    %get3A_30 = vector.shape_cast %get3A_29 : vector<1x256x64xf32> to vector<256x64xf32>
    %get3A_31 = arith.constant 0 : index
    %get3A_32 = arith.constant 0 : index
    %get3A_33 = vector.load %arg7[%get3A_31, %get3A_32] : memref<1024x64xf32, #tpu.memory_space<vmem>>, vector<1024x64xf32>
    %convert_element_type3A_34 = arith.truncf %get3A_30 : vector<256x64xf32> to vector<256x64xbf16>
    %convert_element_type3A_35 = arith.truncf %get3A_33 : vector<1024x64xf32> to vector<1024x64xbf16>
    %dot_general3A_36 = arith.constant dense<0.000000e+00> : vector<256x1024xf32>
    %dot_general3A_37 = tpu.matmul %convert_element_type3A_34, %convert_element_type3A_35, %dot_general3A_36 {dimension_numbers = #tpu.dot_dimension_numbers<[1], [1], [0], [0], [0, 0, 1, 0], [], []>, transpose_lhs_hint = false} : vector<256x64xbf16>, vector<1024x64xbf16>, vector<256x1024xf32> -> vector<256x1024xf32>
    %add3A_38 = arith.addf %add3A, %dot_general3A_37 : vector<256x1024xf32>
    %get3A_39 = arith.constant 0 : index
    %get3A_40 = arith.constant 0 : index
    %get3A_41 = vector.load %arg9[%get3A_39, %get3A_40] : memref<1x1024xf32, #tpu.memory_space<vmem>>, vector<1x1024xf32>
    %reduce_sum3A = arith.constant dense<0.000000e+00> : vector<1024xf32>
    %reduce_sum3A_42 = vector.multi_reduction <add>, %add3A_38, %reduce_sum3A [0] : vector<256x1024xf32> to vector<1024xf32>
    %broadcast_in_dim3A = vector.shape_cast %reduce_sum3A_42 : vector<1024xf32> to vector<1x1024xf32>
    %add3A_43 = arith.addf %get3A_41, %broadcast_in_dim3A : vector<1x1024xf32>
    %swap3A = arith.constant 0 : index
    %swap3A_44 = arith.constant 0 : index
    %swap3A_45 = vector.load %arg9[%swap3A, %swap3A_44] : memref<1x1024xf32, #tpu.memory_space<vmem>>, vector<1x1024xf32>
    tpu.vector_store %arg9[%swap3A, %swap3A_44], %add3A_43 {strides = array<i32>} : memref<1x1024xf32, #tpu.memory_space<vmem>>, vector<1x1024xf32>,
    %get3A_46 = arith.constant 0 : index
    %get3A_47 = arith.constant 0 : index
    %get3A_48 = vector.load %arg10[%get3A_46, %get3A_47] : memref<1x1024xf32, #tpu.memory_space<vmem>>, vector<1x1024xf32>
    %mul3A = arith.mulf %add3A_38, %add3A_38 : vector<256x1024xf32>
    %reduce_sum3A_49 = arith.constant dense<0.000000e+00> : vector<1024xf32>
    %reduce_sum3A_50 = vector.multi_reduction <add>, %mul3A, %reduce_sum3A_49 [0] : vector<256x1024xf32> to vector<1024xf32>
    %broadcast_in_dim3A_51 = vector.shape_cast %reduce_sum3A_50 : vector<1024xf32> to vector<1x1024xf32>
    %add3A_52 = arith.addf %get3A_48, %broadcast_in_dim3A_51 : vector<1x1024xf32>
    %swap3A_53 = arith.constant 0 : index
    %swap3A_54 = arith.constant 0 : index
    %swap3A_55 = vector.load %arg10[%swap3A_53, %swap3A_54] : memref<1x1024xf32, #tpu.memory_space<vmem>>, vector<1x1024xf32>
    tpu.vector_store %arg10[%swap3A_53, %swap3A_54], %add3A_52 {strides = array<i32>} : memref<1x1024xf32, #tpu.memory_space<vmem>>, vector<1x1024xf32>,
    %reduce_max3A = arith.constant dense<0xFF800000> : vector<1024xf32>
    %reduce_max3A_56 = vector.multi_reduction <maximumf>, %add3A_38, %reduce_max3A [0] : vector<256x1024xf32> to vector<1024xf32>
    %broadcast_in_dim3A_57 = vector.shape_cast %reduce_max3A_56 : vector<1024xf32> to vector<1x1024xf32>
    %eq3A_58 = arith.constant 0 : i32
    %eq3A_59 = arith.cmpi eq, %arg1, %eq3A_58 : i32
    %convert_element_type3A_60 = arith.extui %eq3A_59 : i1 to i32
    %cond3A_61 = arith.constant 0 : i32
    %cond3A_62 = arith.cmpi ne, %convert_element_type3A_60, %cond3A_61 : i32
    scf.if %cond3A_62 {
      %swap3A_67 = arith.constant 0 : index
      %swap3A_68 = arith.constant 0 : index
      %swap3A_69 = arith.constant 0 : index
      %swap3A_70 = vector.load %arg8[%swap3A_67, %swap3A_68, %swap3A_69] : memref<1x1x1024xf32, #tpu.memory_space<vmem>>, vector<1x1x1024xf32>
      %swap3A_71 = vector.shape_cast %swap3A_70 : vector<1x1x1024xf32> to vector<1x1024xf32>
      %swap3A_72 = vector.shape_cast %broadcast_in_dim3A_57 : vector<1x1024xf32> to vector<1x1x1024xf32>
      tpu.vector_store %arg8[%swap3A_67, %swap3A_68, %swap3A_69], %swap3A_72 {strides = array<i32>} : memref<1x1x1024xf32, #tpu.memory_space<vmem>>, vector<1x1x1024xf32>,
    } else {
    }
    %ne3A = arith.constant 0 : i32
    %ne3A_63 = arith.cmpi ne, %arg1, %ne3A : i32
    %convert_element_type3A_64 = arith.extui %ne3A_63 : i1 to i32
    %cond3A_65 = arith.constant 0 : i32
    %cond3A_66 = arith.cmpi ne, %convert_element_type3A_64, %cond3A_65 : i32
    scf.if %cond3A_66 {
      %get3A_67 = arith.constant 0 : index
      %get3A_68 = arith.constant 0 : index
      %get3A_69 = arith.constant 0 : index
      %get3A_70 = vector.load %arg8[%get3A_67, %get3A_68, %get3A_69] : memref<1x1x1024xf32, #tpu.memory_space<vmem>>, vector<1x1x1024xf32>
      %get3A_71 = vector.shape_cast %get3A_70 : vector<1x1x1024xf32> to vector<1x1024xf32>
      %max3A = arith.maximumf %get3A_71, %broadcast_in_dim3A_57 : vector<1x1024xf32>
      %swap3A_72 = arith.constant 0 : index
      %swap3A_73 = arith.constant 0 : index
      %swap3A_74 = arith.constant 0 : index
      %swap3A_75 = vector.load %arg8[%swap3A_72, %swap3A_73, %swap3A_74] : memref<1x1x1024xf32, #tpu.memory_space<vmem>>, vector<1x1x1024xf32>
      %swap3A_76 = vector.shape_cast %swap3A_75 : vector<1x1x1024xf32> to vector<1x1024xf32>
      %swap3A_77 = vector.shape_cast %max3A : vector<1x1024xf32> to vector<1x1x1024xf32>
      tpu.vector_store %arg8[%swap3A_72, %swap3A_73, %swap3A_74], %swap3A_77 {strides = array<i32>} : memref<1x1x1024xf32, #tpu.memory_space<vmem>>, vector<1x1x1024xf32>,
    } else {
    }
    return
  }
  func.func @transform_0(%arg0: i32, %arg1: i32) -> (i32, i32, i32) {
    %c0_i32 = arith.constant 0 : i32
    %c0_i32_0 = arith.constant 0 : i32
    return %arg0, %arg1, %c0_i32 : i32, i32, i32
  }
  func.func @transform_1(%arg0: i32, %arg1: i32) -> (i32, i32, i32) {
    %c0_i32 = arith.constant 0 : i32
    %c0_i32_0 = arith.constant 0 : i32
    return %arg0, %arg1, %c0_i32 : i32, i32, i32
  }
  func.func @transform_2(%arg0: i32, %arg1: i32) -> (i32, i32, i32) {
    %c0_i32 = arith.constant 0 : i32
    %c0_i32_0 = arith.constant 0 : i32
    return %arg0, %arg1, %c0_i32 : i32, i32, i32
  }
  func.func @transform_3(%arg0: i32, %arg1: i32) -> (i32, i32) {
    %c0_i32 = arith.constant 0 : i32
    %c0_i32_0 = arith.constant 0 : i32
    %c0_i32_1 = arith.constant 0 : i32
    return %c0_i32, %c0_i32_0 : i32, i32
  }
  func.func @transform_4(%arg0: i32, %arg1: i32) -> (i32, i32) {
    %c0_i32 = arith.constant 0 : i32
    %c0_i32_0 = arith.constant 0 : i32
    %c0_i32_1 = arith.constant 0 : i32
    return %c0_i32, %c0_i32_0 : i32, i32
  }
  func.func @transform_5(%arg0: i32, %arg1: i32) -> (i32, i32) {
    %c0_i32 = arith.constant 0 : i32
    %c0_i32_0 = arith.constant 0 : i32
    %c0_i32_1 = arith.constant 0 : i32
    return %c0_i32, %c0_i32_0 : i32, i32
  }
  func.func @transform_6(%arg0: i32, %arg1: i32) -> (i32, i32, i32) {
    %c0_i32 = arith.constant 0 : i32
    %c0_i32_0 = arith.constant 0 : i32
    %c0_i32_1 = arith.constant 0 : i32
    return %arg0, %c0_i32, %c0_i32_0 : i32, i32, i32
  }
  func.func @transform_7(%arg0: i32, %arg1: i32) -> (i32, i32) {
    %c0_i32 = arith.constant 0 : i32
    %c0_i32_0 = arith.constant 0 : i32
    %c0_i32_1 = arith.constant 0 : i32
    return %c0_i32, %c0_i32_0 : i32, i32
  }
  func.func @transform_8(%arg0: i32, %arg1: i32) -> (i32, i32) {
    %c0_i32 = arith.constant 0 : i32
    %c0_i32_0 = arith.constant 0 : i32
    %c0_i32_1 = arith.constant 0 : i32
    return %c0_i32, %c0_i32_0 : i32, i32
  }
}

module attributes {stable_mosaic.version = 14 : i64} {
  func.func @_c7_body(%arg0: i32, %arg1: i32, %arg2: memref<1x256x128xf32, #tpu.memory_space<vmem>>, %arg3: memref<1x256x128xf32, #tpu.memory_space<vmem>>, %arg4: memref<1x256x128xf32, #tpu.memory_space<vmem>>, %arg5: memref<1x1x1024xf32, #tpu.memory_space<vmem>>, %arg6: memref<1x1024xf32, #tpu.memory_space<vmem>>, %arg7: memref<1x1024xf32, #tpu.memory_space<vmem>>, %arg8: memref<768x1024xf32, #tpu.memory_space<vmem>>, %arg9: memref<768x64xf32, #tpu.memory_space<vmem>>, %arg10: memref<768x64xf32, #tpu.memory_space<vmem>>, %arg11: memref<768x64xf32, #tpu.memory_space<vmem>>, %arg12: memref<1x256x768xf32, #tpu.memory_space<vmem>>, %arg13: memref<1x768xf32, #tpu.memory_space<vmem>>, %arg14: memref<1x768xf32, #tpu.memory_space<vmem>>) attributes {dimension_semantics = [#tpu.dimension_semantics<arbitrary>, #tpu.dimension_semantics<arbitrary>], iteration_bounds = array<i64: 4, 8>, scalar_prefetch = 0 : i64, scratch_operands = 0 : i64, tpu.core_type = #tpu.core_type<tc>, window_params = [{transform_indices = @transform_0, window_bounds = array<i64: 1, 256, 128>}, {transform_indices = @transform_1, window_bounds = array<i64: 1, 256, 128>}, {transform_indices = @transform_2, window_bounds = array<i64: 1, 256, 128>}, {transform_indices = @transform_3, window_bounds = array<i64: 1, 1, 1024>}, {pipeline_mode = #tpu.pipeline_mode<synchronous>, transform_indices = @transform_4, window_bounds = array<i64: 1, 1024>}, {pipeline_mode = #tpu.pipeline_mode<synchronous>, transform_indices = @transform_5, window_bounds = array<i64: 1, 1024>}, {pipeline_mode = #tpu.pipeline_mode<synchronous>, transform_indices = @transform_6, window_bounds = array<i64: 768, 1024>}, {pipeline_mode = #tpu.pipeline_mode<synchronous>, transform_indices = @transform_7, window_bounds = array<i64: 768, 64>}, {pipeline_mode = #tpu.pipeline_mode<synchronous>, transform_indices = @transform_8, window_bounds = array<i64: 768, 64>}, {pipeline_mode = #tpu.pipeline_mode<synchronous>, transform_indices = @transform_9, window_bounds = array<i64: 768, 64>}, {transform_indices = @transform_10, window_bounds = array<i64: 1, 256, 768>}, {pipeline_mode = #tpu.pipeline_mode<synchronous>, transform_indices = @transform_11, window_bounds = array<i64: 1, 768>}, {pipeline_mode = #tpu.pipeline_mode<synchronous>, transform_indices = @transform_12, window_bounds = array<i64: 1, 768>}]} {
    %eq3A = arith.constant 0 : i32
    %eq3A_0 = arith.cmpi eq, %arg0, %eq3A : i32
    %eq3A_1 = arith.constant 0 : i32
    %eq3A_2 = arith.cmpi eq, %arg1, %eq3A_1 : i32
    %and3A = arith.andi %eq3A_0, %eq3A_2 : i1
    %convert_element_type3A = arith.extui %and3A : i1 to i32
    %cond3A = arith.constant 0 : i32
    %cond3A_3 = arith.cmpi ne, %convert_element_type3A, %cond3A : i32
    scf.if %cond3A_3 {
      %broadcast_in_dim3A_89 = arith.constant 0.000000e+00 : f32
      %broadcast_in_dim3A_90 = vector.broadcast %broadcast_in_dim3A_89 : f32 to vector<1x768xf32>
      %swap3A_91 = arith.constant 0 : index
      %swap3A_92 = arith.constant 0 : index
      %swap3A_93 = vector.load %arg13[%swap3A_91, %swap3A_92] : memref<1x768xf32, #tpu.memory_space<vmem>>, vector<1x768xf32>
      tpu.vector_store %arg13[%swap3A_91, %swap3A_92], %broadcast_in_dim3A_90 {strides = array<i32>} : memref<1x768xf32, #tpu.memory_space<vmem>>, vector<1x768xf32>,
      %broadcast_in_dim3A_94 = arith.constant 0.000000e+00 : f32
      %broadcast_in_dim3A_95 = vector.broadcast %broadcast_in_dim3A_94 : f32 to vector<1x768xf32>
      %swap3A_96 = arith.constant 0 : index
      %swap3A_97 = arith.constant 0 : index
      %swap3A_98 = vector.load %arg14[%swap3A_96, %swap3A_97] : memref<1x768xf32, #tpu.memory_space<vmem>>, vector<1x768xf32>
      tpu.vector_store %arg14[%swap3A_96, %swap3A_97], %broadcast_in_dim3A_95 {strides = array<i32>} : memref<1x768xf32, #tpu.memory_space<vmem>>, vector<1x768xf32>,
    } else {
    }
    %get3A = arith.constant 0 : index
    %get3A_4 = arith.constant 0 : index
    %get3A_5 = arith.constant 0 : index
    %get3A_6 = vector.load %arg5[%get3A, %get3A_4, %get3A_5] : memref<1x1x1024xf32, #tpu.memory_space<vmem>>, vector<1x1x1024xf32>
    %get3A_7 = vector.shape_cast %get3A_6 : vector<1x1x1024xf32> to vector<1x1024xf32>
    %get3A_8 = arith.constant 0 : index
    %get3A_9 = arith.constant 0 : index
    %get3A_10 = vector.load %arg6[%get3A_8, %get3A_9] : memref<1x1024xf32, #tpu.memory_space<vmem>>, vector<1x1024xf32>
    %mul3A = arith.mulf %get3A_7, %get3A_10 : vector<1x1024xf32>
    %get3A_11 = arith.constant 0 : index
    %get3A_12 = arith.constant 0 : index
    %get3A_13 = vector.load %arg7[%get3A_11, %get3A_12] : memref<1x1024xf32, #tpu.memory_space<vmem>>, vector<1x1024xf32>
    %add3A = arith.addf %mul3A, %get3A_13 : vector<1x1024xf32>
    %ge3A = arith.constant 0.000000e+00 : f32
    %ge3A_14 = vector.broadcast %ge3A : f32 to vector<1x1024xf32>
    %ge3A_15 = arith.cmpf oge, %add3A, %ge3A_14 : vector<1x1024xf32>
    %mul3A_16 = arith.constant 2.000000e-01 : f32
    %mul3A_17 = vector.broadcast %mul3A_16 : f32 to vector<1x1024xf32>
    %mul3A_18 = arith.mulf %mul3A_17, %add3A : vector<1x1024xf32>
    %select_n3A = arith.select %ge3A_15, %add3A, %mul3A_18 : vector<1x1024xi1>, vector<1x1024xf32>
    %get3A_19 = arith.constant 0 : index
    %get3A_20 = arith.constant 0 : index
    %get3A_21 = vector.load %arg8[%get3A_19, %get3A_20] : memref<768x1024xf32, #tpu.memory_space<vmem>>, vector<768x1024xf32>
    %convert_element_type3A_22 = arith.truncf %select_n3A : vector<1x1024xf32> to vector<1x1024xbf16>
    %convert_element_type3A_23 = arith.truncf %get3A_21 : vector<768x1024xf32> to vector<768x1024xbf16>
    %dot_general3A = arith.constant dense<0.000000e+00> : vector<1x768xf32>
    %dot_general3A_24 = tpu.matmul %convert_element_type3A_22, %convert_element_type3A_23, %dot_general3A {dimension_numbers = #tpu.dot_dimension_numbers<[1], [1], [0], [0], [0, 0, 1, 0], [], []>, transpose_lhs_hint = false} : vector<1x1024xbf16>, vector<768x1024xbf16>, vector<1x768xf32> -> vector<1x768xf32>
    %get3A_25 = arith.constant 0 : index
    %get3A_26 = arith.constant 0 : index
    %get3A_27 = arith.constant 0 : index
    %get3A_28 = vector.load %arg2[%get3A_25, %get3A_26, %get3A_27] : memref<1x256x128xf32, #tpu.memory_space<vmem>>, vector<1x256x64xf32>
    %get3A_29 = vector.shape_cast %get3A_28 : vector<1x256x64xf32> to vector<256x64xf32>
    %get3A_30 = arith.constant 0 : index
    %get3A_31 = arith.constant 0 : index
    %get3A_32 = vector.load %arg9[%get3A_30, %get3A_31] : memref<768x64xf32, #tpu.memory_space<vmem>>, vector<768x64xf32>
    %convert_element_type3A_33 = arith.truncf %get3A_29 : vector<256x64xf32> to vector<256x64xbf16>
    %convert_element_type3A_34 = arith.truncf %get3A_32 : vector<768x64xf32> to vector<768x64xbf16>
    %dot_general3A_35 = arith.constant dense<0.000000e+00> : vector<256x768xf32>
    %dot_general3A_36 = tpu.matmul %convert_element_type3A_33, %convert_element_type3A_34, %dot_general3A_35 {dimension_numbers = #tpu.dot_dimension_numbers<[1], [1], [0], [0], [0, 0, 1, 0], [], []>, transpose_lhs_hint = false} : vector<256x64xbf16>, vector<768x64xbf16>, vector<256x768xf32> -> vector<256x768xf32>
    %get3A_37 = arith.constant 0 : index
    %get3A_38 = arith.constant 0 : index
    %get3A_39 = arith.constant 0 : index
    %get3A_40 = vector.load %arg3[%get3A_37, %get3A_38, %get3A_39] : memref<1x256x128xf32, #tpu.memory_space<vmem>>, vector<1x256x64xf32>
    %get3A_41 = vector.shape_cast %get3A_40 : vector<1x256x64xf32> to vector<256x64xf32>
    %get3A_42 = arith.constant 0 : index
    %get3A_43 = arith.constant 0 : index
    %get3A_44 = vector.load %arg10[%get3A_42, %get3A_43] : memref<768x64xf32, #tpu.memory_space<vmem>>, vector<768x64xf32>
    %convert_element_type3A_45 = arith.truncf %get3A_41 : vector<256x64xf32> to vector<256x64xbf16>
    %convert_element_type3A_46 = arith.truncf %get3A_44 : vector<768x64xf32> to vector<768x64xbf16>
    %dot_general3A_47 = arith.constant dense<0.000000e+00> : vector<256x768xf32>
    %dot_general3A_48 = tpu.matmul %convert_element_type3A_45, %convert_element_type3A_46, %dot_general3A_47 {dimension_numbers = #tpu.dot_dimension_numbers<[1], [1], [0], [0], [0, 0, 1, 0], [], []>, transpose_lhs_hint = false} : vector<256x64xbf16>, vector<768x64xbf16>, vector<256x768xf32> -> vector<256x768xf32>
    %add3A_49 = arith.addf %dot_general3A_36, %dot_general3A_48 : vector<256x768xf32>
    %get3A_50 = arith.constant 0 : index
    %get3A_51 = arith.constant 0 : index
    %get3A_52 = arith.constant 0 : index
    %get3A_53 = vector.load %arg4[%get3A_50, %get3A_51, %get3A_52] : memref<1x256x128xf32, #tpu.memory_space<vmem>>, vector<1x256x64xf32>
    %get3A_54 = vector.shape_cast %get3A_53 : vector<1x256x64xf32> to vector<256x64xf32>
    %get3A_55 = arith.constant 0 : index
    %get3A_56 = arith.constant 0 : index
    %get3A_57 = vector.load %arg11[%get3A_55, %get3A_56] : memref<768x64xf32, #tpu.memory_space<vmem>>, vector<768x64xf32>
    %convert_element_type3A_58 = arith.truncf %get3A_54 : vector<256x64xf32> to vector<256x64xbf16>
    %convert_element_type3A_59 = arith.truncf %get3A_57 : vector<768x64xf32> to vector<768x64xbf16>
    %dot_general3A_60 = arith.constant dense<0.000000e+00> : vector<256x768xf32>
    %dot_general3A_61 = tpu.matmul %convert_element_type3A_58, %convert_element_type3A_59, %dot_general3A_60 {dimension_numbers = #tpu.dot_dimension_numbers<[1], [1], [0], [0], [0, 0, 1, 0], [], []>, transpose_lhs_hint = false} : vector<256x64xbf16>, vector<768x64xbf16>, vector<256x768xf32> -> vector<256x768xf32>
    %add3A_62 = arith.addf %add3A_49, %dot_general3A_61 : vector<256x768xf32>
    %add3A_63 = vector.broadcast %dot_general3A_24 : vector<1x768xf32> to vector<256x768xf32>
    %add3A_64 = arith.addf %add3A_62, %add3A_63 : vector<256x768xf32>
    %swap3A = arith.constant 0 : index
    %swap3A_65 = arith.constant 0 : index
    %swap3A_66 = arith.constant 0 : index
    %swap3A_67 = vector.load %arg12[%swap3A, %swap3A_65, %swap3A_66] : memref<1x256x768xf32, #tpu.memory_space<vmem>>, vector<1x256x768xf32>
    %swap3A_68 = vector.shape_cast %swap3A_67 : vector<1x256x768xf32> to vector<256x768xf32>
    %swap3A_69 = vector.shape_cast %add3A_64 : vector<256x768xf32> to vector<1x256x768xf32>
    tpu.vector_store %arg12[%swap3A, %swap3A_65, %swap3A_66], %swap3A_69 {strides = array<i32>} : memref<1x256x768xf32, #tpu.memory_space<vmem>>, vector<1x256x768xf32>,
    %get3A_70 = arith.constant 0 : index
    %get3A_71 = arith.constant 0 : index
    %get3A_72 = vector.load %arg13[%get3A_70, %get3A_71] : memref<1x768xf32, #tpu.memory_space<vmem>>, vector<1x768xf32>
    %reduce_sum3A = arith.constant dense<0.000000e+00> : vector<768xf32>
    %reduce_sum3A_73 = vector.multi_reduction <add>, %add3A_64, %reduce_sum3A [0] : vector<256x768xf32> to vector<768xf32>
    %broadcast_in_dim3A = vector.shape_cast %reduce_sum3A_73 : vector<768xf32> to vector<1x768xf32>
    %add3A_74 = arith.addf %get3A_72, %broadcast_in_dim3A : vector<1x768xf32>
    %swap3A_75 = arith.constant 0 : index
    %swap3A_76 = arith.constant 0 : index
    %swap3A_77 = vector.load %arg13[%swap3A_75, %swap3A_76] : memref<1x768xf32, #tpu.memory_space<vmem>>, vector<1x768xf32>
    tpu.vector_store %arg13[%swap3A_75, %swap3A_76], %add3A_74 {strides = array<i32>} : memref<1x768xf32, #tpu.memory_space<vmem>>, vector<1x768xf32>,
    %get3A_78 = arith.constant 0 : index
    %get3A_79 = arith.constant 0 : index
    %get3A_80 = vector.load %arg14[%get3A_78, %get3A_79] : memref<1x768xf32, #tpu.memory_space<vmem>>, vector<1x768xf32>
    %mul3A_81 = arith.mulf %add3A_64, %add3A_64 : vector<256x768xf32>
    %reduce_sum3A_82 = arith.constant dense<0.000000e+00> : vector<768xf32>
    %reduce_sum3A_83 = vector.multi_reduction <add>, %mul3A_81, %reduce_sum3A_82 [0] : vector<256x768xf32> to vector<768xf32>
    %broadcast_in_dim3A_84 = vector.shape_cast %reduce_sum3A_83 : vector<768xf32> to vector<1x768xf32>
    %add3A_85 = arith.addf %get3A_80, %broadcast_in_dim3A_84 : vector<1x768xf32>
    %swap3A_86 = arith.constant 0 : index
    %swap3A_87 = arith.constant 0 : index
    %swap3A_88 = vector.load %arg14[%swap3A_86, %swap3A_87] : memref<1x768xf32, #tpu.memory_space<vmem>>, vector<1x768xf32>
    tpu.vector_store %arg14[%swap3A_86, %swap3A_87], %add3A_85 {strides = array<i32>} : memref<1x768xf32, #tpu.memory_space<vmem>>, vector<1x768xf32>,
    return
  }
  func.func @transform_0(%arg0: i32, %arg1: i32) -> (i32, i32, i32) {
    %c0_i32 = arith.constant 0 : i32
    %c0_i32_0 = arith.constant 0 : i32
    return %arg0, %arg1, %c0_i32 : i32, i32, i32
  }
  func.func @transform_1(%arg0: i32, %arg1: i32) -> (i32, i32, i32) {
    %c0_i32 = arith.constant 0 : i32
    %c0_i32_0 = arith.constant 0 : i32
    return %arg0, %arg1, %c0_i32 : i32, i32, i32
  }
  func.func @transform_2(%arg0: i32, %arg1: i32) -> (i32, i32, i32) {
    %c0_i32 = arith.constant 0 : i32
    %c0_i32_0 = arith.constant 0 : i32
    return %arg0, %arg1, %c0_i32 : i32, i32, i32
  }
  func.func @transform_3(%arg0: i32, %arg1: i32) -> (i32, i32, i32) {
    %c0_i32 = arith.constant 0 : i32
    %c0_i32_0 = arith.constant 0 : i32
    %c0_i32_1 = arith.constant 0 : i32
    return %arg0, %c0_i32, %c0_i32_0 : i32, i32, i32
  }
  func.func @transform_4(%arg0: i32, %arg1: i32) -> (i32, i32) {
    %c0_i32 = arith.constant 0 : i32
    %c0_i32_0 = arith.constant 0 : i32
    %c0_i32_1 = arith.constant 0 : i32
    return %c0_i32, %c0_i32_0 : i32, i32
  }
  func.func @transform_5(%arg0: i32, %arg1: i32) -> (i32, i32) {
    %c0_i32 = arith.constant 0 : i32
    %c0_i32_0 = arith.constant 0 : i32
    %c0_i32_1 = arith.constant 0 : i32
    return %c0_i32, %c0_i32_0 : i32, i32
  }
  func.func @transform_6(%arg0: i32, %arg1: i32) -> (i32, i32) {
    %c0_i32 = arith.constant 0 : i32
    %c0_i32_0 = arith.constant 0 : i32
    %c0_i32_1 = arith.constant 0 : i32
    return %c0_i32, %c0_i32_0 : i32, i32
  }
  func.func @transform_7(%arg0: i32, %arg1: i32) -> (i32, i32) {
    %c0_i32 = arith.constant 0 : i32
    %c0_i32_0 = arith.constant 0 : i32
    %c0_i32_1 = arith.constant 0 : i32
    return %c0_i32, %c0_i32_0 : i32, i32
  }
  func.func @transform_8(%arg0: i32, %arg1: i32) -> (i32, i32) {
    %c0_i32 = arith.constant 0 : i32
    %c0_i32_0 = arith.constant 0 : i32
    %c0_i32_1 = arith.constant 0 : i32
    return %c0_i32, %c0_i32_0 : i32, i32
  }
  func.func @transform_9(%arg0: i32, %arg1: i32) -> (i32, i32) {
    %c0_i32 = arith.constant 0 : i32
    %c0_i32_0 = arith.constant 0 : i32
    %c0_i32_1 = arith.constant 0 : i32
    return %c0_i32, %c0_i32_0 : i32, i32
  }
  func.func @transform_10(%arg0: i32, %arg1: i32) -> (i32, i32, i32) {
    %c0_i32 = arith.constant 0 : i32
    %c0_i32_0 = arith.constant 0 : i32
    return %arg0, %arg1, %c0_i32 : i32, i32, i32
  }
  func.func @transform_11(%arg0: i32, %arg1: i32) -> (i32, i32) {
    %c0_i32 = arith.constant 0 : i32
    %c0_i32_0 = arith.constant 0 : i32
    %c0_i32_1 = arith.constant 0 : i32
    return %c0_i32, %c0_i32_0 : i32, i32
  }
  func.func @transform_12(%arg0: i32, %arg1: i32) -> (i32, i32) {
    %c0_i32 = arith.constant 0 : i32
    %c0_i32_0 = arith.constant 0 : i32
    %c0_i32_1 = arith.constant 0 : i32
    return %c0_i32, %c0_i32_0 : i32, i32
  }
}

module attributes {stable_mosaic.version = 14 : i64} {
  func.func @_out_body(%arg0: i32, %arg1: i32, %arg2: memref<1x256x768xf32, #tpu.memory_space<vmem>>, %arg3: memref<1x768xf32, #tpu.memory_space<vmem>>, %arg4: memref<1x768xf32, #tpu.memory_space<vmem>>, %arg5: memref<1x768x256xf32, #tpu.memory_space<vmem>>) attributes {dimension_semantics = [#tpu.dimension_semantics<arbitrary>, #tpu.dimension_semantics<arbitrary>], iteration_bounds = array<i64: 4, 8>, scalar_prefetch = 0 : i64, scratch_operands = 0 : i64, tpu.core_type = #tpu.core_type<tc>, window_params = [{transform_indices = @transform_0, window_bounds = array<i64: 1, 256, 768>}, {pipeline_mode = #tpu.pipeline_mode<synchronous>, transform_indices = @transform_1, window_bounds = array<i64: 1, 768>}, {pipeline_mode = #tpu.pipeline_mode<synchronous>, transform_indices = @transform_2, window_bounds = array<i64: 1, 768>}, {transform_indices = @transform_3, window_bounds = array<i64: 1, 768, 256>}]} {
    %get3A = arith.constant 0 : index
    %get3A_0 = arith.constant 0 : index
    %get3A_1 = arith.constant 0 : index
    %get3A_2 = vector.load %arg2[%get3A, %get3A_0, %get3A_1] : memref<1x256x768xf32, #tpu.memory_space<vmem>>, vector<1x256x768xf32>
    %get3A_3 = vector.shape_cast %get3A_2 : vector<1x256x768xf32> to vector<256x768xf32>
    %get3A_4 = arith.constant 0 : index
    %get3A_5 = arith.constant 0 : index
    %get3A_6 = vector.load %arg3[%get3A_4, %get3A_5] : memref<1x768xf32, #tpu.memory_space<vmem>>, vector<1x768xf32>
    %mul3A = vector.broadcast %get3A_6 : vector<1x768xf32> to vector<256x768xf32>
    %mul3A_7 = arith.mulf %get3A_3, %mul3A : vector<256x768xf32>
    %get3A_8 = arith.constant 0 : index
    %get3A_9 = arith.constant 0 : index
    %get3A_10 = vector.load %arg4[%get3A_8, %get3A_9] : memref<1x768xf32, #tpu.memory_space<vmem>>, vector<1x768xf32>
    %add3A = vector.broadcast %get3A_10 : vector<1x768xf32> to vector<256x768xf32>
    %add3A_11 = arith.addf %mul3A_7, %add3A : vector<256x768xf32>
    %ge3A = arith.constant 0.000000e+00 : f32
    %ge3A_12 = vector.broadcast %ge3A : f32 to vector<256x768xf32>
    %ge3A_13 = arith.cmpf oge, %add3A_11, %ge3A_12 : vector<256x768xf32>
    %mul3A_14 = arith.constant 2.000000e-01 : f32
    %mul3A_15 = vector.broadcast %mul3A_14 : f32 to vector<256x768xf32>
    %mul3A_16 = arith.mulf %mul3A_15, %add3A_11 : vector<256x768xf32>
    %select_n3A = arith.select %ge3A_13, %add3A_11, %mul3A_16 : vector<256x768xi1>, vector<256x768xf32>
    %transpose3A = tpu.transpose %select_n3A, [1, 0] : vector<256x768xf32> -> vector<768x256xf32>
    %swap3A = arith.constant 0 : index
    %swap3A_17 = arith.constant 0 : index
    %swap3A_18 = arith.constant 0 : index
    %swap3A_19 = vector.load %arg5[%swap3A, %swap3A_17, %swap3A_18] : memref<1x768x256xf32, #tpu.memory_space<vmem>>, vector<1x768x256xf32>
    %swap3A_20 = vector.shape_cast %swap3A_19 : vector<1x768x256xf32> to vector<768x256xf32>
    %swap3A_21 = vector.shape_cast %transpose3A : vector<768x256xf32> to vector<1x768x256xf32>
    tpu.vector_store %arg5[%swap3A, %swap3A_17, %swap3A_18], %swap3A_21 {strides = array<i32>} : memref<1x768x256xf32, #tpu.memory_space<vmem>>, vector<1x768x256xf32>,
    return
  }
  func.func @transform_0(%arg0: i32, %arg1: i32) -> (i32, i32, i32) {
    %c0_i32 = arith.constant 0 : i32
    %c0_i32_0 = arith.constant 0 : i32
    return %arg0, %arg1, %c0_i32 : i32, i32, i32
  }
  func.func @transform_1(%arg0: i32, %arg1: i32) -> (i32, i32) {
    %c0_i32 = arith.constant 0 : i32
    %c0_i32_0 = arith.constant 0 : i32
    %c0_i32_1 = arith.constant 0 : i32
    return %c0_i32, %c0_i32_0 : i32, i32
  }
  func.func @transform_2(%arg0: i32, %arg1: i32) -> (i32, i32) {
    %c0_i32 = arith.constant 0 : i32
    %c0_i32_0 = arith.constant 0 : i32
    %c0_i32_1 = arith.constant 0 : i32
    return %c0_i32, %c0_i32_0 : i32, i32
  }
  func.func @transform_3(%arg0: i32, %arg1: i32) -> (i32, i32, i32) {
    %c0_i32 = arith.constant 0 : i32
    %c0_i32_0 = arith.constant 0 : i32
    return %arg0, %c0_i32, %arg1 : i32, i32, i32
  }
}

</mosaic_0001>

<sc_bundles>
// kernel: kernel.19.cloned.1.call-start
scs
__scs_entry_jumppad:
0x0: {  	(pc) =	sbr.rel $0x88, $3  }
0x1: {  	(tag) =	ssettag $0x0;
	lr =	simm.s32 $0x1  }
0x2: {  	[smem:$0x3F8B] =	sst lr;
	_ =	strace $0xD0000000  }
0x3: {  	_ = 	snop  }
0x4: {  	_ = 	snop  }
0x5: {  	_ = 	snop  }
0x6: {  	_ = 	snop  }
0x7: {  	_ = 	snop  }
__scs_overlays_trampoline_lowered:
0x8: {  	[smem:$0x3F9A] =	sst s0  }
0x9: {  	[smem:$0x3F9B] =	sst s1  }
0xa: {  	[smem:$0x3F9C] =	sst s2  }
0xb: {  	[smem:$0x3F9D] =	sst s3  }
0xc: {  	[smem:$0x3F9E] =	sst s4  }
0xd: {  	[smem:$0x3F9F] =	sst s5  }
0xe: {  	[smem:$0x3FA0] =	sst s6  }
0xf: {  	[smem:$0x3FA1] =	sst s7  }
0x10: {  	[smem:$0x3FA2] =	sst s8  }
0x11: {  	[smem:$0x3FA3] =	sst s9;
	s0 =	simm.s32 @!p0 $0x0  }
0x12: {  	s1 =	sld [smem:$0x3F89];
	s0 =	simm.s32 @p0 $0x1  }
0x13: {  	[smem:$0x3FA4] =	sst s0;
	s0 =	simm.s32 @!p1 $0x0  }
0x14: {  	s2 =	sld [smem:$0x3F88];
	s0 =	simm.s32 @p1 $0x1  }
0x15: {  	[smem:$0x3FA5] =	sst s0;
	s0 =	simm.s32 @!p2 $0x0  }
0x16: {  	s3 =	sld [smem:$0x3FDB];
	s0 =	simm.s32 @p2 $0x1  }
0x17: {  	s4 =	simm.s32 $0x1BF5;
	[smem:$0x3FA7] =	sst s0  }
0x18: {  	s0 =	sld [smem:$0x3F8A];
	_ =	swait.ge [sflag:s4], $0x0  }
0x19: {  	s7 =	sld [smem:$0x3F8B]  }
0x1a: {  	s8 =	sadd.s32 $0xFFFFE003, lr  }
0x1b: {  	s9 =	sadd.s32 $0xFFFFFEF7, lr;
	s5 =	simm.s32 $0xFFFFFFFF;
	p2 =	slt.u32 s8, $0xFFFFF086  }
0x1c: {  	p1 =	slt.u32 s9, $0xF7A;
	s5 =	simm.s32 @!p2 $0x0  }
0x1d: {  	s5 =	simm.s32 @p1 $0x1;
	p0 =	seq.s32 s7, s2  }
0x1e: {  	s7 =	smul.u32 @!p0 $0xF7A, s2;
	p2 =	seq.s32 @!p0 s5, $0x0  }
0x1f: {  	s9 =	smul.u32 $0xF7A, s1;
	s8 =	simm.s32 @!p0 $0x1BF5;
	p2 =	por !p2, p0  }
0x20: {  	[sflag:s8] =	ssyncset.s32 @!p0 $0xFFFFF086;
	s6 =	sadd.s32 @!p0 s3, s7;
	s7 =	simm.s32 @!p0 $0x108  }
0x21: {  	s3 =	sadd.s32 s3, s9;
	s6 =	sadd.s32 @!p0 $0x88, s6;
	s7 =	simm.s32 @p2 $0x1082  }
0x22: {  	[simem:s7], [sflag:s8] =	dma.local @!p0 [hbm:s6], $0xF7A  }
0x23: {  	s9 =	sor.u32 $0xD0000000, s2;
	s6 =	simm.s32 $0x108;
	_ =	swait.ge @!p0 [sflag:s8], $0x0  }
0x24: {  	s3 =	sadd.s32 $0x88, s3;
	s6 =	simm.s32 @!p1 $0x1082;
	[sflag:s4] =	ssyncset.s32 $0xFFFFF086  }
0x25: {  	[simem:s6], [sflag:s4] =	dma.local [hbm:s3], $0xF7A  }
0x26: {  	[smem:$0x3F8B] =	sst s1;
	(tag) =	ssettag s2;
	_ =	strace s9  }
0x27: {  	s1 =	sld [smem:$0x3F9B]  }
0x28: {  	s2 =	sld [smem:$0x3F9C]  }
0x29: {  	s4 =	sld [smem:$0x3F9E]  }
0x2a: {  	p0 =	seq.s32 s5, $0x0;
	s5 =	sld [smem:$0x3F9F]  }
0x2b: {  	s6 =	sld [smem:$0x3FA0]  }
0x2c: {  	s7 =	sld [smem:$0x3FA1]  }
0x2d: {  	s3 =	simm.s32 $0x108;
	s8 =	sld [smem:$0x3FA2]  }
0x2e: {  	s3 =	simm.s32 @!p0 $0x1082;
	s9 =	sld [smem:$0x3FA3]  }
0x2f: {  	lr =	sadd.s32 s0, s3;
	s0 =	sld [smem:$0x3F9A]  }
0x30: {  	s3 =	sld [smem:$0x3F9D]  }
0x31: {  	[smem:$0x3FA6] =	sst s10  }
0x32: {  	s10 =	sld [smem:$0x3FA4];
	_ =	sdelay $0x3  }
0x33: {  	p0 =	seq.s32 s10, $0x1;
	s10 =	sld [smem:$0x3FA6];
	_ =	sdelay $0x3  }
0x34: {  	[smem:$0x3FA6] =	sst s10  }
0x35: {  	s10 =	sld [smem:$0x3FA5];
	_ =	sdelay $0x3  }
0x36: {  	p1 =	seq.s32 s10, $0x1;
	s10 =	sld [smem:$0x3FA6];
	_ =	sdelay $0x3  }
0x37: {  	[smem:$0x3FA6] =	sst s10  }
0x38: {  	s10 =	sld [smem:$0x3FA7]  }
0x39: {  	_ = 	snop;
	(pc) =	sbr.ind lr, $3  }
0x3a: {  	_ = 	snop  }
0x3b: {  	_ = 	snop  }
0x3c: {  	p2 =	seq.s32 s10, $0x1;
	s10 =	sld [smem:$0x3FA6]  }
0x3d: {  	_ =	shalt  }
0x3e: {  	_ =	shalt  }
0x3f: {  	_ =	shalt  }
0x40: {  	_ =	shalt  }
0x41: {  	_ =	shalt  }
0x42: {  	_ =	shalt  }
0x43: {  	_ =	shalt  }
0x44: {  	_ =	shalt  }
0x45: {  	_ =	shalt  }
0x46: {  	_ =	shalt  }
0x47: {  	_ =	shalt  }
0x48: {  	_ =	shalt  }
0x49: {  	_ =	shalt  }
0x4a: {  	_ =	shalt  }
0x4b: {  	_ =	shalt  }
0x4c: {  	_ =	shalt  }
0x4d: {  	_ =	shalt  }
0x4e: {  	_ =	shalt  }
0x4f: {  	_ =	shalt  }
0x50: {  	_ =	shalt  }
0x51: {  	_ =	shalt  }
0x52: {  	_ =	shalt  }
0x53: {  	_ =	shalt  }
0x54: {  	_ =	shalt  }
0x55: {  	_ =	shalt  }
0x56: {  	_ =	shalt  }
0x57: {  	_ =	shalt  }
0x58: {  	_ =	shalt  }
0x59: {  	_ =	shalt  }
0x5a: {  	_ =	shalt  }
0x5b: {  	_ =	shalt  }
0x5c: {  	_ =	shalt  }
0x5d: {  	_ =	shalt  }
0x5e: {  	_ =	shalt  }
0x5f: {  	_ =	shalt  }
0x60: {  	_ =	shalt  }
0x61: {  	_ =	shalt  }
0x62: {  	_ =	shalt  }
0x63: {  	_ =	shalt  }
0x64: {  	_ =	shalt  }
0x65: {  	_ =	shalt  }
0x66: {  	_ =	shalt  }
0x67: {  	_ =	shalt  }
0x68: {  	_ =	shalt  }
0x69: {  	_ =	shalt  }
0x6a: {  	_ =	shalt  }
0x6b: {  	_ =	shalt  }
0x6c: {  	_ =	shalt  }
0x6d: {  	_ =	shalt  }
0x6e: {  	_ =	shalt  }
0x6f: {  	_ =	shalt  }
0x70: {  	_ =	shalt  }
0x71: {  	_ =	shalt  }
0x72: {  	_ =	shalt  }
0x73: {  	_ =	shalt  }
0x74: {  	_ =	shalt  }
0x75: {  	_ =	shalt  }
0x76: {  	_ =	shalt  }
0x77: {  	_ =	shalt  }
0x78: {  	_ =	shalt  }
0x79: {  	_ =	shalt  }
0x7a: {  	_ =	shalt  }
0x7b: {  	_ =	shalt  }
0x7c: {  	_ =	shalt  }
0x7d: {  	_ =	shalt  }
0x7e: {  	_ =	shalt  }
0x7f: {  	_ =	shalt  }
0x80: {  	_ =	shalt  }
0x81: {  	_ =	shalt  }
0x82: {  	_ =	shalt  }
0x83: {  	_ =	shalt  }
0x84: {  	_ =	shalt  }
0x85: {  	_ =	shalt  }
0x86: {  	_ =	shalt  }
0x87: {  	_ =	shalt  }
.Lfunc_end0:
.L_simem_size_0:
called_computation_lowered:
.L_overlay_start_0:
0x88: {  	s2 =	sld [smem:$0x3FD9]  }
0x89: {  	s3 =	sld [smem:$0x3FFE];
	_ =	sdelay $0x1  }
0x8a: {  	s1 =	srdreg.scid  }
0x8b: {  	s0 =	sand.u32 $0x1, s1  }
0x8c: {  	s17 =	sshll.u32 s0, $0xA;
	s2 =	sadd.s32 s3, s2  }
0x8d: {  	s2 =	sadd.s32 s2, s17  }
0x8e: {  	[smem:$0x3FB2] =	sst s2  }
0x8f: {  	_ = 	snop  }
0x90: {  	s2 =	sld [smem:$0x3FD0];
	(tm) =	ssettm $0x1  }
0x91: {  	s18 =	sld [smem:$0x3FFB];
	_ =	sdelay $0x3  }
0x92: {  	_ =	strace s18  }
0x93: {  	s3 =	sld [smem:$0x3FFC];
	_ =	sdelay $0x3  }
0x94: {  	_ =	strace s3  }
0x95: {  	s3 =	sld [smem:$0x3FFD];
	_ =	sdelay $0x3  }
0x96: {  	_ =	strace s3  }
0x97: {  	_ =	strace $0x8FFFFFFF  }
0x98: {  	s19 =	sld [smem:$0x3FDB];
	_ =	sdelay $0x1  }
0x99: {  	s4 =	simm.s32 $_scs_section_size  }
0x9a: {  	s5 =	simm.s32 $_size__tile_overlayer_lowered;
	s6 =	simm.s32 $_tile_overlayer_lowered  }
0x9b: {  	s22 =	simm.s32 $0x1BFF;
	s21 =	sshll.u32 s6, $0x1;
	s3 =	sadd.s32 s4, s19  }
0x9c: {  	s7 =	simm.s32 $0x0;
	s20 =	sshll.u32 s5, $0x1;
	s5 =	sadd.s32 s21, s3  }
0x9d: {  	[timem:s7], [sflag:s22] =	dma.local [hbm:s5], s20  }
0x9e: {  	_ =	swait.ge [sflag:s22], s20  }
0x9f: {  	s4 =	ssub.s32 $0x0, s20;
	[sflag:s22] =	ssyncset.done $0x0  }
0xa0: {  	[sflag:s22] =	ssyncadd.s32 s4;
	_ =	sdelay $0x1  }
0xa1: {  	s23 =	simm.s32 $0x1B8B  }
0xa2: {  	_ =	swait.ge [sflag:s23], $0x1  }
0xa3: {  	[sflag:s23] =	ssyncset.done $0x0  }
0xa4: {  	s25 =	simm.s32 $0x1B8E;
	s24 =	sld [smem:$0x3FFE];
	[sflag:s23] =	ssyncadd.s32 $0xFFFFFFFF  }
0xa5: {  	s26 =	simm.s32 $execute0_lowered;
	[smem:$0x3FD2] =	sst s25  }
0xa6: {  	s5 =	sshll.u32 s26, $0x1;
	_ =	strace $0x80000046;
	[dreg:$0x1] =	wrdreg $0xFFFFFFFF  }
0xa7: {  	s28 =	simm.s32 $_size_execute0_lowered;
	s3 =	sadd.s32 s3, s5;
	[dreg:$0x0] =	wrdreg $0x0  }
0xa8: {  	s5 =	sshll.u32 s28, $0x1;
	[dreg:$0x2] =	wrdreg s3  }
0xa9: {  	[dreg:$0x3] =	wrdreg s5  }
0xaa: {  	[dreg:$0x4] =	wrdreg $0xC0  }
0xab: {  	_ =	task [dreg:s7], $0x5FFFF  }
0xac: {  	[dreg:$0x1] =	wrdreg $0xFFFFFFFF  }
0xad: {  	[dreg:$0x0] =	wrdreg $0x60  }
0xae: {  	[dreg:$0x2] =	wrdreg s2  }
0xaf: {  	[dreg:$0x3] =	wrdreg s24  }
0xb0: {  	[dreg:$0x4] =	wrdreg $0x9  }
0xb1: {  	_ =	task.clear_ibuf [dreg:s7], $0x5FFFF;
	_ =	strace $0x90000046  }
0xb2: {  	s29 =	simm.s32 $0x9;
	_ =	strace $0x8000004F  }
0xb3: {  	_ =	swait.ge [sflag:s29], $0x1  }
0xb4: {  	[sflag:s29] =	ssyncadd.s32 $0xFFFFFFFF  }
0xb5: {  	_ =	strace $0x9000004F  }
0xb6: {  	_ =	sfence  }
0xb7: {  	s30 =	sld [smem:$0x0];
	_ =	sdelay $0x2  }
0xb8: {  	s31 =	sshll.u32 s1, $0xD;
	s1 =	sshrl.u32 s1, $0x2  }
0xb9: {  	s3 =	sand.u32 $0x4000, s31;
	s1 =	sadd.s32 s1, s30  }
0xba: {  	s0 =	sor.u32 s3, s0;
	s1 =	sshll.u32 s1, $0x11  }
0xbb: {  	s0 =	sor.u32 s1, s0  }
0xbc: {  	s0 =	sadd.s32 $0x8F2B, s0  }
0xbd: {  	[sflag:s0] =	ssyncadd.remote.s32 $0x1  }
0xbe: {  	_ =	sfence.sel $0xFFFF  }
0xbf: {  	[dreg:$0x0] =	wrdreg $0xFFFFFFFF;
	(pc) =	sbr.abs _section_cstart, $3  }
0xc0: {  	[dreg:$0x1] =	wrdreg $0xFFFFFFFF  }
0xc1: {  	_ =	task.clear_ibuf [dreg:s7], $0x2FFFF;
	_ =	strace $0x9FFFFFFF  }
0xc2: {  	(tm) =	ssettm $0x7FFFFFFF  }
0xc3: {  	_ =	shalt  }
tec
execute0_lowered:
.L_overlay_start_1:
0x0: {  	(tag) =	ssettag $0x1  }
0x1: {  	s0 =	rddreg [dreg:$0x0]  }
0x2: {  	s3 =	rddreg [dreg:$0x1]  }
0x3: {  	s1 =	simm.s32 $0x0;
	s2 =	srdreg.scid;
	[dreg:$0x3] =	wrdreg s0  }
0x4: {  	s8 =	simm.s32 $0x80;
	s9 =	simm.s32 $0x4;
	s0 =	rddreg [dreg:$0x2]  }
0x5: {  	s10 =	simm.s32 $0x0;
	[smem:$0x7FF] =	sst s1;
	s4 =	sand.u32 $0x1, s2  }
0x6: {  	s2 =	stileid.u32;
	s5 =	sadd.s32 $0x9C00, s3;
	s3 =	sadd.s32 $0x4C00, s3  }
0x7: {  	_ =	strace $0x80000047;
	s4 =	ssub.s32 $0x2, s4;
	[dreg:$0x5] =	wrdreg s5  }
0x8: {  	s7 =	smul.u32 $0x500, s2;
	[dreg:$0x4] =	wrdreg s8;
	s6 =	sshrl.u32 s4, $0x1  }
0x9: {  	s8 =	simm.s32 $0x5;
	s6 =	ssub.s32 s4, s6;
	s4 =	smul.u32 $0x50, s2  }
0xa: {  	s5 =	sadd.s32 s3, s7;
	s7 =	simm.s32 $0x1;
	s6 =	smax.u32 s6, $0x1  }
.LBB2_1:
0xb: {  	_ =	strace $0x80000048;
	s11 =	simm.s32 $0x1;
	p0 =	por $0x0, $0x0  }
0xc: {  	[tilespmem:s1], [sflag:$0x1] =	stream.linear.gather [hbm4b:s5+s1], $0x80, $0x200038;
	[tilespmem:$0x8100] =	vst v63  }
0xd: {  	s11 =	simm.s32 @p0 $0x0  }
0xe: {  	p4 =	por $0x1, $0x1;
	s20 =	sand.u32 $0x1, s1;
	p1 =	sne.s32 s11, $0x0  }
0xf: {  	p2 =	por $0x1, $0x1;
	s18 =	simm.s32 $0x4E;
	p0 =	por !p4, !p1  }
0x10: {  	s16 =	simm.s32 $0x0;
	p5 =	por $0x0, $0x0;
	p0 =	por !p0, !p0  }
0x11: {  	s23 =	sadd.s32 $0x0, s4;
	s30 =	sadd.s32 $0x1, s20;
	s12 =	sadd.s32 @p0 s4, s11  }
0x12: {  	_ =	strace $0x90000048;
	s13 =	sand.u32 @p0 $0x1, s7;
	s12 =	sshll.u32 @p0 s12, $0x4  }
0x13: {  	_ =	strace @p0 $0x80000049;
	s15 =	simm.s32 @p0 $0x0;
	s12 =	sand.u32 @p0 $0x1FFFFFF0, s12  }
0x14: {  	s14 =	sshll.u32 @p0 s13, $0x7;
	s13 =	sadd.s32 @p0 $0x1, s13;
	s12 =	sadd.s32 @p0 s3, s12  }
0x15: {  	[tilespmem:s14], [sflag:s13] =	stream.linear.gather @p0 [hbm4b:s12+s15], $0x80, $0x200038;
	[tilespmem:$0x8100] =	vst v63  }
0x16: {  	p3 =	por p2, p2;
	s21 =	sshll.u32 s20, $0xE;
	_ =	strace @p0 $0x90000049  }
0x17: {  	s16 =	sand.u32 $0x80, s16;
	p2 =	por p5, p5;
	_ =	strace $0x8000004A  }
0x18: {  	s17 =	sadd.s32 $0x1, s11;
	s22 =	sor.u32 $0x100, s21;
	_ =	swait.ge [sflag:s30], $0x80  }
0x19: {  	s21 =	simm.s32 $0x1;
	p6 =	por p1, p1;
	[sflag:s30] =	ssyncset.done $0x0  }
0x1a: {  	p1 =	por p3, p3;
	p4 =	por $0x1, $0x1;
	[sflag:s30] =	ssyncadd.s32 $0xFFFFFF80  }
0x1b: {  	s12 =	simm.s32 $0x4F;
	s15 =	sand.u32 @!p3 $0x1, s1;
	_ =	strace $0x9000004A  }
0x1c: {  	s13 =	simm.s32 $0x1;
	p3 =	seq.s32 s17, $0x50;
	_ =	strace $0x8000004B  }
0x1d: {  	s13 =	simm.s32 @!p0 $0x0;
	s17 =	simm.s32 @p3 $0x0;
	s19 =	rddreg [dreg:$0x4]  }
0x1e: {  	p0 =	por $0x0, $0x0;
	s14 =	sadd.s32 $0x1, s13;
	s31 =	rddreg [dreg:$0x3]  }
0x1f: {  	[tilespmem:s22], [sflag:$0x5] =	stream.indirect.gather [hbm4b:s31+s19], $0x80, s16, s19, $0x2000b8;
	[tilespmem:$0x8100] =	vst v63  }
0x20: {  	p3 =	sne.s32 s11, s17;
	s21 =	simm.s32 @!p0 $0x0;
	_ =	swait.ge [sflag:s8], $0x4000  }
0x21: {  	p5 =	por !p4, !p3;
	p4 =	por $0x0, $0x0;
	[sflag:s8] =	ssyncset.done $0x0  }
0x22: {  	s13 =	simm.s32 $0x0;
	p6 =	por p4, p6;
	[sflag:s8] =	ssyncadd.s32 $0xFFFFC000  }
0x23: {  	s16 =	simm.s32 $0x0;
	s19 =	simm.s32 $0x0;
	_ =	strace $0x9000004B  }
.LBB2_2:
0x24: {  	_ =	strace @p6 $0x8000004C;
	s13 =	sadd.s32 s21, s13;
	s21 =	smov.u32 s12  }
0x25: {  	s12 =	smov.u32 s18;
	s18 =	sadd.s32 $0xFFFFFFFF, s18;
	p0 =	por p3, p3  }
0x26: {  	s28 =	sshll.u32 @p6 s23, $0xB;
	s20 =	sadd.s32 @p6 $0x3, s20;
	s24 =	simm.s32 @!p0 $0x0  }
0x27: {  	s25 =	rddreg [dreg:$0x5];
	s28 =	sand.u32 @p6 $0x1FFFF800, s28;
	s24 =	simm.s32 @p0 $0x1  }
0x28: {  	s25 =	sadd.s32 @p6 s25, s28;
	s28 =	simm.s32 @p6 $0x0;
	p0 =	sne.s32 s18, $0x0  }
0x29: {  	[hbm4b:s25+s28] =	stream.linear.scatter @p6 [tilespmem:s22], [sflag:s20], $0x4000, $0x200038;
	[tilespmem:$0x8100] =	vst v63  }
0x2a: {  	s20 =	sadd.s32 @!p1 $0x3, s15;
	s15 =	simm.s32 @!p0 $0x0  }
0x2b: {  	s26 =	simm.s32 $0x1;
	[smem:$0x7FC] =	sst s24;
	s15 =	simm.s32 @p0 $0x1  }
0x2c: {  	s26 =	simm.s32 @!p6 $0x0;
	_ =	strace @p6 $0x9000004C;
	[smem:$0x7FD] =	sst s15  }
0x2d: {  	p5 =	por !p5, !p5;
	s19 =	sadd.s32 s26, s19;
	_ =	strace @!p1 $0x8000004D  }
0x2e: {  	s24 =	sand.u32 @!p2 $0x1, s13;
	s22 =	sand.u32 @p5 $0x1, s14;
	_ =	swait.ge @!p1 [sflag:s20], $0x4000  }
0x2f: {  	s15 =	smov.u32 s24;
	s24 =	sadd.s32 @p5 s4, s17;
	[sflag:s20] =	ssyncset.done @!p1 $0x0  }
0x30: {  	s25 =	sshll.u32 @p5 s22, $0x7;
	s24 =	sshll.u32 @p5 s24, $0x4;
	[sflag:s20] =	ssyncadd.s32 @!p1 $0xFFFFC000  }
0x31: {  	s20 =	sadd.s32 @p5 $0x1, s22;
	s22 =	sand.u32 @p5 $0x1FFFFFF0, s24;
	_ =	strace @!p1 $0x9000004D  }
0x32: {  	s24 =	simm.s32 @p5 $0x0;
	s22 =	sadd.s32 @p5 s3, s22;
	_ =	strace @p5 $0x80000049  }
0x33: {  	[tilespmem:s25], [sflag:s20] =	stream.linear.gather @p5 [hbm4b:s22+s24], $0x80, $0x200038;
	[tilespmem:$0x8100] =	vst v63  }
0x34: {  	s16 =	sadd.s32 s26, s16;
	s26 =	sand.u32 $0x1, s19;
	_ =	strace @p5 $0x90000049  }
0x35: {  	s24 =	sadd.s32 $0x1, s26;
	_ =	strace $0x8000004A  }
0x36: {  	_ =	swait.ge [sflag:s24], $0x80  }
0x37: {  	[sflag:s24] =	ssyncset.done $0x0  }
0x38: {  	s20 =	simm.s32 $0x1;
	[sflag:s24] =	ssyncadd.s32 $0xFFFFFF80  }
0x39: {  	s20 =	simm.s32 @!p5 $0x0;
	_ =	strace $0x9000004A  }
0x3a: {  	s14 =	sadd.s32 s20, s14;
	s20 =	sand.u32 $0x1, s16;
	_ =	strace $0x8000004B  }
0x3b: {  	s29 =	sshll.u32 s19, $0x7;
	s25 =	sshll.u32 s20, $0xE;
	s26 =	rddreg [dreg:$0x4]  }
0x3c: {  	s29 =	sand.u32 $0x80, s29;
	s22 =	sor.u32 $0x100, s25;
	s30 =	rddreg [dreg:$0x3]  }
0x3d: {  	[tilespmem:s22], [sflag:$0x5] =	stream.indirect.gather [hbm4b:s30+s26], $0x80, s29, s26, $0x2000b8;
	[tilespmem:$0x8100] =	vst v63  }
0x3e: {  	_ =	swait.ge [sflag:s8], $0x4000  }
0x3f: {  	s31 =	sadd.s32 $0x1, s17;
	[sflag:s8] =	ssyncset.done $0x0  }
0x40: {  	s23 =	sadd.s32 s4, s11;
	s11 =	smov.u32 s17;
	[sflag:s8] =	ssyncadd.s32 $0xFFFFC000  }
0x41: {  	p3 =	seq.s32 s31, $0x50;
	s17 =	smov.u32 s31;
	_ =	strace $0x9000004B  }
0x42: {  	s17 =	simm.s32 @p3 $0x0;
	s31 =	sld [smem:$0x7FD]  }
0x43: {  	p6 =	sne.s32 s12, $0x1;
	p0 =	sne.s32 s21, $0x50;
	p3 =	sne.s32 s11, s17  }
0x44: {  	p5 =	por !p6, !p3;
	p6 =	seq.s32 s21, $0x1;
	s21 =	simm.s32 $0x1  }
0x45: {  	s21 =	simm.s32 @!p0 $0x0;
	p0 =	seq.s32 s31, $0x1  }
.Ltmp0:
0x46: {  	s30 =	sld [smem:$0x7FC];
	(pc) =	sbr.rel @p0 .LBB2_2-.Ltmp0, $4  }
0x47: {  	_ = 	snop  }
0x48: {  	p4 =	seq.s32 s12, $0x50  }
0x49: {  	p1 =	por p2, p2;
	p2 =	por p4, p4;
	p4 =	seq.s32 s30, $0x1  }
0x4a: {  	p6 =	por p6, p4  }
0x4b: {  	_ =	strace @p6 $0x8000004C;
	s23 =	sshll.u32 @p6 s23, $0xB  }
0x4c: {  	s18 =	rddreg [dreg:$0x5];
	s23 =	sand.u32 @p6 $0x1FFFF800, s23  }
0x4d: {  	s20 =	sadd.s32 @p6 $0x3, s20;
	s18 =	sadd.s32 @p6 s18, s23;
	s23 =	simm.s32 @p6 $0x0  }
0x4e: {  	[hbm4b:s18+s23] =	stream.linear.scatter @p6 [tilespmem:s22], [sflag:s20], $0x4000, $0x200038;
	[tilespmem:$0x8100] =	vst v63  }
0x4f: {  	p0 =	por !p5, !p5;
	_ =	strace @p6 $0x9000004C  }
0x50: {  	s15 =	sadd.s32 @!p1 $0x3, s15;
	s17 =	sadd.s32 @p0 s4, s17;
	_ =	strace @!p1 $0x8000004D  }
0x51: {  	s14 =	sand.u32 @p0 $0x1, s14;
	s17 =	sshll.u32 @p0 s17, $0x4;
	_ =	swait.ge @!p1 [sflag:s15], $0x4000  }
0x52: {  	s18 =	simm.s32 $0x1;
	s20 =	sshll.u32 @p0 s14, $0x7;
	[sflag:s15] =	ssyncset.done @!p1 $0x0  }
0x53: {  	s14 =	sadd.s32 @p0 $0x1, s14;
	s18 =	simm.s32 @!p6 $0x0;
	[sflag:s15] =	ssyncadd.s32 @!p1 $0xFFFFC000  }
0x54: {  	s19 =	sadd.s32 s18, s19;
	s15 =	sand.u32 @p0 $0x1FFFFFF0, s17;
	_ =	strace @!p1 $0x9000004D  }
0x55: {  	s17 =	simm.s32 @p0 $0x0;
	s15 =	sadd.s32 @p0 s3, s15;
	_ =	strace @p0 $0x80000049  }
0x56: {  	[tilespmem:s20], [sflag:s14] =	stream.linear.gather @p0 [hbm4b:s15+s17], $0x80, $0x200038;
	[tilespmem:$0x8100] =	vst v63  }
0x57: {  	s25 =	sand.u32 $0x1, s19;
	_ =	strace @p0 $0x90000049  }
0x58: {  	s14 =	sadd.s32 $0x1, s25;
	_ =	strace $0x8000004A  }
0x59: {  	_ =	swait.ge [sflag:s14], $0x80  }
0x5a: {  	[sflag:s14] =	ssyncset.done $0x0  }
0x5b: {  	[sflag:s14] =	ssyncadd.s32 $0xFFFFFF80  }
0x5c: {  	s26 =	sadd.s32 s18, s16;
	_ =	strace $0x9000004A  }
0x5d: {  	s14 =	sand.u32 $0x1, s26;
	_ =	strace $0x8000004B  }
0x5e: {  	s30 =	sshll.u32 s19, $0x7;
	s31 =	sshll.u32 s14, $0xE;
	s28 =	rddreg [dreg:$0x4]  }
0x5f: {  	s17 =	sand.u32 $0x80, s30;
	s18 =	sor.u32 $0x100, s31;
	s29 =	rddreg [dreg:$0x3]  }
0x60: {  	[tilespmem:s18], [sflag:$0x5] =	stream.indirect.gather [hbm4b:s29+s28], $0x80, s17, s28, $0x2000b8;
	[tilespmem:$0x8100] =	vst v63  }
0x61: {  	_ =	swait.ge [sflag:s8], $0x4000  }
0x62: {  	[sflag:s8] =	ssyncset.done $0x0  }
0x63: {  	p5 =	por p3, p3;
	p6 =	seq.s32 s12, $0x1;
	[sflag:s8] =	ssyncadd.s32 $0xFFFFC000  }
0x64: {  	s11 =	sadd.s32 s4, s11;
	p0 =	por p6, p5;
	_ =	strace $0x9000004B  }
0x65: {  	s11 =	sshll.u32 @p0 s11, $0xB;
	_ =	strace @p0 $0x8000004C  }
0x66: {  	s13 =	sadd.s32 s21, s13;
	s11 =	sand.u32 @p0 $0x1FFFF800, s11;
	s12 =	rddreg [dreg:$0x5]  }
0x67: {  	s14 =	sadd.s32 @p0 $0x3, s14;
	s11 =	sadd.s32 @p0 s12, s11;
	s12 =	simm.s32 @p0 $0x0  }
0x68: {  	[hbm4b:s11+s12] =	stream.linear.scatter @p0 [tilespmem:s18], [sflag:s14], $0x4000, $0x200038;
	[tilespmem:$0x8100] =	vst v63  }
0x69: {  	p1 =	por p2, p2;
	s11 =	sand.u32 @!p2 $0x1, s13;
	_ =	strace @p0 $0x9000004C  }
0x6a: {  	s11 =	sadd.s32 @!p1 $0x3, s11;
	_ =	strace @!p1 $0x8000004D  }
0x6b: {  	_ =	swait.ge @!p1 [sflag:s11], $0x4000  }
0x6c: {  	[sflag:s11] =	ssyncset.done @!p1 $0x0  }
0x6d: {  	s10 =	sadd.s32 $0x1, s10;
	[sflag:s11] =	ssyncadd.s32 @!p1 $0xFFFFC000  }
0x6e: {  	p0 =	sne.s32 s10, s6;
	_ =	strace @!p1 $0x9000004D  }
.Ltmp1:
0x6f: {  	_ =	strace $0x8000004E;
	(pc) =	sbr.rel @p0 .LBB2_1-.Ltmp1, $4  }
0x70: {  	_ =	swait.ge [sflag:s9], $0x4000  }
0x71: {  	[sflag:s9] =	ssyncset.done $0x0  }
0x72: {  	[sflag:s9] =	ssyncadd.s32 $0xFFFFC000  }
0x73: {  	_ =	strace $0x9000004E  }
0x74: {  	_ =	sfence.sel $0x180000  }
0x75: {  	[bflag:$0x0] =	sbarrier.arrive $0xFFFF  }
0x76: {  	p0 =	sne.s32 s2, $0x0;
	_ =	strace $0x90000047  }
0x77: {  	s0 =	sadd.s32 @!p0 $0x100000, s0;
	[bflag:$0x2] =	sbarrier.arrive $0xFFFF  }
0x78: {  	[sflag:s0] =	ssyncadd.tile.s32 @!p0 $0x1;
	_ =	shalt  }
.Lfunc_end2:
_tile_overlayer_lowered:
.L_overlay_start_2:
0x79: {  	(tag) =	ssettag $0x2  }
0x7a: {  	s0 =	rddreg [dreg:$0x0];
	s2 =	stileid.u32  }
0x7b: {  	s1 =	rddreg [dreg:$0x1];
	p0 =	sne.s32 s2, $0x0  }
0x7c: {  	s3 =	rddreg [dreg:$0x2];
	[bflag:$0x3] =	sbarrier.arrive $0xFFFF;
	s2 =	simm.s32 @!p0 $0x1C01  }
0x7d: {  	[timem:s3], [sflag:s2] =	dma.local @!p0 [hbm:s0], s1  }
0x7e: {  	s0 =	simm.s32 @!p0 $0x1  }
0x7f: {  	_ =	swait.ge @!p0 [sflag:s0], s1  }
0x80: {  	s1 =	ssub.s32 @!p0 $0x0, s1;
	[sflag:s0] =	ssyncset.done @!p0 $0x0  }
0x81: {  	[sflag:s0] =	ssyncadd.s32 @!p0 s1  }
0x82: {  	[bflag:$0x3] =	sbarrier.arrive $0xFFFF  }
0x83: {  	_ =	shalt  }

// kernel: kernel.22.cloned.1.call-start
scs
__scs_entry_jumppad:
0x0: {  	(pc) =	sbr.rel $0x88, $3  }
0x1: {  	(tag) =	ssettag $0x0;
	lr =	simm.s32 $0x1  }
0x2: {  	[smem:$0x3F8B] =	sst lr;
	_ =	strace $0xD0000000  }
0x3: {  	_ = 	snop  }
0x4: {  	_ = 	snop  }
0x5: {  	_ = 	snop  }
0x6: {  	_ = 	snop  }
0x7: {  	_ = 	snop  }
__scs_overlays_trampoline_lowered:
0x8: {  	[smem:$0x3F9A] =	sst s0  }
0x9: {  	[smem:$0x3F9B] =	sst s1  }
0xa: {  	[smem:$0x3F9C] =	sst s2  }
0xb: {  	[smem:$0x3F9D] =	sst s3  }
0xc: {  	[smem:$0x3F9E] =	sst s4  }
0xd: {  	[smem:$0x3F9F] =	sst s5  }
0xe: {  	[smem:$0x3FA0] =	sst s6  }
0xf: {  	[smem:$0x3FA1] =	sst s7  }
0x10: {  	[smem:$0x3FA2] =	sst s8  }
0x11: {  	[smem:$0x3FA3] =	sst s9;
	s0 =	simm.s32 @!p0 $0x0  }
0x12: {  	s1 =	sld [smem:$0x3F89];
	s0 =	simm.s32 @p0 $0x1  }
0x13: {  	[smem:$0x3FA4] =	sst s0;
	s0 =	simm.s32 @!p1 $0x0  }
0x14: {  	s2 =	sld [smem:$0x3F88];
	s0 =	simm.s32 @p1 $0x1  }
0x15: {  	[smem:$0x3FA5] =	sst s0;
	s0 =	simm.s32 @!p2 $0x0  }
0x16: {  	s3 =	sld [smem:$0x3FDB];
	s0 =	simm.s32 @p2 $0x1  }
0x17: {  	s4 =	simm.s32 $0x1BF5;
	[smem:$0x3FA7] =	sst s0  }
0x18: {  	s0 =	sld [smem:$0x3F8A];
	_ =	swait.ge [sflag:s4], $0x0  }
0x19: {  	s7 =	sld [smem:$0x3F8B]  }
0x1a: {  	s8 =	sadd.s32 $0xFFFFE003, lr  }
0x1b: {  	s9 =	sadd.s32 $0xFFFFFEF7, lr;
	s5 =	simm.s32 $0xFFFFFFFF;
	p2 =	slt.u32 s8, $0xFFFFF086  }
0x1c: {  	p1 =	slt.u32 s9, $0xF7A;
	s5 =	simm.s32 @!p2 $0x0  }
0x1d: {  	s5 =	simm.s32 @p1 $0x1;
	p0 =	seq.s32 s7, s2  }
0x1e: {  	s7 =	smul.u32 @!p0 $0xF7A, s2;
	p2 =	seq.s32 @!p0 s5, $0x0  }
0x1f: {  	s9 =	smul.u32 $0xF7A, s1;
	s8 =	simm.s32 @!p0 $0x1BF5;
	p2 =	por !p2, p0  }
0x20: {  	[sflag:s8] =	ssyncset.s32 @!p0 $0xFFFFF086;
	s6 =	sadd.s32 @!p0 s3, s7;
	s7 =	simm.s32 @!p0 $0x108  }
0x21: {  	s3 =	sadd.s32 s3, s9;
	s6 =	sadd.s32 @!p0 $0x88, s6;
	s7 =	simm.s32 @p2 $0x1082  }
0x22: {  	[simem:s7], [sflag:s8] =	dma.local @!p0 [hbm:s6], $0xF7A  }
0x23: {  	s9 =	sor.u32 $0xD0000000, s2;
	s6 =	simm.s32 $0x108;
	_ =	swait.ge @!p0 [sflag:s8], $0x0  }
0x24: {  	s3 =	sadd.s32 $0x88, s3;
	s6 =	simm.s32 @!p1 $0x1082;
	[sflag:s4] =	ssyncset.s32 $0xFFFFF086  }
0x25: {  	[simem:s6], [sflag:s4] =	dma.local [hbm:s3], $0xF7A  }
0x26: {  	[smem:$0x3F8B] =	sst s1;
	(tag) =	ssettag s2;
	_ =	strace s9  }
0x27: {  	s1 =	sld [smem:$0x3F9B]  }
0x28: {  	s2 =	sld [smem:$0x3F9C]  }
0x29: {  	s4 =	sld [smem:$0x3F9E]  }
0x2a: {  	p0 =	seq.s32 s5, $0x0;
	s5 =	sld [smem:$0x3F9F]  }
0x2b: {  	s6 =	sld [smem:$0x3FA0]  }
0x2c: {  	s7 =	sld [smem:$0x3FA1]  }
0x2d: {  	s3 =	simm.s32 $0x108;
	s8 =	sld [smem:$0x3FA2]  }
0x2e: {  	s3 =	simm.s32 @!p0 $0x1082;
	s9 =	sld [smem:$0x3FA3]  }
0x2f: {  	lr =	sadd.s32 s0, s3;
	s0 =	sld [smem:$0x3F9A]  }
0x30: {  	s3 =	sld [smem:$0x3F9D]  }
0x31: {  	[smem:$0x3FA6] =	sst s10  }
0x32: {  	s10 =	sld [smem:$0x3FA4];
	_ =	sdelay $0x3  }
0x33: {  	p0 =	seq.s32 s10, $0x1;
	s10 =	sld [smem:$0x3FA6];
	_ =	sdelay $0x3  }
0x34: {  	[smem:$0x3FA6] =	sst s10  }
0x35: {  	s10 =	sld [smem:$0x3FA5];
	_ =	sdelay $0x3  }
0x36: {  	p1 =	seq.s32 s10, $0x1;
	s10 =	sld [smem:$0x3FA6];
	_ =	sdelay $0x3  }
0x37: {  	[smem:$0x3FA6] =	sst s10  }
0x38: {  	s10 =	sld [smem:$0x3FA7]  }
0x39: {  	_ = 	snop;
	(pc) =	sbr.ind lr, $3  }
0x3a: {  	_ = 	snop  }
0x3b: {  	_ = 	snop  }
0x3c: {  	p2 =	seq.s32 s10, $0x1;
	s10 =	sld [smem:$0x3FA6]  }
0x3d: {  	_ =	shalt  }
0x3e: {  	_ =	shalt  }
0x3f: {  	_ =	shalt  }
0x40: {  	_ =	shalt  }
0x41: {  	_ =	shalt  }
0x42: {  	_ =	shalt  }
0x43: {  	_ =	shalt  }
0x44: {  	_ =	shalt  }
0x45: {  	_ =	shalt  }
0x46: {  	_ =	shalt  }
0x47: {  	_ =	shalt  }
0x48: {  	_ =	shalt  }
0x49: {  	_ =	shalt  }
0x4a: {  	_ =	shalt  }
0x4b: {  	_ =	shalt  }
0x4c: {  	_ =	shalt  }
0x4d: {  	_ =	shalt  }
0x4e: {  	_ =	shalt  }
0x4f: {  	_ =	shalt  }
0x50: {  	_ =	shalt  }
0x51: {  	_ =	shalt  }
0x52: {  	_ =	shalt  }
0x53: {  	_ =	shalt  }
0x54: {  	_ =	shalt  }
0x55: {  	_ =	shalt  }
0x56: {  	_ =	shalt  }
0x57: {  	_ =	shalt  }
0x58: {  	_ =	shalt  }
0x59: {  	_ =	shalt  }
0x5a: {  	_ =	shalt  }
0x5b: {  	_ =	shalt  }
0x5c: {  	_ =	shalt  }
0x5d: {  	_ =	shalt  }
0x5e: {  	_ =	shalt  }
0x5f: {  	_ =	shalt  }
0x60: {  	_ =	shalt  }
0x61: {  	_ =	shalt  }
0x62: {  	_ =	shalt  }
0x63: {  	_ =	shalt  }
0x64: {  	_ =	shalt  }
0x65: {  	_ =	shalt  }
0x66: {  	_ =	shalt  }
0x67: {  	_ =	shalt  }
0x68: {  	_ =	shalt  }
0x69: {  	_ =	shalt  }
0x6a: {  	_ =	shalt  }
0x6b: {  	_ =	shalt  }
0x6c: {  	_ =	shalt  }
0x6d: {  	_ =	shalt  }
0x6e: {  	_ =	shalt  }
0x6f: {  	_ =	shalt  }
0x70: {  	_ =	shalt  }
0x71: {  	_ =	shalt  }
0x72: {  	_ =	shalt  }
0x73: {  	_ =	shalt  }
0x74: {  	_ =	shalt  }
0x75: {  	_ =	shalt  }
0x76: {  	_ =	shalt  }
0x77: {  	_ =	shalt  }
0x78: {  	_ =	shalt  }
0x79: {  	_ =	shalt  }
0x7a: {  	_ =	shalt  }
0x7b: {  	_ =	shalt  }
0x7c: {  	_ =	shalt  }
0x7d: {  	_ =	shalt  }
0x7e: {  	_ =	shalt  }
0x7f: {  	_ =	shalt  }
0x80: {  	_ =	shalt  }
0x81: {  	_ =	shalt  }
0x82: {  	_ =	shalt  }
0x83: {  	_ =	shalt  }
0x84: {  	_ =	shalt  }
0x85: {  	_ =	shalt  }
0x86: {  	_ =	shalt  }
0x87: {  	_ =	shalt  }
.Lfunc_end0:
.L_simem_size_0:
called_computation.1_lowered:
.L_overlay_start_0:
0x88: {  	s2 =	sld [smem:$0x3FD9]  }
0x89: {  	s3 =	sld [smem:$0x3FFE];
	_ =	sdelay $0x1  }
0x8a: {  	s1 =	srdreg.scid  }
0x8b: {  	s0 =	sand.u32 $0x1, s1  }
0x8c: {  	s17 =	sshll.u32 s0, $0xA;
	s2 =	sadd.s32 s3, s2  }
0x8d: {  	s2 =	sadd.s32 s2, s17  }
0x8e: {  	[smem:$0x3FB2] =	sst s2  }
0x8f: {  	_ = 	snop  }
0x90: {  	s2 =	sld [smem:$0x3FD0];
	(tm) =	ssettm $0x1  }
0x91: {  	s18 =	sld [smem:$0x3FFB];
	_ =	sdelay $0x3  }
0x92: {  	_ =	strace s18  }
0x93: {  	s3 =	sld [smem:$0x3FFC];
	_ =	sdelay $0x3  }
0x94: {  	_ =	strace s3  }
0x95: {  	s3 =	sld [smem:$0x3FFD];
	_ =	sdelay $0x3  }
0x96: {  	_ =	strace s3  }
0x97: {  	_ =	strace $0x8FFFFFFF  }
0x98: {  	s19 =	sld [smem:$0x3FDB];
	_ =	sdelay $0x1  }
0x99: {  	s4 =	simm.s32 $_scs_section_size  }
0x9a: {  	s5 =	simm.s32 $_size__tile_overlayer_lowered;
	s6 =	simm.s32 $_tile_overlayer_lowered  }
0x9b: {  	s22 =	simm.s32 $0x1BFF;
	s21 =	sshll.u32 s6, $0x1;
	s3 =	sadd.s32 s4, s19  }
0x9c: {  	s7 =	simm.s32 $0x0;
	s20 =	sshll.u32 s5, $0x1;
	s5 =	sadd.s32 s21, s3  }
0x9d: {  	[timem:s7], [sflag:s22] =	dma.local [hbm:s5], s20  }
0x9e: {  	_ =	swait.ge [sflag:s22], s20  }
0x9f: {  	s4 =	ssub.s32 $0x0, s20;
	[sflag:s22] =	ssyncset.done $0x0  }
0xa0: {  	[sflag:s22] =	ssyncadd.s32 s4;
	_ =	sdelay $0x1  }
0xa1: {  	s23 =	simm.s32 $0x1B8B  }
0xa2: {  	_ =	swait.ge [sflag:s23], $0x1  }
0xa3: {  	[sflag:s23] =	ssyncset.done $0x0  }
0xa4: {  	s25 =	simm.s32 $0x1B8E;
	s24 =	sld [smem:$0x3FFE];
	[sflag:s23] =	ssyncadd.s32 $0xFFFFFFFF  }
0xa5: {  	s26 =	simm.s32 $execute0_lowered;
	[smem:$0x3FD2] =	sst s25  }
0xa6: {  	s5 =	sshll.u32 s26, $0x1;
	_ =	strace $0x80000050;
	[dreg:$0x1] =	wrdreg $0xFFFFFFFF  }
0xa7: {  	s28 =	simm.s32 $_size_execute0_lowered;
	s3 =	sadd.s32 s3, s5;
	[dreg:$0x0] =	wrdreg $0x0  }
0xa8: {  	s5 =	sshll.u32 s28, $0x1;
	[dreg:$0x2] =	wrdreg s3  }
0xa9: {  	[dreg:$0x3] =	wrdreg s5  }
0xaa: {  	[dreg:$0x4] =	wrdreg $0xC0  }
0xab: {  	_ =	task [dreg:s7], $0x5FFFF  }
0xac: {  	[dreg:$0x1] =	wrdreg $0xFFFFFFFF  }
0xad: {  	[dreg:$0x0] =	wrdreg $0x60  }
0xae: {  	[dreg:$0x2] =	wrdreg s2  }
0xaf: {  	[dreg:$0x3] =	wrdreg s24  }
0xb0: {  	[dreg:$0x4] =	wrdreg $0x9  }
0xb1: {  	_ =	task.clear_ibuf [dreg:s7], $0x5FFFF;
	_ =	strace $0x90000050  }
0xb2: {  	s29 =	simm.s32 $0x9;
	_ =	strace $0x80000059  }
0xb3: {  	_ =	swait.ge [sflag:s29], $0x1  }
0xb4: {  	[sflag:s29] =	ssyncadd.s32 $0xFFFFFFFF  }
0xb5: {  	_ =	strace $0x90000059  }
0xb6: {  	_ =	sfence  }
0xb7: {  	s30 =	sld [smem:$0x0];
	_ =	sdelay $0x2  }
0xb8: {  	s31 =	sshll.u32 s1, $0xD;
	s1 =	sshrl.u32 s1, $0x2  }
0xb9: {  	s3 =	sand.u32 $0x4000, s31;
	s1 =	sadd.s32 s1, s30  }
0xba: {  	s0 =	sor.u32 s3, s0;
	s1 =	sshll.u32 s1, $0x11  }
0xbb: {  	s0 =	sor.u32 s1, s0  }
0xbc: {  	s0 =	sadd.s32 $0x8F2B, s0  }
0xbd: {  	[sflag:s0] =	ssyncadd.remote.s32 $0x1  }
0xbe: {  	_ =	sfence.sel $0xFFFF  }
0xbf: {  	[dreg:$0x0] =	wrdreg $0xFFFFFFFF;
	(pc) =	sbr.abs _section_cstart, $3  }
0xc0: {  	[dreg:$0x1] =	wrdreg $0xFFFFFFFF  }
0xc1: {  	_ =	task.clear_ibuf [dreg:s7], $0x2FFFF;
	_ =	strace $0x9FFFFFFF  }
0xc2: {  	(tm) =	ssettm $0x7FFFFFFF  }
0xc3: {  	_ =	shalt  }
tec
execute0_lowered:
.L_overlay_start_1:
0x0: {  	(tag) =	ssettag $0x1  }
0x1: {  	s0 =	rddreg [dreg:$0x0]  }
0x2: {  	s3 =	rddreg [dreg:$0x1]  }
0x3: {  	s1 =	simm.s32 $0x0;
	s2 =	srdreg.scid;
	[dreg:$0x3] =	wrdreg s0  }
0x4: {  	s8 =	simm.s32 $0x80;
	s9 =	simm.s32 $0x4;
	s0 =	rddreg [dreg:$0x2]  }
0x5: {  	s10 =	simm.s32 $0x0;
	[smem:$0x7FF] =	sst s1;
	s4 =	sand.u32 $0x1, s2  }
0x6: {  	s2 =	stileid.u32;
	s5 =	sadd.s32 $0x9C00, s3;
	s3 =	sadd.s32 $0x4C00, s3  }
0x7: {  	_ =	strace $0x80000051;
	s4 =	ssub.s32 $0x2, s4;
	[dreg:$0x5] =	wrdreg s5  }
0x8: {  	s7 =	smul.u32 $0x500, s2;
	[dreg:$0x4] =	wrdreg s8;
	s6 =	sshrl.u32 s4, $0x1  }
0x9: {  	s8 =	simm.s32 $0x5;
	s6 =	ssub.s32 s4, s6;
	s4 =	smul.u32 $0x50, s2  }
0xa: {  	s5 =	sadd.s32 s3, s7;
	s7 =	simm.s32 $0x1;
	s6 =	smax.u32 s6, $0x1  }
.LBB2_1:
0xb: {  	_ =	strace $0x80000052;
	s11 =	simm.s32 $0x1;
	p0 =	por $0x0, $0x0  }
0xc: {  	[tilespmem:s1], [sflag:$0x1] =	stream.linear.gather [hbm4b:s5+s1], $0x80, $0x200038;
	[tilespmem:$0x8100] =	vst v63  }
0xd: {  	s11 =	simm.s32 @p0 $0x0  }
0xe: {  	p4 =	por $0x1, $0x1;
	s20 =	sand.u32 $0x1, s1;
	p1 =	sne.s32 s11, $0x0  }
0xf: {  	p2 =	por $0x1, $0x1;
	s18 =	simm.s32 $0x4E;
	p0 =	por !p4, !p1  }
0x10: {  	s16 =	simm.s32 $0x0;
	p5 =	por $0x0, $0x0;
	p0 =	por !p0, !p0  }
0x11: {  	s23 =	sadd.s32 $0x0, s4;
	s30 =	sadd.s32 $0x1, s20;
	s12 =	sadd.s32 @p0 s4, s11  }
0x12: {  	_ =	strace $0x90000052;
	s13 =	sand.u32 @p0 $0x1, s7;
	s12 =	sshll.u32 @p0 s12, $0x4  }
0x13: {  	_ =	strace @p0 $0x80000053;
	s15 =	simm.s32 @p0 $0x0;
	s12 =	sand.u32 @p0 $0x1FFFFFF0, s12  }
0x14: {  	s14 =	sshll.u32 @p0 s13, $0x7;
	s13 =	sadd.s32 @p0 $0x1, s13;
	s12 =	sadd.s32 @p0 s3, s12  }
0x15: {  	[tilespmem:s14], [sflag:s13] =	stream.linear.gather @p0 [hbm4b:s12+s15], $0x80, $0x200038;
	[tilespmem:$0x8100] =	vst v63  }
0x16: {  	p3 =	por p2, p2;
	s21 =	sshll.u32 s20, $0xE;
	_ =	strace @p0 $0x90000053  }
0x17: {  	s16 =	sand.u32 $0x80, s16;
	p2 =	por p5, p5;
	_ =	strace $0x80000054  }
0x18: {  	s17 =	sadd.s32 $0x1, s11;
	s22 =	sor.u32 $0x100, s21;
	_ =	swait.ge [sflag:s30], $0x80  }
0x19: {  	s21 =	simm.s32 $0x1;
	p6 =	por p1, p1;
	[sflag:s30] =	ssyncset.done $0x0  }
0x1a: {  	p1 =	por p3, p3;
	p4 =	por $0x1, $0x1;
	[sflag:s30] =	ssyncadd.s32 $0xFFFFFF80  }
0x1b: {  	s12 =	simm.s32 $0x4F;
	s15 =	sand.u32 @!p3 $0x1, s1;
	_ =	strace $0x90000054  }
0x1c: {  	s13 =	simm.s32 $0x1;
	p3 =	seq.s32 s17, $0x50;
	_ =	strace $0x80000055  }
0x1d: {  	s13 =	simm.s32 @!p0 $0x0;
	s17 =	simm.s32 @p3 $0x0;
	s19 =	rddreg [dreg:$0x4]  }
0x1e: {  	p0 =	por $0x0, $0x0;
	s14 =	sadd.s32 $0x1, s13;
	s31 =	rddreg [dreg:$0x3]  }
0x1f: {  	[tilespmem:s22], [sflag:$0x5] =	stream.indirect.gather [hbm4b:s31+s19], $0x80, s16, s19, $0x2000b8;
	[tilespmem:$0x8100] =	vst v63  }
0x20: {  	p3 =	sne.s32 s11, s17;
	s21 =	simm.s32 @!p0 $0x0;
	_ =	swait.ge [sflag:s8], $0x4000  }
0x21: {  	p5 =	por !p4, !p3;
	p4 =	por $0x0, $0x0;
	[sflag:s8] =	ssyncset.done $0x0  }
0x22: {  	s13 =	simm.s32 $0x0;
	p6 =	por p4, p6;
	[sflag:s8] =	ssyncadd.s32 $0xFFFFC000  }
0x23: {  	s16 =	simm.s32 $0x0;
	s19 =	simm.s32 $0x0;
	_ =	strace $0x90000055  }
.LBB2_2:
0x24: {  	_ =	strace @p6 $0x80000056;
	s13 =	sadd.s32 s21, s13;
	s21 =	smov.u32 s12  }
0x25: {  	s12 =	smov.u32 s18;
	s18 =	sadd.s32 $0xFFFFFFFF, s18;
	p0 =	por p3, p3  }
0x26: {  	s28 =	sshll.u32 @p6 s23, $0xB;
	s20 =	sadd.s32 @p6 $0x3, s20;
	s24 =	simm.s32 @!p0 $0x0  }
0x27: {  	s25 =	rddreg [dreg:$0x5];
	s28 =	sand.u32 @p6 $0x1FFFF800, s28;
	s24 =	simm.s32 @p0 $0x1  }
0x28: {  	s25 =	sadd.s32 @p6 s25, s28;
	s28 =	simm.s32 @p6 $0x0;
	p0 =	sne.s32 s18, $0x0  }
0x29: {  	[hbm4b:s25+s28] =	stream.linear.scatter @p6 [tilespmem:s22], [sflag:s20], $0x4000, $0x200038;
	[tilespmem:$0x8100] =	vst v63  }
0x2a: {  	s20 =	sadd.s32 @!p1 $0x3, s15;
	s15 =	simm.s32 @!p0 $0x0  }
0x2b: {  	s26 =	simm.s32 $0x1;
	[smem:$0x7FC] =	sst s24;
	s15 =	simm.s32 @p0 $0x1  }
0x2c: {  	s26 =	simm.s32 @!p6 $0x0;
	_ =	strace @p6 $0x90000056;
	[smem:$0x7FD] =	sst s15  }
0x2d: {  	p5 =	por !p5, !p5;
	s19 =	sadd.s32 s26, s19;
	_ =	strace @!p1 $0x80000057  }
0x2e: {  	s24 =	sand.u32 @!p2 $0x1, s13;
	s22 =	sand.u32 @p5 $0x1, s14;
	_ =	swait.ge @!p1 [sflag:s20], $0x4000  }
0x2f: {  	s15 =	smov.u32 s24;
	s24 =	sadd.s32 @p5 s4, s17;
	[sflag:s20] =	ssyncset.done @!p1 $0x0  }
0x30: {  	s25 =	sshll.u32 @p5 s22, $0x7;
	s24 =	sshll.u32 @p5 s24, $0x4;
	[sflag:s20] =	ssyncadd.s32 @!p1 $0xFFFFC000  }
0x31: {  	s20 =	sadd.s32 @p5 $0x1, s22;
	s22 =	sand.u32 @p5 $0x1FFFFFF0, s24;
	_ =	strace @!p1 $0x90000057  }
0x32: {  	s24 =	simm.s32 @p5 $0x0;
	s22 =	sadd.s32 @p5 s3, s22;
	_ =	strace @p5 $0x80000053  }
0x33: {  	[tilespmem:s25], [sflag:s20] =	stream.linear.gather @p5 [hbm4b:s22+s24], $0x80, $0x200038;
	[tilespmem:$0x8100] =	vst v63  }
0x34: {  	s16 =	sadd.s32 s26, s16;
	s26 =	sand.u32 $0x1, s19;
	_ =	strace @p5 $0x90000053  }
0x35: {  	s24 =	sadd.s32 $0x1, s26;
	_ =	strace $0x80000054  }
0x36: {  	_ =	swait.ge [sflag:s24], $0x80  }
0x37: {  	[sflag:s24] =	ssyncset.done $0x0  }
0x38: {  	s20 =	simm.s32 $0x1;
	[sflag:s24] =	ssyncadd.s32 $0xFFFFFF80  }
0x39: {  	s20 =	simm.s32 @!p5 $0x0;
	_ =	strace $0x90000054  }
0x3a: {  	s14 =	sadd.s32 s20, s14;
	s20 =	sand.u32 $0x1, s16;
	_ =	strace $0x80000055  }
0x3b: {  	s29 =	sshll.u32 s19, $0x7;
	s25 =	sshll.u32 s20, $0xE;
	s26 =	rddreg [dreg:$0x4]  }
0x3c: {  	s29 =	sand.u32 $0x80, s29;
	s22 =	sor.u32 $0x100, s25;
	s30 =	rddreg [dreg:$0x3]  }
0x3d: {  	[tilespmem:s22], [sflag:$0x5] =	stream.indirect.gather [hbm4b:s30+s26], $0x80, s29, s26, $0x2000b8;
	[tilespmem:$0x8100] =	vst v63  }
0x3e: {  	_ =	swait.ge [sflag:s8], $0x4000  }
0x3f: {  	s31 =	sadd.s32 $0x1, s17;
	[sflag:s8] =	ssyncset.done $0x0  }
0x40: {  	s23 =	sadd.s32 s4, s11;
	s11 =	smov.u32 s17;
	[sflag:s8] =	ssyncadd.s32 $0xFFFFC000  }
0x41: {  	p3 =	seq.s32 s31, $0x50;
	s17 =	smov.u32 s31;
	_ =	strace $0x90000055  }
0x42: {  	s17 =	simm.s32 @p3 $0x0;
	s31 =	sld [smem:$0x7FD]  }
0x43: {  	p6 =	sne.s32 s12, $0x1;
	p0 =	sne.s32 s21, $0x50;
	p3 =	sne.s32 s11, s17  }
0x44: {  	p5 =	por !p6, !p3;
	p6 =	seq.s32 s21, $0x1;
	s21 =	simm.s32 $0x1  }
0x45: {  	s21 =	simm.s32 @!p0 $0x0;
	p0 =	seq.s32 s31, $0x1  }
.Ltmp0:
0x46: {  	s30 =	sld [smem:$0x7FC];
	(pc) =	sbr.rel @p0 .LBB2_2-.Ltmp0, $4  }
0x47: {  	_ = 	snop  }
0x48: {  	p4 =	seq.s32 s12, $0x50  }
0x49: {  	p1 =	por p2, p2;
	p2 =	por p4, p4;
	p4 =	seq.s32 s30, $0x1  }
0x4a: {  	p6 =	por p6, p4  }
0x4b: {  	_ =	strace @p6 $0x80000056;
	s23 =	sshll.u32 @p6 s23, $0xB  }
0x4c: {  	s18 =	rddreg [dreg:$0x5];
	s23 =	sand.u32 @p6 $0x1FFFF800, s23  }
0x4d: {  	s20 =	sadd.s32 @p6 $0x3, s20;
	s18 =	sadd.s32 @p6 s18, s23;
	s23 =	simm.s32 @p6 $0x0  }
0x4e: {  	[hbm4b:s18+s23] =	stream.linear.scatter @p6 [tilespmem:s22], [sflag:s20], $0x4000, $0x200038;
	[tilespmem:$0x8100] =	vst v63  }
0x4f: {  	p0 =	por !p5, !p5;
	_ =	strace @p6 $0x90000056  }
0x50: {  	s15 =	sadd.s32 @!p1 $0x3, s15;
	s17 =	sadd.s32 @p0 s4, s17;
	_ =	strace @!p1 $0x80000057  }
0x51: {  	s14 =	sand.u32 @p0 $0x1, s14;
	s17 =	sshll.u32 @p0 s17, $0x4;
	_ =	swait.ge @!p1 [sflag:s15], $0x4000  }
0x52: {  	s18 =	simm.s32 $0x1;
	s20 =	sshll.u32 @p0 s14, $0x7;
	[sflag:s15] =	ssyncset.done @!p1 $0x0  }
0x53: {  	s14 =	sadd.s32 @p0 $0x1, s14;
	s18 =	simm.s32 @!p6 $0x0;
	[sflag:s15] =	ssyncadd.s32 @!p1 $0xFFFFC000  }
0x54: {  	s19 =	sadd.s32 s18, s19;
	s15 =	sand.u32 @p0 $0x1FFFFFF0, s17;
	_ =	strace @!p1 $0x90000057  }
0x55: {  	s17 =	simm.s32 @p0 $0x0;
	s15 =	sadd.s32 @p0 s3, s15;
	_ =	strace @p0 $0x80000053  }
0x56: {  	[tilespmem:s20], [sflag:s14] =	stream.linear.gather @p0 [hbm4b:s15+s17], $0x80, $0x200038;
	[tilespmem:$0x8100] =	vst v63  }
0x57: {  	s25 =	sand.u32 $0x1, s19;
	_ =	strace @p0 $0x90000053  }
0x58: {  	s14 =	sadd.s32 $0x1, s25;
	_ =	strace $0x80000054  }
0x59: {  	_ =	swait.ge [sflag:s14], $0x80  }
0x5a: {  	[sflag:s14] =	ssyncset.done $0x0  }
0x5b: {  	[sflag:s14] =	ssyncadd.s32 $0xFFFFFF80  }
0x5c: {  	s26 =	sadd.s32 s18, s16;
	_ =	strace $0x90000054  }
0x5d: {  	s14 =	sand.u32 $0x1, s26;
	_ =	strace $0x80000055  }
0x5e: {  	s30 =	sshll.u32 s19, $0x7;
	s31 =	sshll.u32 s14, $0xE;
	s28 =	rddreg [dreg:$0x4]  }
0x5f: {  	s17 =	sand.u32 $0x80, s30;
	s18 =	sor.u32 $0x100, s31;
	s29 =	rddreg [dreg:$0x3]  }
0x60: {  	[tilespmem:s18], [sflag:$0x5] =	stream.indirect.gather [hbm4b:s29+s28], $0x80, s17, s28, $0x2000b8;
	[tilespmem:$0x8100] =	vst v63  }
0x61: {  	_ =	swait.ge [sflag:s8], $0x4000  }
0x62: {  	[sflag:s8] =	ssyncset.done $0x0  }
0x63: {  	p5 =	por p3, p3;
	p6 =	seq.s32 s12, $0x1;
	[sflag:s8] =	ssyncadd.s32 $0xFFFFC000  }
0x64: {  	s11 =	sadd.s32 s4, s11;
	p0 =	por p6, p5;
	_ =	strace $0x90000055  }
0x65: {  	s11 =	sshll.u32 @p0 s11, $0xB;
	_ =	strace @p0 $0x80000056  }
0x66: {  	s13 =	sadd.s32 s21, s13;
	s11 =	sand.u32 @p0 $0x1FFFF800, s11;
	s12 =	rddreg [dreg:$0x5]  }
0x67: {  	s14 =	sadd.s32 @p0 $0x3, s14;
	s11 =	sadd.s32 @p0 s12, s11;
	s12 =	simm.s32 @p0 $0x0  }
0x68: {  	[hbm4b:s11+s12] =	stream.linear.scatter @p0 [tilespmem:s18], [sflag:s14], $0x4000, $0x200038;
	[tilespmem:$0x8100] =	vst v63  }
0x69: {  	p1 =	por p2, p2;
	s11 =	sand.u32 @!p2 $0x1, s13;
	_ =	strace @p0 $0x90000056  }
0x6a: {  	s11 =	sadd.s32 @!p1 $0x3, s11;
	_ =	strace @!p1 $0x80000057  }
0x6b: {  	_ =	swait.ge @!p1 [sflag:s11], $0x4000  }
0x6c: {  	[sflag:s11] =	ssyncset.done @!p1 $0x0  }
0x6d: {  	s10 =	sadd.s32 $0x1, s10;
	[sflag:s11] =	ssyncadd.s32 @!p1 $0xFFFFC000  }
0x6e: {  	p0 =	sne.s32 s10, s6;
	_ =	strace @!p1 $0x90000057  }
.Ltmp1:
0x6f: {  	_ =	strace $0x80000058;
	(pc) =	sbr.rel @p0 .LBB2_1-.Ltmp1, $4  }
0x70: {  	_ =	swait.ge [sflag:s9], $0x4000  }
0x71: {  	[sflag:s9] =	ssyncset.done $0x0  }
0x72: {  	[sflag:s9] =	ssyncadd.s32 $0xFFFFC000  }
0x73: {  	_ =	strace $0x90000058  }
0x74: {  	_ =	sfence.sel $0x180000  }
0x75: {  	[bflag:$0x0] =	sbarrier.arrive $0xFFFF  }
0x76: {  	p0 =	sne.s32 s2, $0x0;
	_ =	strace $0x90000051  }
0x77: {  	s0 =	sadd.s32 @!p0 $0x100000, s0;
	[bflag:$0x2] =	sbarrier.arrive $0xFFFF  }
0x78: {  	[sflag:s0] =	ssyncadd.tile.s32 @!p0 $0x1;
	_ =	shalt  }
.Lfunc_end2:
_tile_overlayer_lowered:
.L_overlay_start_2:
0x79: {  	(tag) =	ssettag $0x2  }
0x7a: {  	s0 =	rddreg [dreg:$0x0];
	s2 =	stileid.u32  }
0x7b: {  	s1 =	rddreg [dreg:$0x1];
	p0 =	sne.s32 s2, $0x0  }
0x7c: {  	s3 =	rddreg [dreg:$0x2];
	[bflag:$0x3] =	sbarrier.arrive $0xFFFF;
	s2 =	simm.s32 @!p0 $0x1C01  }
0x7d: {  	[timem:s3], [sflag:s2] =	dma.local @!p0 [hbm:s0], s1  }
0x7e: {  	s0 =	simm.s32 @!p0 $0x1  }
0x7f: {  	_ =	swait.ge @!p0 [sflag:s0], s1  }
0x80: {  	s1 =	ssub.s32 @!p0 $0x0, s1;
	[sflag:s0] =	ssyncset.done @!p0 $0x0  }
0x81: {  	[sflag:s0] =	ssyncadd.s32 @!p0 s1  }
0x82: {  	[bflag:$0x3] =	sbarrier.arrive $0xFFFF  }
0x83: {  	_ =	shalt  }

// kernel: kernel.25.cloned.1.call-start
scs
__scs_entry_jumppad:
0x0: {  	(pc) =	sbr.rel $0x88, $3  }
0x1: {  	(tag) =	ssettag $0x0;
	lr =	simm.s32 $0x1  }
0x2: {  	[smem:$0x3F8B] =	sst lr;
	_ =	strace $0xD0000000  }
0x3: {  	_ = 	snop  }
0x4: {  	_ = 	snop  }
0x5: {  	_ = 	snop  }
0x6: {  	_ = 	snop  }
0x7: {  	_ = 	snop  }
__scs_overlays_trampoline_lowered:
0x8: {  	[smem:$0x3F9A] =	sst s0  }
0x9: {  	[smem:$0x3F9B] =	sst s1  }
0xa: {  	[smem:$0x3F9C] =	sst s2  }
0xb: {  	[smem:$0x3F9D] =	sst s3  }
0xc: {  	[smem:$0x3F9E] =	sst s4  }
0xd: {  	[smem:$0x3F9F] =	sst s5  }
0xe: {  	[smem:$0x3FA0] =	sst s6  }
0xf: {  	[smem:$0x3FA1] =	sst s7  }
0x10: {  	[smem:$0x3FA2] =	sst s8  }
0x11: {  	[smem:$0x3FA3] =	sst s9;
	s0 =	simm.s32 @!p0 $0x0  }
0x12: {  	s1 =	sld [smem:$0x3F89];
	s0 =	simm.s32 @p0 $0x1  }
0x13: {  	[smem:$0x3FA4] =	sst s0;
	s0 =	simm.s32 @!p1 $0x0  }
0x14: {  	s2 =	sld [smem:$0x3F88];
	s0 =	simm.s32 @p1 $0x1  }
0x15: {  	[smem:$0x3FA5] =	sst s0;
	s0 =	simm.s32 @!p2 $0x0  }
0x16: {  	s3 =	sld [smem:$0x3FDB];
	s0 =	simm.s32 @p2 $0x1  }
0x17: {  	s4 =	simm.s32 $0x1BF5;
	[smem:$0x3FA7] =	sst s0  }
0x18: {  	s0 =	sld [smem:$0x3F8A];
	_ =	swait.ge [sflag:s4], $0x0  }
0x19: {  	s7 =	sld [smem:$0x3F8B]  }
0x1a: {  	s8 =	sadd.s32 $0xFFFFE003, lr  }
0x1b: {  	s9 =	sadd.s32 $0xFFFFFEF7, lr;
	s5 =	simm.s32 $0xFFFFFFFF;
	p2 =	slt.u32 s8, $0xFFFFF086  }
0x1c: {  	p1 =	slt.u32 s9, $0xF7A;
	s5 =	simm.s32 @!p2 $0x0  }
0x1d: {  	s5 =	simm.s32 @p1 $0x1;
	p0 =	seq.s32 s7, s2  }
0x1e: {  	s7 =	smul.u32 @!p0 $0xF7A, s2;
	p2 =	seq.s32 @!p0 s5, $0x0  }
0x1f: {  	s9 =	smul.u32 $0xF7A, s1;
	s8 =	simm.s32 @!p0 $0x1BF5;
	p2 =	por !p2, p0  }
0x20: {  	[sflag:s8] =	ssyncset.s32 @!p0 $0xFFFFF086;
	s6 =	sadd.s32 @!p0 s3, s7;
	s7 =	simm.s32 @!p0 $0x108  }
0x21: {  	s3 =	sadd.s32 s3, s9;
	s6 =	sadd.s32 @!p0 $0x88, s6;
	s7 =	simm.s32 @p2 $0x1082  }
0x22: {  	[simem:s7], [sflag:s8] =	dma.local @!p0 [hbm:s6], $0xF7A  }
0x23: {  	s9 =	sor.u32 $0xD0000000, s2;
	s6 =	simm.s32 $0x108;
	_ =	swait.ge @!p0 [sflag:s8], $0x0  }
0x24: {  	s3 =	sadd.s32 $0x88, s3;
	s6 =	simm.s32 @!p1 $0x1082;
	[sflag:s4] =	ssyncset.s32 $0xFFFFF086  }
0x25: {  	[simem:s6], [sflag:s4] =	dma.local [hbm:s3], $0xF7A  }
0x26: {  	[smem:$0x3F8B] =	sst s1;
	(tag) =	ssettag s2;
	_ =	strace s9  }
0x27: {  	s1 =	sld [smem:$0x3F9B]  }
0x28: {  	s2 =	sld [smem:$0x3F9C]  }
0x29: {  	s4 =	sld [smem:$0x3F9E]  }
0x2a: {  	p0 =	seq.s32 s5, $0x0;
	s5 =	sld [smem:$0x3F9F]  }
0x2b: {  	s6 =	sld [smem:$0x3FA0]  }
0x2c: {  	s7 =	sld [smem:$0x3FA1]  }
0x2d: {  	s3 =	simm.s32 $0x108;
	s8 =	sld [smem:$0x3FA2]  }
0x2e: {  	s3 =	simm.s32 @!p0 $0x1082;
	s9 =	sld [smem:$0x3FA3]  }
0x2f: {  	lr =	sadd.s32 s0, s3;
	s0 =	sld [smem:$0x3F9A]  }
0x30: {  	s3 =	sld [smem:$0x3F9D]  }
0x31: {  	[smem:$0x3FA6] =	sst s10  }
0x32: {  	s10 =	sld [smem:$0x3FA4];
	_ =	sdelay $0x3  }
0x33: {  	p0 =	seq.s32 s10, $0x1;
	s10 =	sld [smem:$0x3FA6];
	_ =	sdelay $0x3  }
0x34: {  	[smem:$0x3FA6] =	sst s10  }
0x35: {  	s10 =	sld [smem:$0x3FA5];
	_ =	sdelay $0x3  }
0x36: {  	p1 =	seq.s32 s10, $0x1;
	s10 =	sld [smem:$0x3FA6];
	_ =	sdelay $0x3  }
0x37: {  	[smem:$0x3FA6] =	sst s10  }
0x38: {  	s10 =	sld [smem:$0x3FA7]  }
0x39: {  	_ = 	snop;
	(pc) =	sbr.ind lr, $3  }
0x3a: {  	_ = 	snop  }
0x3b: {  	_ = 	snop  }
0x3c: {  	p2 =	seq.s32 s10, $0x1;
	s10 =	sld [smem:$0x3FA6]  }
0x3d: {  	_ =	shalt  }
0x3e: {  	_ =	shalt  }
0x3f: {  	_ =	shalt  }
0x40: {  	_ =	shalt  }
0x41: {  	_ =	shalt  }
0x42: {  	_ =	shalt  }
0x43: {  	_ =	shalt  }
0x44: {  	_ =	shalt  }
0x45: {  	_ =	shalt  }
0x46: {  	_ =	shalt  }
0x47: {  	_ =	shalt  }
0x48: {  	_ =	shalt  }
0x49: {  	_ =	shalt  }
0x4a: {  	_ =	shalt  }
0x4b: {  	_ =	shalt  }
0x4c: {  	_ =	shalt  }
0x4d: {  	_ =	shalt  }
0x4e: {  	_ =	shalt  }
0x4f: {  	_ =	shalt  }
0x50: {  	_ =	shalt  }
0x51: {  	_ =	shalt  }
0x52: {  	_ =	shalt  }
0x53: {  	_ =	shalt  }
0x54: {  	_ =	shalt  }
0x55: {  	_ =	shalt  }
0x56: {  	_ =	shalt  }
0x57: {  	_ =	shalt  }
0x58: {  	_ =	shalt  }
0x59: {  	_ =	shalt  }
0x5a: {  	_ =	shalt  }
0x5b: {  	_ =	shalt  }
0x5c: {  	_ =	shalt  }
0x5d: {  	_ =	shalt  }
0x5e: {  	_ =	shalt  }
0x5f: {  	_ =	shalt  }
0x60: {  	_ =	shalt  }
0x61: {  	_ =	shalt  }
0x62: {  	_ =	shalt  }
0x63: {  	_ =	shalt  }
0x64: {  	_ =	shalt  }
0x65: {  	_ =	shalt  }
0x66: {  	_ =	shalt  }
0x67: {  	_ =	shalt  }
0x68: {  	_ =	shalt  }
0x69: {  	_ =	shalt  }
0x6a: {  	_ =	shalt  }
0x6b: {  	_ =	shalt  }
0x6c: {  	_ =	shalt  }
0x6d: {  	_ =	shalt  }
0x6e: {  	_ =	shalt  }
0x6f: {  	_ =	shalt  }
0x70: {  	_ =	shalt  }
0x71: {  	_ =	shalt  }
0x72: {  	_ =	shalt  }
0x73: {  	_ =	shalt  }
0x74: {  	_ =	shalt  }
0x75: {  	_ =	shalt  }
0x76: {  	_ =	shalt  }
0x77: {  	_ =	shalt  }
0x78: {  	_ =	shalt  }
0x79: {  	_ =	shalt  }
0x7a: {  	_ =	shalt  }
0x7b: {  	_ =	shalt  }
0x7c: {  	_ =	shalt  }
0x7d: {  	_ =	shalt  }
0x7e: {  	_ =	shalt  }
0x7f: {  	_ =	shalt  }
0x80: {  	_ =	shalt  }
0x81: {  	_ =	shalt  }
0x82: {  	_ =	shalt  }
0x83: {  	_ =	shalt  }
0x84: {  	_ =	shalt  }
0x85: {  	_ =	shalt  }
0x86: {  	_ =	shalt  }
0x87: {  	_ =	shalt  }
.Lfunc_end0:
.L_simem_size_0:
called_computation.2_lowered:
.L_overlay_start_0:
0x88: {  	s2 =	sld [smem:$0x3FD9]  }
0x89: {  	s3 =	sld [smem:$0x3FFE];
	_ =	sdelay $0x1  }
0x8a: {  	s1 =	srdreg.scid  }
0x8b: {  	s0 =	sand.u32 $0x1, s1  }
0x8c: {  	s17 =	sshll.u32 s0, $0xA;
	s2 =	sadd.s32 s3, s2  }
0x8d: {  	s2 =	sadd.s32 s2, s17  }
0x8e: {  	[smem:$0x3FB2] =	sst s2  }
0x8f: {  	_ = 	snop  }
0x90: {  	s2 =	sld [smem:$0x3FD0];
	(tm) =	ssettm $0x1  }
0x91: {  	s18 =	sld [smem:$0x3FFB];
	_ =	sdelay $0x3  }
0x92: {  	_ =	strace s18  }
0x93: {  	s3 =	sld [smem:$0x3FFC];
	_ =	sdelay $0x3  }
0x94: {  	_ =	strace s3  }
0x95: {  	s3 =	sld [smem:$0x3FFD];
	_ =	sdelay $0x3  }
0x96: {  	_ =	strace s3  }
0x97: {  	_ =	strace $0x8FFFFFFF  }
0x98: {  	s19 =	sld [smem:$0x3FDB];
	_ =	sdelay $0x1  }
0x99: {  	s4 =	simm.s32 $_scs_section_size  }
0x9a: {  	s5 =	simm.s32 $_size__tile_overlayer_lowered;
	s6 =	simm.s32 $_tile_overlayer_lowered  }
0x9b: {  	s22 =	simm.s32 $0x1BFF;
	s21 =	sshll.u32 s6, $0x1;
	s3 =	sadd.s32 s4, s19  }
0x9c: {  	s7 =	simm.s32 $0x0;
	s20 =	sshll.u32 s5, $0x1;
	s5 =	sadd.s32 s21, s3  }
0x9d: {  	[timem:s7], [sflag:s22] =	dma.local [hbm:s5], s20  }
0x9e: {  	_ =	swait.ge [sflag:s22], s20  }
0x9f: {  	s4 =	ssub.s32 $0x0, s20;
	[sflag:s22] =	ssyncset.done $0x0  }
0xa0: {  	[sflag:s22] =	ssyncadd.s32 s4;
	_ =	sdelay $0x1  }
0xa1: {  	s23 =	simm.s32 $0x1B8B  }
0xa2: {  	_ =	swait.ge [sflag:s23], $0x1  }
0xa3: {  	[sflag:s23] =	ssyncset.done $0x0  }
0xa4: {  	s25 =	simm.s32 $0x1B8E;
	s24 =	sld [smem:$0x3FFE];
	[sflag:s23] =	ssyncadd.s32 $0xFFFFFFFF  }
0xa5: {  	s26 =	simm.s32 $execute0_lowered;
	[smem:$0x3FD2] =	sst s25  }
0xa6: {  	s5 =	sshll.u32 s26, $0x1;
	_ =	strace $0x8000005A;
	[dreg:$0x1] =	wrdreg $0xFFFFFFFF  }
0xa7: {  	s28 =	simm.s32 $_size_execute0_lowered;
	s3 =	sadd.s32 s3, s5;
	[dreg:$0x0] =	wrdreg $0x0  }
0xa8: {  	s5 =	sshll.u32 s28, $0x1;
	[dreg:$0x2] =	wrdreg s3  }
0xa9: {  	[dreg:$0x3] =	wrdreg s5  }
0xaa: {  	[dreg:$0x4] =	wrdreg $0xC0  }
0xab: {  	_ =	task [dreg:s7], $0x5FFFF  }
0xac: {  	[dreg:$0x1] =	wrdreg $0xFFFFFFFF  }
0xad: {  	[dreg:$0x0] =	wrdreg $0x60  }
0xae: {  	[dreg:$0x2] =	wrdreg s2  }
0xaf: {  	[dreg:$0x3] =	wrdreg s24  }
0xb0: {  	[dreg:$0x4] =	wrdreg $0x9  }
0xb1: {  	_ =	task.clear_ibuf [dreg:s7], $0x5FFFF;
	_ =	strace $0x9000005A  }
0xb2: {  	s29 =	simm.s32 $0x9;
	_ =	strace $0x80000063  }
0xb3: {  	_ =	swait.ge [sflag:s29], $0x1  }
0xb4: {  	[sflag:s29] =	ssyncadd.s32 $0xFFFFFFFF  }
0xb5: {  	_ =	strace $0x90000063  }
0xb6: {  	_ =	sfence  }
0xb7: {  	s30 =	sld [smem:$0x0];
	_ =	sdelay $0x2  }
0xb8: {  	s31 =	sshll.u32 s1, $0xD;
	s1 =	sshrl.u32 s1, $0x2  }
0xb9: {  	s3 =	sand.u32 $0x4000, s31;
	s1 =	sadd.s32 s1, s30  }
0xba: {  	s0 =	sor.u32 s3, s0;
	s1 =	sshll.u32 s1, $0x11  }
0xbb: {  	s0 =	sor.u32 s1, s0  }
0xbc: {  	s0 =	sadd.s32 $0x8F2B, s0  }
0xbd: {  	[sflag:s0] =	ssyncadd.remote.s32 $0x1  }
0xbe: {  	_ =	sfence.sel $0xFFFF  }
0xbf: {  	[dreg:$0x0] =	wrdreg $0xFFFFFFFF;
	(pc) =	sbr.abs _section_cstart, $3  }
0xc0: {  	[dreg:$0x1] =	wrdreg $0xFFFFFFFF  }
0xc1: {  	_ =	task.clear_ibuf [dreg:s7], $0x2FFFF;
	_ =	strace $0x9FFFFFFF  }
0xc2: {  	(tm) =	ssettm $0x7FFFFFFF  }
0xc3: {  	_ =	shalt  }
tec
execute0_lowered:
.L_overlay_start_1:
0x0: {  	(tag) =	ssettag $0x1  }
0x1: {  	s0 =	rddreg [dreg:$0x0]  }
0x2: {  	s3 =	rddreg [dreg:$0x1]  }
0x3: {  	s1 =	simm.s32 $0x0;
	s2 =	srdreg.scid;
	[dreg:$0x3] =	wrdreg s0  }
0x4: {  	s8 =	simm.s32 $0x80;
	s9 =	simm.s32 $0x4;
	s0 =	rddreg [dreg:$0x2]  }
0x5: {  	s10 =	simm.s32 $0x0;
	[smem:$0x7FF] =	sst s1;
	s4 =	sand.u32 $0x1, s2  }
0x6: {  	s2 =	stileid.u32;
	s5 =	sadd.s32 $0x9C00, s3;
	s3 =	sadd.s32 $0x4C00, s3  }
0x7: {  	_ =	strace $0x8000005B;
	s4 =	ssub.s32 $0x2, s4;
	[dreg:$0x5] =	wrdreg s5  }
0x8: {  	s7 =	smul.u32 $0x500, s2;
	[dreg:$0x4] =	wrdreg s8;
	s6 =	sshrl.u32 s4, $0x1  }
0x9: {  	s8 =	simm.s32 $0x5;
	s6 =	ssub.s32 s4, s6;
	s4 =	smul.u32 $0x50, s2  }
0xa: {  	s5 =	sadd.s32 s3, s7;
	s7 =	simm.s32 $0x1;
	s6 =	smax.u32 s6, $0x1  }
.LBB2_1:
0xb: {  	_ =	strace $0x8000005C;
	s11 =	simm.s32 $0x1;
	p0 =	por $0x0, $0x0  }
0xc: {  	[tilespmem:s1], [sflag:$0x1] =	stream.linear.gather [hbm4b:s5+s1], $0x80, $0x200038;
	[tilespmem:$0x8100] =	vst v63  }
0xd: {  	s11 =	simm.s32 @p0 $0x0  }
0xe: {  	p4 =	por $0x1, $0x1;
	s20 =	sand.u32 $0x1, s1;
	p1 =	sne.s32 s11, $0x0  }
0xf: {  	p2 =	por $0x1, $0x1;
	s18 =	simm.s32 $0x4E;
	p0 =	por !p4, !p1  }
0x10: {  	s16 =	simm.s32 $0x0;
	p5 =	por $0x0, $0x0;
	p0 =	por !p0, !p0  }
0x11: {  	s23 =	sadd.s32 $0x0, s4;
	s30 =	sadd.s32 $0x1, s20;
	s12 =	sadd.s32 @p0 s4, s11  }
0x12: {  	_ =	strace $0x9000005C;
	s13 =	sand.u32 @p0 $0x1, s7;
	s12 =	sshll.u32 @p0 s12, $0x4  }
0x13: {  	_ =	strace @p0 $0x8000005D;
	s15 =	simm.s32 @p0 $0x0;
	s12 =	sand.u32 @p0 $0x1FFFFFF0, s12  }
0x14: {  	s14 =	sshll.u32 @p0 s13, $0x7;
	s13 =	sadd.s32 @p0 $0x1, s13;
	s12 =	sadd.s32 @p0 s3, s12  }
0x15: {  	[tilespmem:s14], [sflag:s13] =	stream.linear.gather @p0 [hbm4b:s12+s15], $0x80, $0x200038;
	[tilespmem:$0x8100] =	vst v63  }
0x16: {  	p3 =	por p2, p2;
	s21 =	sshll.u32 s20, $0xE;
	_ =	strace @p0 $0x9000005D  }
0x17: {  	s16 =	sand.u32 $0x80, s16;
	p2 =	por p5, p5;
	_ =	strace $0x8000005E  }
0x18: {  	s17 =	sadd.s32 $0x1, s11;
	s22 =	sor.u32 $0x100, s21;
	_ =	swait.ge [sflag:s30], $0x80  }
0x19: {  	s21 =	simm.s32 $0x1;
	p6 =	por p1, p1;
	[sflag:s30] =	ssyncset.done $0x0  }
0x1a: {  	p1 =	por p3, p3;
	p4 =	por $0x1, $0x1;
	[sflag:s30] =	ssyncadd.s32 $0xFFFFFF80  }
0x1b: {  	s12 =	simm.s32 $0x4F;
	s15 =	sand.u32 @!p3 $0x1, s1;
	_ =	strace $0x9000005E  }
0x1c: {  	s13 =	simm.s32 $0x1;
	p3 =	seq.s32 s17, $0x50;
	_ =	strace $0x8000005F  }
0x1d: {  	s13 =	simm.s32 @!p0 $0x0;
	s17 =	simm.s32 @p3 $0x0;
	s19 =	rddreg [dreg:$0x4]  }
0x1e: {  	p0 =	por $0x0, $0x0;
	s14 =	sadd.s32 $0x1, s13;
	s31 =	rddreg [dreg:$0x3]  }
0x1f: {  	[tilespmem:s22], [sflag:$0x5] =	stream.indirect.gather [hbm4b:s31+s19], $0x80, s16, s19, $0x2000b8;
	[tilespmem:$0x8100] =	vst v63  }
0x20: {  	p3 =	sne.s32 s11, s17;
	s21 =	simm.s32 @!p0 $0x0;
	_ =	swait.ge [sflag:s8], $0x4000  }
0x21: {  	p5 =	por !p4, !p3;
	p4 =	por $0x0, $0x0;
	[sflag:s8] =	ssyncset.done $0x0  }
0x22: {  	s13 =	simm.s32 $0x0;
	p6 =	por p4, p6;
	[sflag:s8] =	ssyncadd.s32 $0xFFFFC000  }
0x23: {  	s16 =	simm.s32 $0x0;
	s19 =	simm.s32 $0x0;
	_ =	strace $0x9000005F  }
.LBB2_2:
0x24: {  	_ =	strace @p6 $0x80000060;
	s13 =	sadd.s32 s21, s13;
	s21 =	smov.u32 s12  }
0x25: {  	s12 =	smov.u32 s18;
	s18 =	sadd.s32 $0xFFFFFFFF, s18;
	p0 =	por p3, p3  }
0x26: {  	s28 =	sshll.u32 @p6 s23, $0xB;
	s20 =	sadd.s32 @p6 $0x3, s20;
	s24 =	simm.s32 @!p0 $0x0  }
0x27: {  	s25 =	rddreg [dreg:$0x5];
	s28 =	sand.u32 @p6 $0x1FFFF800, s28;
	s24 =	simm.s32 @p0 $0x1  }
0x28: {  	s25 =	sadd.s32 @p6 s25, s28;
	s28 =	simm.s32 @p6 $0x0;
	p0 =	sne.s32 s18, $0x0  }
0x29: {  	[hbm4b:s25+s28] =	stream.linear.scatter @p6 [tilespmem:s22], [sflag:s20], $0x4000, $0x200038;
	[tilespmem:$0x8100] =	vst v63  }
0x2a: {  	s20 =	sadd.s32 @!p1 $0x3, s15;
	s15 =	simm.s32 @!p0 $0x0  }
0x2b: {  	s26 =	simm.s32 $0x1;
	[smem:$0x7FC] =	sst s24;
	s15 =	simm.s32 @p0 $0x1  }
0x2c: {  	s26 =	simm.s32 @!p6 $0x0;
	_ =	strace @p6 $0x90000060;
	[smem:$0x7FD] =	sst s15  }
0x2d: {  	p5 =	por !p5, !p5;
	s19 =	sadd.s32 s26, s19;
	_ =	strace @!p1 $0x80000061  }
0x2e: {  	s24 =	sand.u32 @!p2 $0x1, s13;
	s22 =	sand.u32 @p5 $0x1, s14;
	_ =	swait.ge @!p1 [sflag:s20], $0x4000  }
0x2f: {  	s15 =	smov.u32 s24;
	s24 =	sadd.s32 @p5 s4, s17;
	[sflag:s20] =	ssyncset.done @!p1 $0x0  }
0x30: {  	s25 =	sshll.u32 @p5 s22, $0x7;
	s24 =	sshll.u32 @p5 s24, $0x4;
	[sflag:s20] =	ssyncadd.s32 @!p1 $0xFFFFC000  }
0x31: {  	s20 =	sadd.s32 @p5 $0x1, s22;
	s22 =	sand.u32 @p5 $0x1FFFFFF0, s24;
	_ =	strace @!p1 $0x90000061  }
0x32: {  	s24 =	simm.s32 @p5 $0x0;
	s22 =	sadd.s32 @p5 s3, s22;
	_ =	strace @p5 $0x8000005D  }
0x33: {  	[tilespmem:s25], [sflag:s20] =	stream.linear.gather @p5 [hbm4b:s22+s24], $0x80, $0x200038;
	[tilespmem:$0x8100] =	vst v63  }
0x34: {  	s16 =	sadd.s32 s26, s16;
	s26 =	sand.u32 $0x1, s19;
	_ =	strace @p5 $0x9000005D  }
0x35: {  	s24 =	sadd.s32 $0x1, s26;
	_ =	strace $0x8000005E  }
0x36: {  	_ =	swait.ge [sflag:s24], $0x80  }
0x37: {  	[sflag:s24] =	ssyncset.done $0x0  }
0x38: {  	s20 =	simm.s32 $0x1;
	[sflag:s24] =	ssyncadd.s32 $0xFFFFFF80  }
0x39: {  	s20 =	simm.s32 @!p5 $0x0;
	_ =	strace $0x9000005E  }
0x3a: {  	s14 =	sadd.s32 s20, s14;
	s20 =	sand.u32 $0x1, s16;
	_ =	strace $0x8000005F  }
0x3b: {  	s29 =	sshll.u32 s19, $0x7;
	s25 =	sshll.u32 s20, $0xE;
	s26 =	rddreg [dreg:$0x4]  }
0x3c: {  	s29 =	sand.u32 $0x80, s29;
	s22 =	sor.u32 $0x100, s25;
	s30 =	rddreg [dreg:$0x3]  }
0x3d: {  	[tilespmem:s22], [sflag:$0x5] =	stream.indirect.gather [hbm4b:s30+s26], $0x80, s29, s26, $0x2000b8;
	[tilespmem:$0x8100] =	vst v63  }
0x3e: {  	_ =	swait.ge [sflag:s8], $0x4000  }
0x3f: {  	s31 =	sadd.s32 $0x1, s17;
	[sflag:s8] =	ssyncset.done $0x0  }
0x40: {  	s23 =	sadd.s32 s4, s11;
	s11 =	smov.u32 s17;
	[sflag:s8] =	ssyncadd.s32 $0xFFFFC000  }
0x41: {  	p3 =	seq.s32 s31, $0x50;
	s17 =	smov.u32 s31;
	_ =	strace $0x9000005F  }
0x42: {  	s17 =	simm.s32 @p3 $0x0;
	s31 =	sld [smem:$0x7FD]  }
0x43: {  	p6 =	sne.s32 s12, $0x1;
	p0 =	sne.s32 s21, $0x50;
	p3 =	sne.s32 s11, s17  }
0x44: {  	p5 =	por !p6, !p3;
	p6 =	seq.s32 s21, $0x1;
	s21 =	simm.s32 $0x1  }
0x45: {  	s21 =	simm.s32 @!p0 $0x0;
	p0 =	seq.s32 s31, $0x1  }
.Ltmp0:
0x46: {  	s30 =	sld [smem:$0x7FC];
	(pc) =	sbr.rel @p0 .LBB2_2-.Ltmp0, $4  }
0x47: {  	_ = 	snop  }
0x48: {  	p4 =	seq.s32 s12, $0x50  }
0x49: {  	p1 =	por p2, p2;
	p2 =	por p4, p4;
	p4 =	seq.s32 s30, $0x1  }
0x4a: {  	p6 =	por p6, p4  }
0x4b: {  	_ =	strace @p6 $0x80000060;
	s23 =	sshll.u32 @p6 s23, $0xB  }
0x4c: {  	s18 =	rddreg [dreg:$0x5];
	s23 =	sand.u32 @p6 $0x1FFFF800, s23  }
0x4d: {  	s20 =	sadd.s32 @p6 $0x3, s20;
	s18 =	sadd.s32 @p6 s18, s23;
	s23 =	simm.s32 @p6 $0x0  }
0x4e: {  	[hbm4b:s18+s23] =	stream.linear.scatter @p6 [tilespmem:s22], [sflag:s20], $0x4000, $0x200038;
	[tilespmem:$0x8100] =	vst v63  }
0x4f: {  	p0 =	por !p5, !p5;
	_ =	strace @p6 $0x90000060  }
0x50: {  	s15 =	sadd.s32 @!p1 $0x3, s15;
	s17 =	sadd.s32 @p0 s4, s17;
	_ =	strace @!p1 $0x80000061  }
0x51: {  	s14 =	sand.u32 @p0 $0x1, s14;
	s17 =	sshll.u32 @p0 s17, $0x4;
	_ =	swait.ge @!p1 [sflag:s15], $0x4000  }
0x52: {  	s18 =	simm.s32 $0x1;
	s20 =	sshll.u32 @p0 s14, $0x7;
	[sflag:s15] =	ssyncset.done @!p1 $0x0  }
0x53: {  	s14 =	sadd.s32 @p0 $0x1, s14;
	s18 =	simm.s32 @!p6 $0x0;
	[sflag:s15] =	ssyncadd.s32 @!p1 $0xFFFFC000  }
0x54: {  	s19 =	sadd.s32 s18, s19;
	s15 =	sand.u32 @p0 $0x1FFFFFF0, s17;
	_ =	strace @!p1 $0x90000061  }
0x55: {  	s17 =	simm.s32 @p0 $0x0;
	s15 =	sadd.s32 @p0 s3, s15;
	_ =	strace @p0 $0x8000005D  }
0x56: {  	[tilespmem:s20], [sflag:s14] =	stream.linear.gather @p0 [hbm4b:s15+s17], $0x80, $0x200038;
	[tilespmem:$0x8100] =	vst v63  }
0x57: {  	s25 =	sand.u32 $0x1, s19;
	_ =	strace @p0 $0x9000005D  }
0x58: {  	s14 =	sadd.s32 $0x1, s25;
	_ =	strace $0x8000005E  }
0x59: {  	_ =	swait.ge [sflag:s14], $0x80  }
0x5a: {  	[sflag:s14] =	ssyncset.done $0x0  }
0x5b: {  	[sflag:s14] =	ssyncadd.s32 $0xFFFFFF80  }
0x5c: {  	s26 =	sadd.s32 s18, s16;
	_ =	strace $0x9000005E  }
0x5d: {  	s14 =	sand.u32 $0x1, s26;
	_ =	strace $0x8000005F  }
0x5e: {  	s30 =	sshll.u32 s19, $0x7;
	s31 =	sshll.u32 s14, $0xE;
	s28 =	rddreg [dreg:$0x4]  }
0x5f: {  	s17 =	sand.u32 $0x80, s30;
	s18 =	sor.u32 $0x100, s31;
	s29 =	rddreg [dreg:$0x3]  }
0x60: {  	[tilespmem:s18], [sflag:$0x5] =	stream.indirect.gather [hbm4b:s29+s28], $0x80, s17, s28, $0x2000b8;
	[tilespmem:$0x8100] =	vst v63  }
0x61: {  	_ =	swait.ge [sflag:s8], $0x4000  }
0x62: {  	[sflag:s8] =	ssyncset.done $0x0  }
0x63: {  	p5 =	por p3, p3;
	p6 =	seq.s32 s12, $0x1;
	[sflag:s8] =	ssyncadd.s32 $0xFFFFC000  }
0x64: {  	s11 =	sadd.s32 s4, s11;
	p0 =	por p6, p5;
	_ =	strace $0x9000005F  }
0x65: {  	s11 =	sshll.u32 @p0 s11, $0xB;
	_ =	strace @p0 $0x80000060  }
0x66: {  	s13 =	sadd.s32 s21, s13;
	s11 =	sand.u32 @p0 $0x1FFFF800, s11;
	s12 =	rddreg [dreg:$0x5]  }
0x67: {  	s14 =	sadd.s32 @p0 $0x3, s14;
	s11 =	sadd.s32 @p0 s12, s11;
	s12 =	simm.s32 @p0 $0x0  }
0x68: {  	[hbm4b:s11+s12] =	stream.linear.scatter @p0 [tilespmem:s18], [sflag:s14], $0x4000, $0x200038;
	[tilespmem:$0x8100] =	vst v63  }
0x69: {  	p1 =	por p2, p2;
	s11 =	sand.u32 @!p2 $0x1, s13;
	_ =	strace @p0 $0x90000060  }
0x6a: {  	s11 =	sadd.s32 @!p1 $0x3, s11;
	_ =	strace @!p1 $0x80000061  }
0x6b: {  	_ =	swait.ge @!p1 [sflag:s11], $0x4000  }
0x6c: {  	[sflag:s11] =	ssyncset.done @!p1 $0x0  }
0x6d: {  	s10 =	sadd.s32 $0x1, s10;
	[sflag:s11] =	ssyncadd.s32 @!p1 $0xFFFFC000  }
0x6e: {  	p0 =	sne.s32 s10, s6;
	_ =	strace @!p1 $0x90000061  }
.Ltmp1:
0x6f: {  	_ =	strace $0x80000062;
	(pc) =	sbr.rel @p0 .LBB2_1-.Ltmp1, $4  }
0x70: {  	_ =	swait.ge [sflag:s9], $0x4000  }
0x71: {  	[sflag:s9] =	ssyncset.done $0x0  }
0x72: {  	[sflag:s9] =	ssyncadd.s32 $0xFFFFC000  }
0x73: {  	_ =	strace $0x90000062  }
0x74: {  	_ =	sfence.sel $0x180000  }
0x75: {  	[bflag:$0x0] =	sbarrier.arrive $0xFFFF  }
0x76: {  	p0 =	sne.s32 s2, $0x0;
	_ =	strace $0x9000005B  }
0x77: {  	s0 =	sadd.s32 @!p0 $0x100000, s0;
	[bflag:$0x2] =	sbarrier.arrive $0xFFFF  }
0x78: {  	[sflag:s0] =	ssyncadd.tile.s32 @!p0 $0x1;
	_ =	shalt  }
.Lfunc_end2:
_tile_overlayer_lowered:
.L_overlay_start_2:
0x79: {  	(tag) =	ssettag $0x2  }
0x7a: {  	s0 =	rddreg [dreg:$0x0];
	s2 =	stileid.u32  }
0x7b: {  	s1 =	rddreg [dreg:$0x1];
	p0 =	sne.s32 s2, $0x0  }
0x7c: {  	s3 =	rddreg [dreg:$0x2];
	[bflag:$0x3] =	sbarrier.arrive $0xFFFF;
	s2 =	simm.s32 @!p0 $0x1C01  }
0x7d: {  	[timem:s3], [sflag:s2] =	dma.local @!p0 [hbm:s0], s1  }
0x7e: {  	s0 =	simm.s32 @!p0 $0x1  }
0x7f: {  	_ =	swait.ge @!p0 [sflag:s0], s1  }
0x80: {  	s1 =	ssub.s32 @!p0 $0x0, s1;
	[sflag:s0] =	ssyncset.done @!p0 $0x0  }
0x81: {  	[sflag:s0] =	ssyncadd.s32 @!p0 s1  }
0x82: {  	[bflag:$0x3] =	sbarrier.arrive $0xFFFF  }
0x83: {  	_ =	shalt  }

</sc_bundles>
